<compile_context>
chip_gen: v7x
topology: tpu7x:2x2x1
jax: 0.10.2.dev20260603
libtpu: 0.0.44.dev20260713+nightly
codegen_flags: <defaults>
</compile_context>

<pallas_src>
import functools

import jax
import jax.numpy as jnp
from jax import lax
from jax.experimental import pallas as pl
from jax.experimental.pallas import tpu as pltpu
from jax.experimental.pallas import tpu_sc as plsc

DRUG = 2000
GENE = 8000
N = DRUG + GENE
LATDIM = 128
E = 320000

NC = 2
NS = 16
NW = NC * NS
EPW = E // NW
CH = 80
NCHUNK = EPW // CH
STRIPE = 640
SBLK = 80


def _sc_spmm_body(col_hbm, row_hbm, val_hbm, prev_hbm, out_hbm,
                  idx_all, ridx_all, val_c, rows, acc, sem):
    cid = lax.axis_index("c")
    sid = lax.axis_index("s")
    wid = cid * NS + sid

    def _zero_row(i, _):
        for s8 in range(8):
            rows[i, pl.ds(s8 * 16, 16)] = jnp.zeros((16,), jnp.float32)
        return 0
    lax.fori_loop(0, SBLK, _zero_row, 0)
    for j in range(STRIPE // SBLK):
        @pl.when(jnp.logical_or(sid < NS - 1, j < 5))
        def _():
            pltpu.sync_copy(rows, acc.at[pl.ds(sid * STRIPE + j * SBLK,
                                               SBLK)])
    plsc.subcore_barrier()

    pltpu.sync_copy(col_hbm.at[wid], idx_all)
    pltpu.sync_copy(row_hbm.at[wid], ridx_all)

    def _chunk(ch, _):
        pltpu.sync_copy(val_hbm.at[pl.ds(wid * EPW + ch * CH, CH)], val_c)
        pltpu.async_copy(prev_hbm.at[idx_all.at[ch]], rows, sem).wait()

        def _scale(g, _):
            for u in range(4):
                e = g * 4 + u
                vv = plsc.load_gather(
                    val_c, [jnp.full((16,), e, jnp.int32)])
                for s8 in range(8):
                    rows[e, pl.ds(s8 * 16, 16)] = (
                        rows[e, pl.ds(s8 * 16, 16)] * vv)
            return 0
        lax.fori_loop(0, CH // 4, _scale, 0)

        pltpu.sync_copy(rows, acc.at[ridx_all.at[ch]], add=True)
        return 0
    lax.fori_loop(0, NCHUNK, _chunk, 0)

    plsc.subcore_barrier()
    for j in range(STRIPE // SBLK):
        @pl.when(jnp.logical_or(sid < NS - 1, j < 5))
        def _():
            r0 = sid * STRIPE + j * SBLK
            pltpu.sync_copy(acc.at[pl.ds(r0, SBLK)],
                            out_hbm.at[cid, pl.ds(r0, SBLK)])


_sc_spmm = functools.partial(
    pl.kernel,
    out_type=jax.ShapeDtypeStruct((NC, N, LATDIM), jnp.float32),
    mesh=plsc.VectorSubcoreMesh(core_axis_name="c", subcore_axis_name="s"),
    compiler_params=pltpu.CompilerParams(needs_layout_passes=False),
    scratch_types=[
        pltpu.VMEM((NCHUNK, CH), jnp.int32),
        pltpu.VMEM((NCHUNK, CH), jnp.int32),
        pltpu.VMEM((CH,), jnp.float32),
        pltpu.VMEM((CH, LATDIM), jnp.float32),
        pltpu.VMEM_SHARED((N, LATDIM), jnp.float32),
        pltpu.SemaphoreType.DMA,
    ],
)(_sc_spmm_body)


def _spmm(col2d, row2d, val2d, prev):
    return _sc_spmm(col2d, row2d, val2d, prev)


def _l2n(x):
    nrm = jnp.sqrt(jnp.sum(x * x, axis=1, keepdims=True))
    return x / jnp.maximum(nrm, 1e-12)


def _prep_body(de_ref, dh_ref, ge_ref, gh_ref, ddh_ref, ggh_ref):
    ddh_ref[...] = jnp.dot(de_ref[...], dh_ref[...],
                           preferred_element_type=jnp.float32)
    ggh_ref[...] = jnp.dot(ge_ref[...], gh_ref[...],
                           preferred_element_type=jnp.float32)


def _tc_prep(dE, dHyper, gE, gHyper):
    return pl.pallas_call(
        _prep_body,
        out_shape=(jax.ShapeDtypeStruct((DRUG, LATDIM), jnp.float32),
                   jax.ShapeDtypeStruct((GENE, LATDIM), jnp.float32)),
    )(dE, dHyper, gE, gHyper)


def _hyper_body(ddh_ref, ggh_ref, prev_ref, hyp_ref):
    ddh = ddh_ref[...]
    ggh = ggh_ref[...]
    pd = prev_ref[0:DRUG, :]
    pg = prev_ref[DRUG:N, :]
    td = lax.dot_general(ddh, pd, (((0,), (0,)), ((), ())),
                         preferred_element_type=jnp.float32)
    tg = lax.dot_general(ggh, pg, (((0,), (0,)), ((), ())),
                         preferred_element_type=jnp.float32)
    hyp_ref[0:DRUG, :] = _l2n(jnp.dot(ddh, td,
                                      preferred_element_type=jnp.float32))
    hyp_ref[DRUG:N, :] = _l2n(jnp.dot(ggh, tg,
                                      preferred_element_type=jnp.float32))


def _tc_hyper(ddh, ggh, prev):
    return pl.pallas_call(
        _hyper_body,
        out_shape=jax.ShapeDtypeStruct((N, LATDIM), jnp.float32),
    )(ddh, ggh, prev)


def _combine1_body(p_ref, hyp_ref, gcn_ref, new_ref):
    gcn = _l2n(p_ref[0] + p_ref[1])
    gcn_ref[...] = gcn
    new_ref[...] = gcn + hyp_ref[...]


def _tc_combine1(partials, hyp):
    return pl.pallas_call(
        _combine1_body,
        out_shape=(jax.ShapeDtypeStruct((N, LATDIM), jnp.float32),
                   jax.ShapeDtypeStruct((N, LATDIM), jnp.float32)),
    )(partials, hyp)


def _combine2_body(p_ref, hyp_ref, emb_ref, new1_ref,
                   gcn_ref, new_ref, out_ref):
    gcn = _l2n(p_ref[0] + p_ref[1])
    gcn_ref[...] = gcn
    new2 = gcn + hyp_ref[...]
    new_ref[...] = new2
    out_ref[...] = emb_ref[...] + new1_ref[...] + new2


def _tc_combine2(partials, hyp, embeds, new1):
    return pl.pallas_call(
        _combine2_body,
        out_shape=(jax.ShapeDtypeStruct((N, LATDIM), jnp.float32),
                   jax.ShapeDtypeStruct((N, LATDIM), jnp.float32),
                   jax.ShapeDtypeStruct((N, LATDIM), jnp.float32)),
    )(partials, hyp, embeds, new1)


def kernel(edge_index, adj_values, dEmbeds, gEmbeds, dHyper, gHyper, keepRate):
    del keepRate
    embeds = jnp.concatenate([dEmbeds, gEmbeds], axis=0)
    row2d = edge_index[0].reshape(NW, NCHUNK, CH)
    col2d = edge_index[1].reshape(NW, NCHUNK, CH)
    val2d = adj_values

    ddh, ggh = _tc_prep(dEmbeds, dHyper, gEmbeds, gHyper)

    partials1 = _spmm(col2d, row2d, val2d, embeds)
    hyp1 = _tc_hyper(ddh, ggh, embeds)
    gcn1, new1 = _tc_combine1(partials1, hyp1)

    partials2 = _spmm(col2d, row2d, val2d, new1)
    hyp2 = _tc_hyper(ddh, ggh, new1)
    gcn2, new2, out = _tc_combine2(partials2, hyp2, embeds, new1)

    gcn_stack = jnp.stack([embeds, gcn1, gcn2])
    hyp_stack = jnp.stack([embeds, hyp1, hyp2])
    return (out, gcn_stack, hyp_stack)

# --- scband reference (transcript-rebuilt; emitter-appended) ---
"""Pipeline reference for scband-model-14860586844298 (READ-ONLY COPY).

The authoritative reference and input builder live on the scoring server;
editing this copy changes nothing except your own understanding.
"""

import jax, jax.numpy as jnp
import numpy as np

DRUG = 2000
GENE = 8000
N = DRUG + GENE
LATDIM = 128
HYPERNUM = 128
GNN_LAYER = 2
E = 320000


def l2_norm(x):
    return x / jnp.maximum(jnp.linalg.norm(x, axis=1, keepdims=True), 1e-12)


def setup_inputs(seed: int = 0) -> dict:
    key = jax.random.key(seed)
    k1, k2, k3, k4, k5, k6 = jax.random.split(key, 6)
    edge_index = jax.random.randint(k1, (2, E), 0, N).astype(jnp.int32)
    adj_values = jax.random.uniform(k2, (E,), dtype=jnp.float32)
    dEmbeds = jax.random.normal(k3, (DRUG, LATDIM), dtype=jnp.float32) * 0.1
    gEmbeds = jax.random.normal(k4, (GENE, LATDIM), dtype=jnp.float32) * 0.1
    dHyper = jax.random.normal(k5, (LATDIM, HYPERNUM), dtype=jnp.float32) * 0.1
    gHyper = jax.random.normal(k6, (LATDIM, HYPERNUM), dtype=jnp.float32) * 0.1
    return {
        "edge_index": edge_index,
        "adj_values": adj_values,
        "dEmbeds": dEmbeds,
        "gEmbeds": gEmbeds,
        "dHyper": dHyper,
        "gHyper": gHyper,
        "keepRate": 1,
    }


def reference(edge_index, adj_values, dEmbeds, gEmbeds, dHyper, gHyper, keepRate):
    # keepRate == 1.0 -> SpAdjDropEdge is identity (no edge dropping, deterministic)
    embeds = jnp.concatenate([dEmbeds, gEmbeds], axis=0)
    embedsLst = [embeds]
    gcnEmbedsLst = [embeds]
    hyperEmbedsLst = [embeds]
    # args.dense == True
    ddHyper = dEmbeds @ dHyper  # [DRUG, HYPERNUM]
    ggHyper = gEmbeds @ gHyper  # [GENE, HYPERNUM]
    row = edge_index[0]
    col = edge_index[1]
    for _ in range(GNN_LAYER):
        prev = embedsLst[-1]
        # GCNLayer: l2_norm(spmm(adj, embeds)); adj @ x with adj COO (row, col, vals)
        msgs = adj_values[:, None] * jnp.take(prev, col, axis=0)
        gcn = jax.ops.segment_sum(msgs, row, num_segments=N)
        gcn = l2_norm(gcn)
        # HGNNLayer: ret = adj @ (adj.T @ embeds)
        hd = l2_norm(ddHyper @ (ddHyper.T @ prev[:DRUG]))
        hg = l2_norm(ggHyper @ (ggHyper.T @ prev[DRUG:]))
        hyp = jnp.concatenate([hd, hg], axis=0)
        gcnEmbedsLst.append(gcn)
        hyperEmbedsLst.append(hyp)
        embedsLst.append(gcn + hyp)
    out = embedsLst[0]
    for e in embedsLst[1:]:
        out = out + e
    return (out, jnp.stack(gcnEmbedsLst), jnp.stack(hyperEmbedsLst))

if __name__ == "__main__":
    import jax
    _d = setup_inputs()
    print(jax.jit(kernel)(*tuple(_d.values())))

</pallas_src>

<mosaic_0001>
#map = affine_map<(d0, d1) -> (0, 0, 0)>
#map1 = affine_map<(d0, d1) -> (0)>
#map2 = affine_map<(d0, d1) -> (0, 0)>
module attributes {stable_mosaic.version = 14 : i64} {
  func.func @_sc_spmm_body(%arg0: i32, %arg1: i32, %arg2: memref<32x125x80xi32, #tpu.memory_space<hbm>>, %arg3: memref<32x125x80xi32, #tpu.memory_space<hbm>>, %arg4: memref<320000xf32, #tpu.memory_space<hbm>>, %arg5: memref<10000x128xf32, #tpu.memory_space<hbm>>, %arg6: memref<2x10000x128xf32, #tpu.memory_space<hbm>>, %arg7: memref<125x80xi32, #tpu.memory_space<vmem>>, %arg8: memref<125x80xi32, #tpu.memory_space<vmem>>, %arg9: memref<80xf32, #tpu.memory_space<vmem>>, %arg10: memref<80x128xf32, #tpu.memory_space<vmem>>, %arg11: memref<10000x128xf32, #tpu.memory_space<vmem_shared>>, %arg12: memref<!tpu.dma_semaphore, #tpu.memory_space<semaphore_mem>>) attributes {dimension_semantics = [#tpu.dimension_semantics<core_parallel>, #tpu.dimension_semantics<subcore_parallel>], iteration_bounds = array<i64: 2, 16>, scalar_prefetch = 0 : i64, scratch_operands = 6 : i64, tpu.core_type = #tpu.core_type<sc_vector_subcore>, window_params = [{transform_indices = #map}, {transform_indices = #map}, {transform_indices = #map1}, {transform_indices = #map2}, {transform_indices = #map}]} {
    %mul3A = arith.constant 16 : i32
    %mul3A_0 = arith.muli %arg0, %mul3A : i32
    %add3A = arith.addi %mul3A_0, %arg1 : i32
    %scan3A = arith.constant 0 : i32
    %scan3A_1 = arith.constant 0 : i32
    %scan3A_2 = arith.constant 80 : i32
    %scan3A_3 = arith.addi %scan3A_1, %scan3A_2 : i32
    %scan3A_4 = arith.constant 1 : i32
    %scan3A_5 = scf.for %scan3A_123 = %scan3A_1 to %scan3A_3 step %scan3A_4 iter_args(%scan3A_124 = %scan3A) -> (i32)  : i32 {
      %broadcast_in_dim3A = arith.constant 0.000000e+00 : f32
      %broadcast_in_dim3A_125 = vector.broadcast %broadcast_in_dim3A : f32 to vector<16xf32>
      %swap3A = arith.index_cast %scan3A_123 : i32 to index
      %swap3A_126 = arith.constant 0 : index
      %swap3A_127 = tpu.vector_load %arg10[%swap3A, %swap3A_126] {strides = array<i32>} : memref<80x128xf32, #tpu.memory_space<vmem>>, vector<16xf32>,
      tpu.vector_store %arg10[%swap3A, %swap3A_126], %broadcast_in_dim3A_125 {strides = array<i32>} : memref<80x128xf32, #tpu.memory_space<vmem>>, vector<16xf32>,
      %broadcast_in_dim3A_128 = arith.constant 0.000000e+00 : f32
      %broadcast_in_dim3A_129 = vector.broadcast %broadcast_in_dim3A_128 : f32 to vector<16xf32>
      %swap3A_130 = arith.index_cast %scan3A_123 : i32 to index
      %swap3A_131 = arith.constant 16 : index
      %swap3A_132 = tpu.vector_load %arg10[%swap3A_130, %swap3A_131] {strides = array<i32>} : memref<80x128xf32, #tpu.memory_space<vmem>>, vector<16xf32>,
      tpu.vector_store %arg10[%swap3A_130, %swap3A_131], %broadcast_in_dim3A_129 {strides = array<i32>} : memref<80x128xf32, #tpu.memory_space<vmem>>, vector<16xf32>,
      %broadcast_in_dim3A_133 = arith.constant 0.000000e+00 : f32
      %broadcast_in_dim3A_134 = vector.broadcast %broadcast_in_dim3A_133 : f32 to vector<16xf32>
      %swap3A_135 = arith.index_cast %scan3A_123 : i32 to index
      %swap3A_136 = arith.constant 32 : index
      %swap3A_137 = tpu.vector_load %arg10[%swap3A_135, %swap3A_136] {strides = array<i32>} : memref<80x128xf32, #tpu.memory_space<vmem>>, vector<16xf32>,
      tpu.vector_store %arg10[%swap3A_135, %swap3A_136], %broadcast_in_dim3A_134 {strides = array<i32>} : memref<80x128xf32, #tpu.memory_space<vmem>>, vector<16xf32>,
      %broadcast_in_dim3A_138 = arith.constant 0.000000e+00 : f32
      %broadcast_in_dim3A_139 = vector.broadcast %broadcast_in_dim3A_138 : f32 to vector<16xf32>
      %swap3A_140 = arith.index_cast %scan3A_123 : i32 to index
      %swap3A_141 = arith.constant 48 : index
      %swap3A_142 = tpu.vector_load %arg10[%swap3A_140, %swap3A_141] {strides = array<i32>} : memref<80x128xf32, #tpu.memory_space<vmem>>, vector<16xf32>,
      tpu.vector_store %arg10[%swap3A_140, %swap3A_141], %broadcast_in_dim3A_139 {strides = array<i32>} : memref<80x128xf32, #tpu.memory_space<vmem>>, vector<16xf32>,
      %broadcast_in_dim3A_143 = arith.constant 0.000000e+00 : f32
      %broadcast_in_dim3A_144 = vector.broadcast %broadcast_in_dim3A_143 : f32 to vector<16xf32>
      %swap3A_145 = arith.index_cast %scan3A_123 : i32 to index
      %swap3A_146 = arith.constant 64 : index
      %swap3A_147 = tpu.vector_load %arg10[%swap3A_145, %swap3A_146] {strides = array<i32>} : memref<80x128xf32, #tpu.memory_space<vmem>>, vector<16xf32>,
      tpu.vector_store %arg10[%swap3A_145, %swap3A_146], %broadcast_in_dim3A_144 {strides = array<i32>} : memref<80x128xf32, #tpu.memory_space<vmem>>, vector<16xf32>,
      %broadcast_in_dim3A_148 = arith.constant 0.000000e+00 : f32
      %broadcast_in_dim3A_149 = vector.broadcast %broadcast_in_dim3A_148 : f32 to vector<16xf32>
      %swap3A_150 = arith.index_cast %scan3A_123 : i32 to index
      %swap3A_151 = arith.constant 80 : index
      %swap3A_152 = tpu.vector_load %arg10[%swap3A_150, %swap3A_151] {strides = array<i32>} : memref<80x128xf32, #tpu.memory_space<vmem>>, vector<16xf32>,
      tpu.vector_store %arg10[%swap3A_150, %swap3A_151], %broadcast_in_dim3A_149 {strides = array<i32>} : memref<80x128xf32, #tpu.memory_space<vmem>>, vector<16xf32>,
      %broadcast_in_dim3A_153 = arith.constant 0.000000e+00 : f32
      %broadcast_in_dim3A_154 = vector.broadcast %broadcast_in_dim3A_153 : f32 to vector<16xf32>
      %swap3A_155 = arith.index_cast %scan3A_123 : i32 to index
      %swap3A_156 = arith.constant 96 : index
      %swap3A_157 = tpu.vector_load %arg10[%swap3A_155, %swap3A_156] {strides = array<i32>} : memref<80x128xf32, #tpu.memory_space<vmem>>, vector<16xf32>,
      tpu.vector_store %arg10[%swap3A_155, %swap3A_156], %broadcast_in_dim3A_154 {strides = array<i32>} : memref<80x128xf32, #tpu.memory_space<vmem>>, vector<16xf32>,
      %broadcast_in_dim3A_158 = arith.constant 0.000000e+00 : f32
      %broadcast_in_dim3A_159 = vector.broadcast %broadcast_in_dim3A_158 : f32 to vector<16xf32>
      %swap3A_160 = arith.index_cast %scan3A_123 : i32 to index
      %swap3A_161 = arith.constant 112 : index
      %swap3A_162 = tpu.vector_load %arg10[%swap3A_160, %swap3A_161] {strides = array<i32>} : memref<80x128xf32, #tpu.memory_space<vmem>>, vector<16xf32>,
      tpu.vector_store %arg10[%swap3A_160, %swap3A_161], %broadcast_in_dim3A_159 {strides = array<i32>} : memref<80x128xf32, #tpu.memory_space<vmem>>, vector<16xf32>,
      %scan3A_163 = arith.constant 0 : i32
      scf.yield %scan3A_163 : i32
    }
    %scan3A_6 = arith.constant 80 : i32
    %lt3A = arith.constant 15 : i32
    %lt3A_7 = arith.cmpi slt, %arg1, %lt3A : i32
    %or3A = arith.constant true
    %or3A_8 = arith.ori %lt3A_7, %or3A : i1
    %convert_element_type3A = arith.extui %or3A_8 : i1 to i32
    %cond3A = arith.constant 0 : i32
    %cond3A_9 = arith.cmpi ne, %convert_element_type3A, %cond3A : i32
    scf.if %cond3A_9 {
      %mul3A_123 = arith.constant 640 : i32
      %mul3A_124 = arith.muli %arg1, %mul3A_123 : i32
      %add3A_125 = arith.constant 0 : i32
      %add3A_126 = arith.addi %mul3A_124, %add3A_125 : i32
      "tpu.region"() ({
        %run_scoped3A = tpu.sem_alloc : memref<!tpu.dma_semaphore, #tpu.memory_space<semaphore_mem>>
        %dma_start3A = arith.constant 0 : i32
        %dma_start3A_127 = tpu.memref_slice %arg11[%add3A_126, %dma_start3A] : memref<10000x128xf32, #tpu.memory_space<vmem_shared>> -> memref<80x128xf32, #tpu.memory_space<vmem_shared>>
        %dma_start3A_128 = arith.constant 0 : i32
        %dma_start3A_129 = tpu.memref_slice %arg11[%add3A_126, %dma_start3A_128] : memref<10000x128xf32, #tpu.memory_space<vmem_shared>> -> memref<80x128xf32, #tpu.memory_space<vmem_shared>>
        tpu.enqueue_dma source(%arg10 : memref<80x128xf32, #tpu.memory_space<vmem>>) target(%dma_start3A_129 : memref<80x128xf32, #tpu.memory_space<vmem_shared>>) target_semaphore(%run_scoped3A : memref<!tpu.dma_semaphore, #tpu.memory_space<semaphore_mem>>)
        %dma_wait3A = arith.constant 0 : i32
        %dma_wait3A_130 = tpu.memref_slice %arg11[%add3A_126, %dma_wait3A] : memref<10000x128xf32, #tpu.memory_space<vmem_shared>> -> memref<80x128xf32, #tpu.memory_space<vmem_shared>>
        %dma_wait3A_131 = arith.constant 0 : i32
        %dma_wait3A_132 = tpu.memref_slice %arg11[%add3A_126, %dma_wait3A_131] : memref<10000x128xf32, #tpu.memory_space<vmem_shared>> -> memref<80x128xf32, #tpu.memory_space<vmem_shared>>
        tpu.wait_dma2 semaphore(%run_scoped3A : memref<!tpu.dma_semaphore, #tpu.memory_space<semaphore_mem>>) src(%arg10 : memref<80x128xf32, #tpu.memory_space<vmem>>) dst(%dma_wait3A_132 : memref<80x128xf32, #tpu.memory_space<vmem_shared>>)
        tpu.yield
      }) : () -> ()
    } else {
    }
    %lt3A_10 = arith.constant 15 : i32
    %lt3A_11 = arith.cmpi slt, %arg1, %lt3A_10 : i32
    %or3A_12 = arith.constant true
    %or3A_13 = arith.ori %lt3A_11, %or3A_12 : i1
    %convert_element_type3A_14 = arith.extui %or3A_13 : i1 to i32
    %cond3A_15 = arith.constant 0 : i32
    %cond3A_16 = arith.cmpi ne, %convert_element_type3A_14, %cond3A_15 : i32
    scf.if %cond3A_16 {
      %mul3A_123 = arith.constant 640 : i32
      %mul3A_124 = arith.muli %arg1, %mul3A_123 : i32
      %add3A_125 = arith.constant 80 : i32
      %add3A_126 = arith.addi %mul3A_124, %add3A_125 : i32
      "tpu.region"() ({
        %run_scoped3A = tpu.sem_alloc : memref<!tpu.dma_semaphore, #tpu.memory_space<semaphore_mem>>
        %dma_start3A = arith.constant 0 : i32
        %dma_start3A_127 = tpu.memref_slice %arg11[%add3A_126, %dma_start3A] : memref<10000x128xf32, #tpu.memory_space<vmem_shared>> -> memref<80x128xf32, #tpu.memory_space<vmem_shared>>
        %dma_start3A_128 = arith.constant 0 : i32
        %dma_start3A_129 = tpu.memref_slice %arg11[%add3A_126, %dma_start3A_128] : memref<10000x128xf32, #tpu.memory_space<vmem_shared>> -> memref<80x128xf32, #tpu.memory_space<vmem_shared>>
        tpu.enqueue_dma source(%arg10 : memref<80x128xf32, #tpu.memory_space<vmem>>) target(%dma_start3A_129 : memref<80x128xf32, #tpu.memory_space<vmem_shared>>) target_semaphore(%run_scoped3A : memref<!tpu.dma_semaphore, #tpu.memory_space<semaphore_mem>>)
        %dma_wait3A = arith.constant 0 : i32
        %dma_wait3A_130 = tpu.memref_slice %arg11[%add3A_126, %dma_wait3A] : memref<10000x128xf32, #tpu.memory_space<vmem_shared>> -> memref<80x128xf32, #tpu.memory_space<vmem_shared>>
        %dma_wait3A_131 = arith.constant 0 : i32
        %dma_wait3A_132 = tpu.memref_slice %arg11[%add3A_126, %dma_wait3A_131] : memref<10000x128xf32, #tpu.memory_space<vmem_shared>> -> memref<80x128xf32, #tpu.memory_space<vmem_shared>>
        tpu.wait_dma2 semaphore(%run_scoped3A : memref<!tpu.dma_semaphore, #tpu.memory_space<semaphore_mem>>) src(%arg10 : memref<80x128xf32, #tpu.memory_space<vmem>>) dst(%dma_wait3A_132 : memref<80x128xf32, #tpu.memory_space<vmem_shared>>)
        tpu.yield
      }) : () -> ()
    } else {
    }
    %lt3A_17 = arith.constant 15 : i32
    %lt3A_18 = arith.cmpi slt, %arg1, %lt3A_17 : i32
    %or3A_19 = arith.constant true
    %or3A_20 = arith.ori %lt3A_18, %or3A_19 : i1
    %convert_element_type3A_21 = arith.extui %or3A_20 : i1 to i32
    %cond3A_22 = arith.constant 0 : i32
    %cond3A_23 = arith.cmpi ne, %convert_element_type3A_21, %cond3A_22 : i32
    scf.if %cond3A_23 {
      %mul3A_123 = arith.constant 640 : i32
      %mul3A_124 = arith.muli %arg1, %mul3A_123 : i32
      %add3A_125 = arith.constant 160 : i32
      %add3A_126 = arith.addi %mul3A_124, %add3A_125 : i32
      "tpu.region"() ({
        %run_scoped3A = tpu.sem_alloc : memref<!tpu.dma_semaphore, #tpu.memory_space<semaphore_mem>>
        %dma_start3A = arith.constant 0 : i32
        %dma_start3A_127 = tpu.memref_slice %arg11[%add3A_126, %dma_start3A] : memref<10000x128xf32, #tpu.memory_space<vmem_shared>> -> memref<80x128xf32, #tpu.memory_space<vmem_shared>>
        %dma_start3A_128 = arith.constant 0 : i32
        %dma_start3A_129 = tpu.memref_slice %arg11[%add3A_126, %dma_start3A_128] : memref<10000x128xf32, #tpu.memory_space<vmem_shared>> -> memref<80x128xf32, #tpu.memory_space<vmem_shared>>
        tpu.enqueue_dma source(%arg10 : memref<80x128xf32, #tpu.memory_space<vmem>>) target(%dma_start3A_129 : memref<80x128xf32, #tpu.memory_space<vmem_shared>>) target_semaphore(%run_scoped3A : memref<!tpu.dma_semaphore, #tpu.memory_space<semaphore_mem>>)
        %dma_wait3A = arith.constant 0 : i32
        %dma_wait3A_130 = tpu.memref_slice %arg11[%add3A_126, %dma_wait3A] : memref<10000x128xf32, #tpu.memory_space<vmem_shared>> -> memref<80x128xf32, #tpu.memory_space<vmem_shared>>
        %dma_wait3A_131 = arith.constant 0 : i32
        %dma_wait3A_132 = tpu.memref_slice %arg11[%add3A_126, %dma_wait3A_131] : memref<10000x128xf32, #tpu.memory_space<vmem_shared>> -> memref<80x128xf32, #tpu.memory_space<vmem_shared>>
        tpu.wait_dma2 semaphore(%run_scoped3A : memref<!tpu.dma_semaphore, #tpu.memory_space<semaphore_mem>>) src(%arg10 : memref<80x128xf32, #tpu.memory_space<vmem>>) dst(%dma_wait3A_132 : memref<80x128xf32, #tpu.memory_space<vmem_shared>>)
        tpu.yield
      }) : () -> ()
    } else {
    }
    %lt3A_24 = arith.constant 15 : i32
    %lt3A_25 = arith.cmpi slt, %arg1, %lt3A_24 : i32
    %or3A_26 = arith.constant true
    %or3A_27 = arith.ori %lt3A_25, %or3A_26 : i1
    %convert_element_type3A_28 = arith.extui %or3A_27 : i1 to i32
    %cond3A_29 = arith.constant 0 : i32
    %cond3A_30 = arith.cmpi ne, %convert_element_type3A_28, %cond3A_29 : i32
    scf.if %cond3A_30 {
      %mul3A_123 = arith.constant 640 : i32
      %mul3A_124 = arith.muli %arg1, %mul3A_123 : i32
      %add3A_125 = arith.constant 240 : i32
      %add3A_126 = arith.addi %mul3A_124, %add3A_125 : i32
      "tpu.region"() ({
        %run_scoped3A = tpu.sem_alloc : memref<!tpu.dma_semaphore, #tpu.memory_space<semaphore_mem>>
        %dma_start3A = arith.constant 0 : i32
        %dma_start3A_127 = tpu.memref_slice %arg11[%add3A_126, %dma_start3A] : memref<10000x128xf32, #tpu.memory_space<vmem_shared>> -> memref<80x128xf32, #tpu.memory_space<vmem_shared>>
        %dma_start3A_128 = arith.constant 0 : i32
        %dma_start3A_129 = tpu.memref_slice %arg11[%add3A_126, %dma_start3A_128] : memref<10000x128xf32, #tpu.memory_space<vmem_shared>> -> memref<80x128xf32, #tpu.memory_space<vmem_shared>>
        tpu.enqueue_dma source(%arg10 : memref<80x128xf32, #tpu.memory_space<vmem>>) target(%dma_start3A_129 : memref<80x128xf32, #tpu.memory_space<vmem_shared>>) target_semaphore(%run_scoped3A : memref<!tpu.dma_semaphore, #tpu.memory_space<semaphore_mem>>)
        %dma_wait3A = arith.constant 0 : i32
        %dma_wait3A_130 = tpu.memref_slice %arg11[%add3A_126, %dma_wait3A] : memref<10000x128xf32, #tpu.memory_space<vmem_shared>> -> memref<80x128xf32, #tpu.memory_space<vmem_shared>>
        %dma_wait3A_131 = arith.constant 0 : i32
        %dma_wait3A_132 = tpu.memref_slice %arg11[%add3A_126, %dma_wait3A_131] : memref<10000x128xf32, #tpu.memory_space<vmem_shared>> -> memref<80x128xf32, #tpu.memory_space<vmem_shared>>
        tpu.wait_dma2 semaphore(%run_scoped3A : memref<!tpu.dma_semaphore, #tpu.memory_space<semaphore_mem>>) src(%arg10 : memref<80x128xf32, #tpu.memory_space<vmem>>) dst(%dma_wait3A_132 : memref<80x128xf32, #tpu.memory_space<vmem_shared>>)
        tpu.yield
      }) : () -> ()
    } else {
    }
    %lt3A_31 = arith.constant 15 : i32
    %lt3A_32 = arith.cmpi slt, %arg1, %lt3A_31 : i32
    %or3A_33 = arith.constant true
    %or3A_34 = arith.ori %lt3A_32, %or3A_33 : i1
    %convert_element_type3A_35 = arith.extui %or3A_34 : i1 to i32
    %cond3A_36 = arith.constant 0 : i32
    %cond3A_37 = arith.cmpi ne, %convert_element_type3A_35, %cond3A_36 : i32
    scf.if %cond3A_37 {
      %mul3A_123 = arith.constant 640 : i32
      %mul3A_124 = arith.muli %arg1, %mul3A_123 : i32
      %add3A_125 = arith.constant 320 : i32
      %add3A_126 = arith.addi %mul3A_124, %add3A_125 : i32
      "tpu.region"() ({
        %run_scoped3A = tpu.sem_alloc : memref<!tpu.dma_semaphore, #tpu.memory_space<semaphore_mem>>
        %dma_start3A = arith.constant 0 : i32
        %dma_start3A_127 = tpu.memref_slice %arg11[%add3A_126, %dma_start3A] : memref<10000x128xf32, #tpu.memory_space<vmem_shared>> -> memref<80x128xf32, #tpu.memory_space<vmem_shared>>
        %dma_start3A_128 = arith.constant 0 : i32
        %dma_start3A_129 = tpu.memref_slice %arg11[%add3A_126, %dma_start3A_128] : memref<10000x128xf32, #tpu.memory_space<vmem_shared>> -> memref<80x128xf32, #tpu.memory_space<vmem_shared>>
        tpu.enqueue_dma source(%arg10 : memref<80x128xf32, #tpu.memory_space<vmem>>) target(%dma_start3A_129 : memref<80x128xf32, #tpu.memory_space<vmem_shared>>) target_semaphore(%run_scoped3A : memref<!tpu.dma_semaphore, #tpu.memory_space<semaphore_mem>>)
        %dma_wait3A = arith.constant 0 : i32
        %dma_wait3A_130 = tpu.memref_slice %arg11[%add3A_126, %dma_wait3A] : memref<10000x128xf32, #tpu.memory_space<vmem_shared>> -> memref<80x128xf32, #tpu.memory_space<vmem_shared>>
        %dma_wait3A_131 = arith.constant 0 : i32
        %dma_wait3A_132 = tpu.memref_slice %arg11[%add3A_126, %dma_wait3A_131] : memref<10000x128xf32, #tpu.memory_space<vmem_shared>> -> memref<80x128xf32, #tpu.memory_space<vmem_shared>>
        tpu.wait_dma2 semaphore(%run_scoped3A : memref<!tpu.dma_semaphore, #tpu.memory_space<semaphore_mem>>) src(%arg10 : memref<80x128xf32, #tpu.memory_space<vmem>>) dst(%dma_wait3A_132 : memref<80x128xf32, #tpu.memory_space<vmem_shared>>)
        tpu.yield
      }) : () -> ()
    } else {
    }
    %lt3A_38 = arith.constant 15 : i32
    %lt3A_39 = arith.cmpi slt, %arg1, %lt3A_38 : i32
    %or3A_40 = arith.constant false
    %or3A_41 = arith.ori %lt3A_39, %or3A_40 : i1
    %convert_element_type3A_42 = arith.extui %or3A_41 : i1 to i32
    %cond3A_43 = arith.constant 0 : i32
    %cond3A_44 = arith.cmpi ne, %convert_element_type3A_42, %cond3A_43 : i32
    scf.if %cond3A_44 {
      %mul3A_123 = arith.constant 640 : i32
      %mul3A_124 = arith.muli %arg1, %mul3A_123 : i32
      %add3A_125 = arith.constant 400 : i32
      %add3A_126 = arith.addi %mul3A_124, %add3A_125 : i32
      "tpu.region"() ({
        %run_scoped3A = tpu.sem_alloc : memref<!tpu.dma_semaphore, #tpu.memory_space<semaphore_mem>>
        %dma_start3A = arith.constant 0 : i32
        %dma_start3A_127 = tpu.memref_slice %arg11[%add3A_126, %dma_start3A] : memref<10000x128xf32, #tpu.memory_space<vmem_shared>> -> memref<80x128xf32, #tpu.memory_space<vmem_shared>>
        %dma_start3A_128 = arith.constant 0 : i32
        %dma_start3A_129 = tpu.memref_slice %arg11[%add3A_126, %dma_start3A_128] : memref<10000x128xf32, #tpu.memory_space<vmem_shared>> -> memref<80x128xf32, #tpu.memory_space<vmem_shared>>
        tpu.enqueue_dma source(%arg10 : memref<80x128xf32, #tpu.memory_space<vmem>>) target(%dma_start3A_129 : memref<80x128xf32, #tpu.memory_space<vmem_shared>>) target_semaphore(%run_scoped3A : memref<!tpu.dma_semaphore, #tpu.memory_space<semaphore_mem>>)
        %dma_wait3A = arith.constant 0 : i32
        %dma_wait3A_130 = tpu.memref_slice %arg11[%add3A_126, %dma_wait3A] : memref<10000x128xf32, #tpu.memory_space<vmem_shared>> -> memref<80x128xf32, #tpu.memory_space<vmem_shared>>
        %dma_wait3A_131 = arith.constant 0 : i32
        %dma_wait3A_132 = tpu.memref_slice %arg11[%add3A_126, %dma_wait3A_131] : memref<10000x128xf32, #tpu.memory_space<vmem_shared>> -> memref<80x128xf32, #tpu.memory_space<vmem_shared>>
        tpu.wait_dma2 semaphore(%run_scoped3A : memref<!tpu.dma_semaphore, #tpu.memory_space<semaphore_mem>>) src(%arg10 : memref<80x128xf32, #tpu.memory_space<vmem>>) dst(%dma_wait3A_132 : memref<80x128xf32, #tpu.memory_space<vmem_shared>>)
        tpu.yield
      }) : () -> ()
    } else {
    }
    %lt3A_45 = arith.constant 15 : i32
    %lt3A_46 = arith.cmpi slt, %arg1, %lt3A_45 : i32
    %or3A_47 = arith.constant false
    %or3A_48 = arith.ori %lt3A_46, %or3A_47 : i1
    %convert_element_type3A_49 = arith.extui %or3A_48 : i1 to i32
    %cond3A_50 = arith.constant 0 : i32
    %cond3A_51 = arith.cmpi ne, %convert_element_type3A_49, %cond3A_50 : i32
    scf.if %cond3A_51 {
      %mul3A_123 = arith.constant 640 : i32
      %mul3A_124 = arith.muli %arg1, %mul3A_123 : i32
      %add3A_125 = arith.constant 480 : i32
      %add3A_126 = arith.addi %mul3A_124, %add3A_125 : i32
      "tpu.region"() ({
        %run_scoped3A = tpu.sem_alloc : memref<!tpu.dma_semaphore, #tpu.memory_space<semaphore_mem>>
        %dma_start3A = arith.constant 0 : i32
        %dma_start3A_127 = tpu.memref_slice %arg11[%add3A_126, %dma_start3A] : memref<10000x128xf32, #tpu.memory_space<vmem_shared>> -> memref<80x128xf32, #tpu.memory_space<vmem_shared>>
        %dma_start3A_128 = arith.constant 0 : i32
        %dma_start3A_129 = tpu.memref_slice %arg11[%add3A_126, %dma_start3A_128] : memref<10000x128xf32, #tpu.memory_space<vmem_shared>> -> memref<80x128xf32, #tpu.memory_space<vmem_shared>>
        tpu.enqueue_dma source(%arg10 : memref<80x128xf32, #tpu.memory_space<vmem>>) target(%dma_start3A_129 : memref<80x128xf32, #tpu.memory_space<vmem_shared>>) target_semaphore(%run_scoped3A : memref<!tpu.dma_semaphore, #tpu.memory_space<semaphore_mem>>)
        %dma_wait3A = arith.constant 0 : i32
        %dma_wait3A_130 = tpu.memref_slice %arg11[%add3A_126, %dma_wait3A] : memref<10000x128xf32, #tpu.memory_space<vmem_shared>> -> memref<80x128xf32, #tpu.memory_space<vmem_shared>>
        %dma_wait3A_131 = arith.constant 0 : i32
        %dma_wait3A_132 = tpu.memref_slice %arg11[%add3A_126, %dma_wait3A_131] : memref<10000x128xf32, #tpu.memory_space<vmem_shared>> -> memref<80x128xf32, #tpu.memory_space<vmem_shared>>
        tpu.wait_dma2 semaphore(%run_scoped3A : memref<!tpu.dma_semaphore, #tpu.memory_space<semaphore_mem>>) src(%arg10 : memref<80x128xf32, #tpu.memory_space<vmem>>) dst(%dma_wait3A_132 : memref<80x128xf32, #tpu.memory_space<vmem_shared>>)
        tpu.yield
      }) : () -> ()
    } else {
    }
    %lt3A_52 = arith.constant 15 : i32
    %lt3A_53 = arith.cmpi slt, %arg1, %lt3A_52 : i32
    %or3A_54 = arith.constant false
    %or3A_55 = arith.ori %lt3A_53, %or3A_54 : i1
    %convert_element_type3A_56 = arith.extui %or3A_55 : i1 to i32
    %cond3A_57 = arith.constant 0 : i32
    %cond3A_58 = arith.cmpi ne, %convert_element_type3A_56, %cond3A_57 : i32
    scf.if %cond3A_58 {
      %mul3A_123 = arith.constant 640 : i32
      %mul3A_124 = arith.muli %arg1, %mul3A_123 : i32
      %add3A_125 = arith.constant 560 : i32
      %add3A_126 = arith.addi %mul3A_124, %add3A_125 : i32
      "tpu.region"() ({
        %run_scoped3A = tpu.sem_alloc : memref<!tpu.dma_semaphore, #tpu.memory_space<semaphore_mem>>
        %dma_start3A = arith.constant 0 : i32
        %dma_start3A_127 = tpu.memref_slice %arg11[%add3A_126, %dma_start3A] : memref<10000x128xf32, #tpu.memory_space<vmem_shared>> -> memref<80x128xf32, #tpu.memory_space<vmem_shared>>
        %dma_start3A_128 = arith.constant 0 : i32
        %dma_start3A_129 = tpu.memref_slice %arg11[%add3A_126, %dma_start3A_128] : memref<10000x128xf32, #tpu.memory_space<vmem_shared>> -> memref<80x128xf32, #tpu.memory_space<vmem_shared>>
        tpu.enqueue_dma source(%arg10 : memref<80x128xf32, #tpu.memory_space<vmem>>) target(%dma_start3A_129 : memref<80x128xf32, #tpu.memory_space<vmem_shared>>) target_semaphore(%run_scoped3A : memref<!tpu.dma_semaphore, #tpu.memory_space<semaphore_mem>>)
        %dma_wait3A = arith.constant 0 : i32
        %dma_wait3A_130 = tpu.memref_slice %arg11[%add3A_126, %dma_wait3A] : memref<10000x128xf32, #tpu.memory_space<vmem_shared>> -> memref<80x128xf32, #tpu.memory_space<vmem_shared>>
        %dma_wait3A_131 = arith.constant 0 : i32
        %dma_wait3A_132 = tpu.memref_slice %arg11[%add3A_126, %dma_wait3A_131] : memref<10000x128xf32, #tpu.memory_space<vmem_shared>> -> memref<80x128xf32, #tpu.memory_space<vmem_shared>>
        tpu.wait_dma2 semaphore(%run_scoped3A : memref<!tpu.dma_semaphore, #tpu.memory_space<semaphore_mem>>) src(%arg10 : memref<80x128xf32, #tpu.memory_space<vmem>>) dst(%dma_wait3A_132 : memref<80x128xf32, #tpu.memory_space<vmem_shared>>)
        tpu.yield
      }) : () -> ()
    } else {
    }
    %barrier3A = arith.constant 0 : index
    tpu.barrier barrier_id(%barrier3A)
    "tpu.region"() ({
      %run_scoped3A = tpu.sem_alloc : memref<!tpu.dma_semaphore, #tpu.memory_space<semaphore_mem>>
      %dma_start3A = arith.constant 0 : i32
      %dma_start3A_123 = arith.constant 0 : i32
      %dma_start3A_124 = tpu.memref_slice %arg2[%add3A, %dma_start3A, %dma_start3A_123] : memref<32x125x80xi32, #tpu.memory_space<hbm>> -> memref<1x125x80xi32, #tpu.memory_space<hbm>>
      %dma_start3A_125 = tpu.memref_squeeze %dma_start3A_124 : memref<1x125x80xi32, #tpu.memory_space<hbm>> -> memref<125x80xi32, #tpu.memory_space<hbm>>
      %dma_start3A_126 = arith.constant 0 : i32
      %dma_start3A_127 = arith.constant 0 : i32
      %dma_start3A_128 = tpu.memref_slice %arg2[%add3A, %dma_start3A_126, %dma_start3A_127] : memref<32x125x80xi32, #tpu.memory_space<hbm>> -> memref<1x125x80xi32, #tpu.memory_space<hbm>>
      %dma_start3A_129 = tpu.memref_squeeze %dma_start3A_128 : memref<1x125x80xi32, #tpu.memory_space<hbm>> -> memref<125x80xi32, #tpu.memory_space<hbm>>
      tpu.enqueue_dma source(%dma_start3A_129 : memref<125x80xi32, #tpu.memory_space<hbm>>) target(%arg7 : memref<125x80xi32, #tpu.memory_space<vmem>>) target_semaphore(%run_scoped3A : memref<!tpu.dma_semaphore, #tpu.memory_space<semaphore_mem>>)
      %dma_wait3A = arith.constant 0 : i32
      %dma_wait3A_130 = arith.constant 0 : i32
      %dma_wait3A_131 = tpu.memref_slice %arg2[%add3A, %dma_wait3A, %dma_wait3A_130] : memref<32x125x80xi32, #tpu.memory_space<hbm>> -> memref<1x125x80xi32, #tpu.memory_space<hbm>>
      %dma_wait3A_132 = tpu.memref_squeeze %dma_wait3A_131 : memref<1x125x80xi32, #tpu.memory_space<hbm>> -> memref<125x80xi32, #tpu.memory_space<hbm>>
      %dma_wait3A_133 = arith.constant 0 : i32
      %dma_wait3A_134 = arith.constant 0 : i32
      %dma_wait3A_135 = tpu.memref_slice %arg2[%add3A, %dma_wait3A_133, %dma_wait3A_134] : memref<32x125x80xi32, #tpu.memory_space<hbm>> -> memref<1x125x80xi32, #tpu.memory_space<hbm>>
      %dma_wait3A_136 = tpu.memref_squeeze %dma_wait3A_135 : memref<1x125x80xi32, #tpu.memory_space<hbm>> -> memref<125x80xi32, #tpu.memory_space<hbm>>
      tpu.wait_dma2 semaphore(%run_scoped3A : memref<!tpu.dma_semaphore, #tpu.memory_space<semaphore_mem>>) src(%dma_wait3A_136 : memref<125x80xi32, #tpu.memory_space<hbm>>) dst(%arg7 : memref<125x80xi32, #tpu.memory_space<vmem>>)
      tpu.yield
    }) : () -> ()
    "tpu.region"() ({
      %run_scoped3A = tpu.sem_alloc : memref<!tpu.dma_semaphore, #tpu.memory_space<semaphore_mem>>
      %dma_start3A = arith.constant 0 : i32
      %dma_start3A_123 = arith.constant 0 : i32
      %dma_start3A_124 = tpu.memref_slice %arg3[%add3A, %dma_start3A, %dma_start3A_123] : memref<32x125x80xi32, #tpu.memory_space<hbm>> -> memref<1x125x80xi32, #tpu.memory_space<hbm>>
      %dma_start3A_125 = tpu.memref_squeeze %dma_start3A_124 : memref<1x125x80xi32, #tpu.memory_space<hbm>> -> memref<125x80xi32, #tpu.memory_space<hbm>>
      %dma_start3A_126 = arith.constant 0 : i32
      %dma_start3A_127 = arith.constant 0 : i32
      %dma_start3A_128 = tpu.memref_slice %arg3[%add3A, %dma_start3A_126, %dma_start3A_127] : memref<32x125x80xi32, #tpu.memory_space<hbm>> -> memref<1x125x80xi32, #tpu.memory_space<hbm>>
      %dma_start3A_129 = tpu.memref_squeeze %dma_start3A_128 : memref<1x125x80xi32, #tpu.memory_space<hbm>> -> memref<125x80xi32, #tpu.memory_space<hbm>>
      tpu.enqueue_dma source(%dma_start3A_129 : memref<125x80xi32, #tpu.memory_space<hbm>>) target(%arg8 : memref<125x80xi32, #tpu.memory_space<vmem>>) target_semaphore(%run_scoped3A : memref<!tpu.dma_semaphore, #tpu.memory_space<semaphore_mem>>)
      %dma_wait3A = arith.constant 0 : i32
      %dma_wait3A_130 = arith.constant 0 : i32
      %dma_wait3A_131 = tpu.memref_slice %arg3[%add3A, %dma_wait3A, %dma_wait3A_130] : memref<32x125x80xi32, #tpu.memory_space<hbm>> -> memref<1x125x80xi32, #tpu.memory_space<hbm>>
      %dma_wait3A_132 = tpu.memref_squeeze %dma_wait3A_131 : memref<1x125x80xi32, #tpu.memory_space<hbm>> -> memref<125x80xi32, #tpu.memory_space<hbm>>
      %dma_wait3A_133 = arith.constant 0 : i32
      %dma_wait3A_134 = arith.constant 0 : i32
      %dma_wait3A_135 = tpu.memref_slice %arg3[%add3A, %dma_wait3A_133, %dma_wait3A_134] : memref<32x125x80xi32, #tpu.memory_space<hbm>> -> memref<1x125x80xi32, #tpu.memory_space<hbm>>
      %dma_wait3A_136 = tpu.memref_squeeze %dma_wait3A_135 : memref<1x125x80xi32, #tpu.memory_space<hbm>> -> memref<125x80xi32, #tpu.memory_space<hbm>>
      tpu.wait_dma2 semaphore(%run_scoped3A : memref<!tpu.dma_semaphore, #tpu.memory_space<semaphore_mem>>) src(%dma_wait3A_136 : memref<125x80xi32, #tpu.memory_space<hbm>>) dst(%arg8 : memref<125x80xi32, #tpu.memory_space<vmem>>)
      tpu.yield
    }) : () -> ()
    %scan3A_59 = arith.constant 0 : i32
    %scan3A_60 = arith.constant 0 : i32
    %scan3A_61 = arith.constant 125 : i32
    %scan3A_62 = arith.addi %scan3A_60, %scan3A_61 : i32
    %scan3A_63 = arith.constant 1 : i32
    %scan3A_64 = scf.for %scan3A_123 = %scan3A_60 to %scan3A_62 step %scan3A_63 iter_args(%scan3A_124 = %scan3A_59) -> (i32)  : i32 {
      %mul3A_125 = arith.constant 10000 : i32
      %mul3A_126 = arith.muli %add3A, %mul3A_125 : i32
      %mul3A_127 = arith.constant 80 : i32
      %mul3A_128 = arith.muli %scan3A_123, %mul3A_127 : i32
      %add3A_129 = arith.addi %mul3A_126, %mul3A_128 : i32
      "tpu.region"() ({
        %run_scoped3A = tpu.sem_alloc : memref<!tpu.dma_semaphore, #tpu.memory_space<semaphore_mem>>
        %dma_start3A_148 = tpu.memref_slice %arg4[%add3A_129] : memref<320000xf32, #tpu.memory_space<hbm>> -> memref<80xf32, #tpu.memory_space<hbm>>
        %dma_start3A_149 = tpu.memref_slice %arg4[%add3A_129] : memref<320000xf32, #tpu.memory_space<hbm>> -> memref<80xf32, #tpu.memory_space<hbm>>
        tpu.enqueue_dma source(%dma_start3A_149 : memref<80xf32, #tpu.memory_space<hbm>>) target(%arg9 : memref<80xf32, #tpu.memory_space<vmem>>) target_semaphore(%run_scoped3A : memref<!tpu.dma_semaphore, #tpu.memory_space<semaphore_mem>>)
        %dma_wait3A_150 = tpu.memref_slice %arg4[%add3A_129] : memref<320000xf32, #tpu.memory_space<hbm>> -> memref<80xf32, #tpu.memory_space<hbm>>
        %dma_wait3A_151 = tpu.memref_slice %arg4[%add3A_129] : memref<320000xf32, #tpu.memory_space<hbm>> -> memref<80xf32, #tpu.memory_space<hbm>>
        tpu.wait_dma2 semaphore(%run_scoped3A : memref<!tpu.dma_semaphore, #tpu.memory_space<semaphore_mem>>) src(%dma_wait3A_151 : memref<80xf32, #tpu.memory_space<hbm>>) dst(%arg9 : memref<80xf32, #tpu.memory_space<vmem>>)
        tpu.yield
      }) : () -> ()
      %dma_start3A = arith.constant 0 : i32
      %dma_start3A_130 = tpu.memref_slice %arg7[%scan3A_123, %dma_start3A] : memref<125x80xi32, #tpu.memory_space<vmem>> -> memref<1x80xi32, #tpu.memory_space<vmem>>
      %dma_start3A_131 = tpu.memref_squeeze %dma_start3A_130 : memref<1x80xi32, #tpu.memory_space<vmem>> -> memref<80xi32, #tpu.memory_space<vmem>>
      %dma_start3A_132 = arith.constant 0 : i32
      %dma_start3A_133 = arith.constant 0 : i32
      %dma_start3A_134 = tpu.memref_slice %arg5[%dma_start3A_132, %dma_start3A_133] : memref<10000x128xf32, #tpu.memory_space<hbm>> -> memref<10000x128xf32, #tpu.memory_space<hbm>>
      tpu.enqueue_indirect_dma source(%dma_start3A_134 : memref<10000x128xf32, #tpu.memory_space<hbm>>) target(%arg10 : memref<80x128xf32, #tpu.memory_space<vmem>>) offsets(%dma_start3A_131 : memref<80xi32, #tpu.memory_space<vmem>>) semaphore(%arg12 : memref<!tpu.dma_semaphore, #tpu.memory_space<semaphore_mem>>)
      %dma_wait3A = arith.constant 0 : i32
      %dma_wait3A_135 = tpu.memref_slice %arg7[%scan3A_123, %dma_wait3A] : memref<125x80xi32, #tpu.memory_space<vmem>> -> memref<1x80xi32, #tpu.memory_space<vmem>>
      %dma_wait3A_136 = tpu.memref_squeeze %dma_wait3A_135 : memref<1x80xi32, #tpu.memory_space<vmem>> -> memref<80xi32, #tpu.memory_space<vmem>>
      %dma_wait3A_137 = arith.constant 0 : i32
      %dma_wait3A_138 = arith.constant 0 : i32
      %dma_wait3A_139 = tpu.memref_slice %arg5[%dma_wait3A_137, %dma_wait3A_138] : memref<10000x128xf32, #tpu.memory_space<hbm>> -> memref<10000x128xf32, #tpu.memory_space<hbm>>
      tpu.wait_indirect_dma semaphore(%arg12 : memref<!tpu.dma_semaphore, #tpu.memory_space<semaphore_mem>>) src(%dma_wait3A_139 : memref<10000x128xf32, #tpu.memory_space<hbm>>) dst(%arg10 : memref<80x128xf32, #tpu.memory_space<vmem>>)
      %scan3A_140 = arith.constant 0 : i32
      %scan3A_141 = arith.constant 0 : i32
      %scan3A_142 = arith.constant 20 : i32
      %scan3A_143 = arith.addi %scan3A_141, %scan3A_142 : i32
      %scan3A_144 = arith.constant 1 : i32
      %scan3A_145 = scf.for %scan3A_148 = %scan3A_141 to %scan3A_143 step %scan3A_144 iter_args(%scan3A_149 = %scan3A_140) -> (i32)  : i32 {
        %mul3A_150 = arith.constant 4 : i32
        %mul3A_151 = arith.muli %scan3A_148, %mul3A_150 : i32
        %add3A_152 = arith.constant 0 : i32
        %add3A_153 = arith.addi %mul3A_151, %add3A_152 : i32
        %broadcast_in_dim3A = vector.broadcast %add3A_153 : i32 to vector<16xi32>
        %gather3A = tpu.vector_load_idx %arg9[%broadcast_in_dim3A] : memref<80xf32, #tpu.memory_space<vmem>>[vector<16xi32>], vector<16xf32>,
        %get3A = arith.index_cast %add3A_153 : i32 to index
        %get3A_154 = arith.constant 0 : index
        %get3A_155 = tpu.vector_load %arg10[%get3A, %get3A_154] {strides = array<i32>} : memref<80x128xf32, #tpu.memory_space<vmem>>, vector<16xf32>,
        %mul3A_156 = arith.mulf %get3A_155, %gather3A : vector<16xf32>
        %swap3A = arith.index_cast %add3A_153 : i32 to index
        %swap3A_157 = arith.constant 0 : index
        %swap3A_158 = tpu.vector_load %arg10[%swap3A, %swap3A_157] {strides = array<i32>} : memref<80x128xf32, #tpu.memory_space<vmem>>, vector<16xf32>,
        tpu.vector_store %arg10[%swap3A, %swap3A_157], %mul3A_156 {strides = array<i32>} : memref<80x128xf32, #tpu.memory_space<vmem>>, vector<16xf32>,
        %get3A_159 = arith.index_cast %add3A_153 : i32 to index
        %get3A_160 = arith.constant 16 : index
        %get3A_161 = tpu.vector_load %arg10[%get3A_159, %get3A_160] {strides = array<i32>} : memref<80x128xf32, #tpu.memory_space<vmem>>, vector<16xf32>,
        %mul3A_162 = arith.mulf %get3A_161, %gather3A : vector<16xf32>
        %swap3A_163 = arith.index_cast %add3A_153 : i32 to index
        %swap3A_164 = arith.constant 16 : index
        %swap3A_165 = tpu.vector_load %arg10[%swap3A_163, %swap3A_164] {strides = array<i32>} : memref<80x128xf32, #tpu.memory_space<vmem>>, vector<16xf32>,
        tpu.vector_store %arg10[%swap3A_163, %swap3A_164], %mul3A_162 {strides = array<i32>} : memref<80x128xf32, #tpu.memory_space<vmem>>, vector<16xf32>,
        %get3A_166 = arith.index_cast %add3A_153 : i32 to index
        %get3A_167 = arith.constant 32 : index
        %get3A_168 = tpu.vector_load %arg10[%get3A_166, %get3A_167] {strides = array<i32>} : memref<80x128xf32, #tpu.memory_space<vmem>>, vector<16xf32>,
        %mul3A_169 = arith.mulf %get3A_168, %gather3A : vector<16xf32>
        %swap3A_170 = arith.index_cast %add3A_153 : i32 to index
        %swap3A_171 = arith.constant 32 : index
        %swap3A_172 = tpu.vector_load %arg10[%swap3A_170, %swap3A_171] {strides = array<i32>} : memref<80x128xf32, #tpu.memory_space<vmem>>, vector<16xf32>,
        tpu.vector_store %arg10[%swap3A_170, %swap3A_171], %mul3A_169 {strides = array<i32>} : memref<80x128xf32, #tpu.memory_space<vmem>>, vector<16xf32>,
        %get3A_173 = arith.index_cast %add3A_153 : i32 to index
        %get3A_174 = arith.constant 48 : index
        %get3A_175 = tpu.vector_load %arg10[%get3A_173, %get3A_174] {strides = array<i32>} : memref<80x128xf32, #tpu.memory_space<vmem>>, vector<16xf32>,
        %mul3A_176 = arith.mulf %get3A_175, %gather3A : vector<16xf32>
        %swap3A_177 = arith.index_cast %add3A_153 : i32 to index
        %swap3A_178 = arith.constant 48 : index
        %swap3A_179 = tpu.vector_load %arg10[%swap3A_177, %swap3A_178] {strides = array<i32>} : memref<80x128xf32, #tpu.memory_space<vmem>>, vector<16xf32>,
        tpu.vector_store %arg10[%swap3A_177, %swap3A_178], %mul3A_176 {strides = array<i32>} : memref<80x128xf32, #tpu.memory_space<vmem>>, vector<16xf32>,
        %get3A_180 = arith.index_cast %add3A_153 : i32 to index
        %get3A_181 = arith.constant 64 : index
        %get3A_182 = tpu.vector_load %arg10[%get3A_180, %get3A_181] {strides = array<i32>} : memref<80x128xf32, #tpu.memory_space<vmem>>, vector<16xf32>,
        %mul3A_183 = arith.mulf %get3A_182, %gather3A : vector<16xf32>
        %swap3A_184 = arith.index_cast %add3A_153 : i32 to index
        %swap3A_185 = arith.constant 64 : index
        %swap3A_186 = tpu.vector_load %arg10[%swap3A_184, %swap3A_185] {strides = array<i32>} : memref<80x128xf32, #tpu.memory_space<vmem>>, vector<16xf32>,
        tpu.vector_store %arg10[%swap3A_184, %swap3A_185], %mul3A_183 {strides = array<i32>} : memref<80x128xf32, #tpu.memory_space<vmem>>, vector<16xf32>,
        %get3A_187 = arith.index_cast %add3A_153 : i32 to index
        %get3A_188 = arith.constant 80 : index
        %get3A_189 = tpu.vector_load %arg10[%get3A_187, %get3A_188] {strides = array<i32>} : memref<80x128xf32, #tpu.memory_space<vmem>>, vector<16xf32>,
        %mul3A_190 = arith.mulf %get3A_189, %gather3A : vector<16xf32>
        %swap3A_191 = arith.index_cast %add3A_153 : i32 to index
        %swap3A_192 = arith.constant 80 : index
        %swap3A_193 = tpu.vector_load %arg10[%swap3A_191, %swap3A_192] {strides = array<i32>} : memref<80x128xf32, #tpu.memory_space<vmem>>, vector<16xf32>,
        tpu.vector_store %arg10[%swap3A_191, %swap3A_192], %mul3A_190 {strides = array<i32>} : memref<80x128xf32, #tpu.memory_space<vmem>>, vector<16xf32>,
        %get3A_194 = arith.index_cast %add3A_153 : i32 to index
        %get3A_195 = arith.constant 96 : index
        %get3A_196 = tpu.vector_load %arg10[%get3A_194, %get3A_195] {strides = array<i32>} : memref<80x128xf32, #tpu.memory_space<vmem>>, vector<16xf32>,
        %mul3A_197 = arith.mulf %get3A_196, %gather3A : vector<16xf32>
        %swap3A_198 = arith.index_cast %add3A_153 : i32 to index
        %swap3A_199 = arith.constant 96 : index
        %swap3A_200 = tpu.vector_load %arg10[%swap3A_198, %swap3A_199] {strides = array<i32>} : memref<80x128xf32, #tpu.memory_space<vmem>>, vector<16xf32>,
        tpu.vector_store %arg10[%swap3A_198, %swap3A_199], %mul3A_197 {strides = array<i32>} : memref<80x128xf32, #tpu.memory_space<vmem>>, vector<16xf32>,
        %get3A_201 = arith.index_cast %add3A_153 : i32 to index
        %get3A_202 = arith.constant 112 : index
        %get3A_203 = tpu.vector_load %arg10[%get3A_201, %get3A_202] {strides = array<i32>} : memref<80x128xf32, #tpu.memory_space<vmem>>, vector<16xf32>,
        %mul3A_204 = arith.mulf %get3A_203, %gather3A : vector<16xf32>
        %swap3A_205 = arith.index_cast %add3A_153 : i32 to index
        %swap3A_206 = arith.constant 112 : index
        %swap3A_207 = tpu.vector_load %arg10[%swap3A_205, %swap3A_206] {strides = array<i32>} : memref<80x128xf32, #tpu.memory_space<vmem>>, vector<16xf32>,
        tpu.vector_store %arg10[%swap3A_205, %swap3A_206], %mul3A_204 {strides = array<i32>} : memref<80x128xf32, #tpu.memory_space<vmem>>, vector<16xf32>,
        %mul3A_208 = arith.constant 4 : i32
        %mul3A_209 = arith.muli %scan3A_148, %mul3A_208 : i32
        %add3A_210 = arith.constant 1 : i32
        %add3A_211 = arith.addi %mul3A_209, %add3A_210 : i32
        %broadcast_in_dim3A_212 = vector.broadcast %add3A_211 : i32 to vector<16xi32>
        %gather3A_213 = tpu.vector_load_idx %arg9[%broadcast_in_dim3A_212] : memref<80xf32, #tpu.memory_space<vmem>>[vector<16xi32>], vector<16xf32>,
        %get3A_214 = arith.index_cast %add3A_211 : i32 to index
        %get3A_215 = arith.constant 0 : index
        %get3A_216 = tpu.vector_load %arg10[%get3A_214, %get3A_215] {strides = array<i32>} : memref<80x128xf32, #tpu.memory_space<vmem>>, vector<16xf32>,
        %mul3A_217 = arith.mulf %get3A_216, %gather3A_213 : vector<16xf32>
        %swap3A_218 = arith.index_cast %add3A_211 : i32 to index
        %swap3A_219 = arith.constant 0 : index
        %swap3A_220 = tpu.vector_load %arg10[%swap3A_218, %swap3A_219] {strides = array<i32>} : memref<80x128xf32, #tpu.memory_space<vmem>>, vector<16xf32>,
        tpu.vector_store %arg10[%swap3A_218, %swap3A_219], %mul3A_217 {strides = array<i32>} : memref<80x128xf32, #tpu.memory_space<vmem>>, vector<16xf32>,
        %get3A_221 = arith.index_cast %add3A_211 : i32 to index
        %get3A_222 = arith.constant 16 : index
        %get3A_223 = tpu.vector_load %arg10[%get3A_221, %get3A_222] {strides = array<i32>} : memref<80x128xf32, #tpu.memory_space<vmem>>, vector<16xf32>,
        %mul3A_224 = arith.mulf %get3A_223, %gather3A_213 : vector<16xf32>
        %swap3A_225 = arith.index_cast %add3A_211 : i32 to index
        %swap3A_226 = arith.constant 16 : index
        %swap3A_227 = tpu.vector_load %arg10[%swap3A_225, %swap3A_226] {strides = array<i32>} : memref<80x128xf32, #tpu.memory_space<vmem>>, vector<16xf32>,
        tpu.vector_store %arg10[%swap3A_225, %swap3A_226], %mul3A_224 {strides = array<i32>} : memref<80x128xf32, #tpu.memory_space<vmem>>, vector<16xf32>,
        %get3A_228 = arith.index_cast %add3A_211 : i32 to index
        %get3A_229 = arith.constant 32 : index
        %get3A_230 = tpu.vector_load %arg10[%get3A_228, %get3A_229] {strides = array<i32>} : memref<80x128xf32, #tpu.memory_space<vmem>>, vector<16xf32>,
        %mul3A_231 = arith.mulf %get3A_230, %gather3A_213 : vector<16xf32>
        %swap3A_232 = arith.index_cast %add3A_211 : i32 to index
        %swap3A_233 = arith.constant 32 : index
        %swap3A_234 = tpu.vector_load %arg10[%swap3A_232, %swap3A_233] {strides = array<i32>} : memref<80x128xf32, #tpu.memory_space<vmem>>, vector<16xf32>,
        tpu.vector_store %arg10[%swap3A_232, %swap3A_233], %mul3A_231 {strides = array<i32>} : memref<80x128xf32, #tpu.memory_space<vmem>>, vector<16xf32>,
        %get3A_235 = arith.index_cast %add3A_211 : i32 to index
        %get3A_236 = arith.constant 48 : index
        %get3A_237 = tpu.vector_load %arg10[%get3A_235, %get3A_236] {strides = array<i32>} : memref<80x128xf32, #tpu.memory_space<vmem>>, vector<16xf32>,
        %mul3A_238 = arith.mulf %get3A_237, %gather3A_213 : vector<16xf32>
        %swap3A_239 = arith.index_cast %add3A_211 : i32 to index
        %swap3A_240 = arith.constant 48 : index
        %swap3A_241 = tpu.vector_load %arg10[%swap3A_239, %swap3A_240] {strides = array<i32>} : memref<80x128xf32, #tpu.memory_space<vmem>>, vector<16xf32>,
        tpu.vector_store %arg10[%swap3A_239, %swap3A_240], %mul3A_238 {strides = array<i32>} : memref<80x128xf32, #tpu.memory_space<vmem>>, vector<16xf32>,
        %get3A_242 = arith.index_cast %add3A_211 : i32 to index
        %get3A_243 = arith.constant 64 : index
        %get3A_244 = tpu.vector_load %arg10[%get3A_242, %get3A_243] {strides = array<i32>} : memref<80x128xf32, #tpu.memory_space<vmem>>, vector<16xf32>,
        %mul3A_245 = arith.mulf %get3A_244, %gather3A_213 : vector<16xf32>
        %swap3A_246 = arith.index_cast %add3A_211 : i32 to index
        %swap3A_247 = arith.constant 64 : index
        %swap3A_248 = tpu.vector_load %arg10[%swap3A_246, %swap3A_247] {strides = array<i32>} : memref<80x128xf32, #tpu.memory_space<vmem>>, vector<16xf32>,
        tpu.vector_store %arg10[%swap3A_246, %swap3A_247], %mul3A_245 {strides = array<i32>} : memref<80x128xf32, #tpu.memory_space<vmem>>, vector<16xf32>,
        %get3A_249 = arith.index_cast %add3A_211 : i32 to index
        %get3A_250 = arith.constant 80 : index
        %get3A_251 = tpu.vector_load %arg10[%get3A_249, %get3A_250] {strides = array<i32>} : memref<80x128xf32, #tpu.memory_space<vmem>>, vector<16xf32>,
        %mul3A_252 = arith.mulf %get3A_251, %gather3A_213 : vector<16xf32>
        %swap3A_253 = arith.index_cast %add3A_211 : i32 to index
        %swap3A_254 = arith.constant 80 : index
        %swap3A_255 = tpu.vector_load %arg10[%swap3A_253, %swap3A_254] {strides = array<i32>} : memref<80x128xf32, #tpu.memory_space<vmem>>, vector<16xf32>,
        tpu.vector_store %arg10[%swap3A_253, %swap3A_254], %mul3A_252 {strides = array<i32>} : memref<80x128xf32, #tpu.memory_space<vmem>>, vector<16xf32>,
        %get3A_256 = arith.index_cast %add3A_211 : i32 to index
        %get3A_257 = arith.constant 96 : index
        %get3A_258 = tpu.vector_load %arg10[%get3A_256, %get3A_257] {strides = array<i32>} : memref<80x128xf32, #tpu.memory_space<vmem>>, vector<16xf32>,
        %mul3A_259 = arith.mulf %get3A_258, %gather3A_213 : vector<16xf32>
        %swap3A_260 = arith.index_cast %add3A_211 : i32 to index
        %swap3A_261 = arith.constant 96 : index
        %swap3A_262 = tpu.vector_load %arg10[%swap3A_260, %swap3A_261] {strides = array<i32>} : memref<80x128xf32, #tpu.memory_space<vmem>>, vector<16xf32>,
        tpu.vector_store %arg10[%swap3A_260, %swap3A_261], %mul3A_259 {strides = array<i32>} : memref<80x128xf32, #tpu.memory_space<vmem>>, vector<16xf32>,
        %get3A_263 = arith.index_cast %add3A_211 : i32 to index
        %get3A_264 = arith.constant 112 : index
        %get3A_265 = tpu.vector_load %arg10[%get3A_263, %get3A_264] {strides = array<i32>} : memref<80x128xf32, #tpu.memory_space<vmem>>, vector<16xf32>,
        %mul3A_266 = arith.mulf %get3A_265, %gather3A_213 : vector<16xf32>
        %swap3A_267 = arith.index_cast %add3A_211 : i32 to index
        %swap3A_268 = arith.constant 112 : index
        %swap3A_269 = tpu.vector_load %arg10[%swap3A_267, %swap3A_268] {strides = array<i32>} : memref<80x128xf32, #tpu.memory_space<vmem>>, vector<16xf32>,
        tpu.vector_store %arg10[%swap3A_267, %swap3A_268], %mul3A_266 {strides = array<i32>} : memref<80x128xf32, #tpu.memory_space<vmem>>, vector<16xf32>,
        %mul3A_270 = arith.constant 4 : i32
        %mul3A_271 = arith.muli %scan3A_148, %mul3A_270 : i32
        %add3A_272 = arith.constant 2 : i32
        %add3A_273 = arith.addi %mul3A_271, %add3A_272 : i32
        %broadcast_in_dim3A_274 = vector.broadcast %add3A_273 : i32 to vector<16xi32>
        %gather3A_275 = tpu.vector_load_idx %arg9[%broadcast_in_dim3A_274] : memref<80xf32, #tpu.memory_space<vmem>>[vector<16xi32>], vector<16xf32>,
        %get3A_276 = arith.index_cast %add3A_273 : i32 to index
        %get3A_277 = arith.constant 0 : index
        %get3A_278 = tpu.vector_load %arg10[%get3A_276, %get3A_277] {strides = array<i32>} : memref<80x128xf32, #tpu.memory_space<vmem>>, vector<16xf32>,
        %mul3A_279 = arith.mulf %get3A_278, %gather3A_275 : vector<16xf32>
        %swap3A_280 = arith.index_cast %add3A_273 : i32 to index
        %swap3A_281 = arith.constant 0 : index
        %swap3A_282 = tpu.vector_load %arg10[%swap3A_280, %swap3A_281] {strides = array<i32>} : memref<80x128xf32, #tpu.memory_space<vmem>>, vector<16xf32>,
        tpu.vector_store %arg10[%swap3A_280, %swap3A_281], %mul3A_279 {strides = array<i32>} : memref<80x128xf32, #tpu.memory_space<vmem>>, vector<16xf32>,
        %get3A_283 = arith.index_cast %add3A_273 : i32 to index
        %get3A_284 = arith.constant 16 : index
        %get3A_285 = tpu.vector_load %arg10[%get3A_283, %get3A_284] {strides = array<i32>} : memref<80x128xf32, #tpu.memory_space<vmem>>, vector<16xf32>,
        %mul3A_286 = arith.mulf %get3A_285, %gather3A_275 : vector<16xf32>
        %swap3A_287 = arith.index_cast %add3A_273 : i32 to index
        %swap3A_288 = arith.constant 16 : index
        %swap3A_289 = tpu.vector_load %arg10[%swap3A_287, %swap3A_288] {strides = array<i32>} : memref<80x128xf32, #tpu.memory_space<vmem>>, vector<16xf32>,
        tpu.vector_store %arg10[%swap3A_287, %swap3A_288], %mul3A_286 {strides = array<i32>} : memref<80x128xf32, #tpu.memory_space<vmem>>, vector<16xf32>,
        %get3A_290 = arith.index_cast %add3A_273 : i32 to index
        %get3A_291 = arith.constant 32 : index
        %get3A_292 = tpu.vector_load %arg10[%get3A_290, %get3A_291] {strides = array<i32>} : memref<80x128xf32, #tpu.memory_space<vmem>>, vector<16xf32>,
        %mul3A_293 = arith.mulf %get3A_292, %gather3A_275 : vector<16xf32>
        %swap3A_294 = arith.index_cast %add3A_273 : i32 to index
        %swap3A_295 = arith.constant 32 : index
        %swap3A_296 = tpu.vector_load %arg10[%swap3A_294, %swap3A_295] {strides = array<i32>} : memref<80x128xf32, #tpu.memory_space<vmem>>, vector<16xf32>,
        tpu.vector_store %arg10[%swap3A_294, %swap3A_295], %mul3A_293 {strides = array<i32>} : memref<80x128xf32, #tpu.memory_space<vmem>>, vector<16xf32>,
        %get3A_297 = arith.index_cast %add3A_273 : i32 to index
        %get3A_298 = arith.constant 48 : index
        %get3A_299 = tpu.vector_load %arg10[%get3A_297, %get3A_298] {strides = array<i32>} : memref<80x128xf32, #tpu.memory_space<vmem>>, vector<16xf32>,
        %mul3A_300 = arith.mulf %get3A_299, %gather3A_275 : vector<16xf32>
        %swap3A_301 = arith.index_cast %add3A_273 : i32 to index
        %swap3A_302 = arith.constant 48 : index
        %swap3A_303 = tpu.vector_load %arg10[%swap3A_301, %swap3A_302] {strides = array<i32>} : memref<80x128xf32, #tpu.memory_space<vmem>>, vector<16xf32>,
        tpu.vector_store %arg10[%swap3A_301, %swap3A_302], %mul3A_300 {strides = array<i32>} : memref<80x128xf32, #tpu.memory_space<vmem>>, vector<16xf32>,
        %get3A_304 = arith.index_cast %add3A_273 : i32 to index
        %get3A_305 = arith.constant 64 : index
        %get3A_306 = tpu.vector_load %arg10[%get3A_304, %get3A_305] {strides = array<i32>} : memref<80x128xf32, #tpu.memory_space<vmem>>, vector<16xf32>,
        %mul3A_307 = arith.mulf %get3A_306, %gather3A_275 : vector<16xf32>
        %swap3A_308 = arith.index_cast %add3A_273 : i32 to index
        %swap3A_309 = arith.constant 64 : index
        %swap3A_310 = tpu.vector_load %arg10[%swap3A_308, %swap3A_309] {strides = array<i32>} : memref<80x128xf32, #tpu.memory_space<vmem>>, vector<16xf32>,
        tpu.vector_store %arg10[%swap3A_308, %swap3A_309], %mul3A_307 {strides = array<i32>} : memref<80x128xf32, #tpu.memory_space<vmem>>, vector<16xf32>,
        %get3A_311 = arith.index_cast %add3A_273 : i32 to index
        %get3A_312 = arith.constant 80 : index
        %get3A_313 = tpu.vector_load %arg10[%get3A_311, %get3A_312] {strides = array<i32>} : memref<80x128xf32, #tpu.memory_space<vmem>>, vector<16xf32>,
        %mul3A_314 = arith.mulf %get3A_313, %gather3A_275 : vector<16xf32>
        %swap3A_315 = arith.index_cast %add3A_273 : i32 to index
        %swap3A_316 = arith.constant 80 : index
        %swap3A_317 = tpu.vector_load %arg10[%swap3A_315, %swap3A_316] {strides = array<i32>} : memref<80x128xf32, #tpu.memory_space<vmem>>, vector<16xf32>,
        tpu.vector_store %arg10[%swap3A_315, %swap3A_316], %mul3A_314 {strides = array<i32>} : memref<80x128xf32, #tpu.memory_space<vmem>>, vector<16xf32>,
        %get3A_318 = arith.index_cast %add3A_273 : i32 to index
        %get3A_319 = arith.constant 96 : index
        %get3A_320 = tpu.vector_load %arg10[%get3A_318, %get3A_319] {strides = array<i32>} : memref<80x128xf32, #tpu.memory_space<vmem>>, vector<16xf32>,
        %mul3A_321 = arith.mulf %get3A_320, %gather3A_275 : vector<16xf32>
        %swap3A_322 = arith.index_cast %add3A_273 : i32 to index
        %swap3A_323 = arith.constant 96 : index
        %swap3A_324 = tpu.vector_load %arg10[%swap3A_322, %swap3A_323] {strides = array<i32>} : memref<80x128xf32, #tpu.memory_space<vmem>>, vector<16xf32>,
        tpu.vector_store %arg10[%swap3A_322, %swap3A_323], %mul3A_321 {strides = array<i32>} : memref<80x128xf32, #tpu.memory_space<vmem>>, vector<16xf32>,
        %get3A_325 = arith.index_cast %add3A_273 : i32 to index
        %get3A_326 = arith.constant 112 : index
        %get3A_327 = tpu.vector_load %arg10[%get3A_325, %get3A_326] {strides = array<i32>} : memref<80x128xf32, #tpu.memory_space<vmem>>, vector<16xf32>,
        %mul3A_328 = arith.mulf %get3A_327, %gather3A_275 : vector<16xf32>
        %swap3A_329 = arith.index_cast %add3A_273 : i32 to index
        %swap3A_330 = arith.constant 112 : index
        %swap3A_331 = tpu.vector_load %arg10[%swap3A_329, %swap3A_330] {strides = array<i32>} : memref<80x128xf32, #tpu.memory_space<vmem>>, vector<16xf32>,
        tpu.vector_store %arg10[%swap3A_329, %swap3A_330], %mul3A_328 {strides = array<i32>} : memref<80x128xf32, #tpu.memory_space<vmem>>, vector<16xf32>,
        %mul3A_332 = arith.constant 4 : i32
        %mul3A_333 = arith.muli %scan3A_148, %mul3A_332 : i32
        %add3A_334 = arith.constant 3 : i32
        %add3A_335 = arith.addi %mul3A_333, %add3A_334 : i32
        %broadcast_in_dim3A_336 = vector.broadcast %add3A_335 : i32 to vector<16xi32>
        %gather3A_337 = tpu.vector_load_idx %arg9[%broadcast_in_dim3A_336] : memref<80xf32, #tpu.memory_space<vmem>>[vector<16xi32>], vector<16xf32>,
        %get3A_338 = arith.index_cast %add3A_335 : i32 to index
        %get3A_339 = arith.constant 0 : index
        %get3A_340 = tpu.vector_load %arg10[%get3A_338, %get3A_339] {strides = array<i32>} : memref<80x128xf32, #tpu.memory_space<vmem>>, vector<16xf32>,
        %mul3A_341 = arith.mulf %get3A_340, %gather3A_337 : vector<16xf32>
        %swap3A_342 = arith.index_cast %add3A_335 : i32 to index
        %swap3A_343 = arith.constant 0 : index
        %swap3A_344 = tpu.vector_load %arg10[%swap3A_342, %swap3A_343] {strides = array<i32>} : memref<80x128xf32, #tpu.memory_space<vmem>>, vector<16xf32>,
        tpu.vector_store %arg10[%swap3A_342, %swap3A_343], %mul3A_341 {strides = array<i32>} : memref<80x128xf32, #tpu.memory_space<vmem>>, vector<16xf32>,
        %get3A_345 = arith.index_cast %add3A_335 : i32 to index
        %get3A_346 = arith.constant 16 : index
        %get3A_347 = tpu.vector_load %arg10[%get3A_345, %get3A_346] {strides = array<i32>} : memref<80x128xf32, #tpu.memory_space<vmem>>, vector<16xf32>,
        %mul3A_348 = arith.mulf %get3A_347, %gather3A_337 : vector<16xf32>
        %swap3A_349 = arith.index_cast %add3A_335 : i32 to index
        %swap3A_350 = arith.constant 16 : index
        %swap3A_351 = tpu.vector_load %arg10[%swap3A_349, %swap3A_350] {strides = array<i32>} : memref<80x128xf32, #tpu.memory_space<vmem>>, vector<16xf32>,
        tpu.vector_store %arg10[%swap3A_349, %swap3A_350], %mul3A_348 {strides = array<i32>} : memref<80x128xf32, #tpu.memory_space<vmem>>, vector<16xf32>,
        %get3A_352 = arith.index_cast %add3A_335 : i32 to index
        %get3A_353 = arith.constant 32 : index
        %get3A_354 = tpu.vector_load %arg10[%get3A_352, %get3A_353] {strides = array<i32>} : memref<80x128xf32, #tpu.memory_space<vmem>>, vector<16xf32>,
        %mul3A_355 = arith.mulf %get3A_354, %gather3A_337 : vector<16xf32>
        %swap3A_356 = arith.index_cast %add3A_335 : i32 to index
        %swap3A_357 = arith.constant 32 : index
        %swap3A_358 = tpu.vector_load %arg10[%swap3A_356, %swap3A_357] {strides = array<i32>} : memref<80x128xf32, #tpu.memory_space<vmem>>, vector<16xf32>,
        tpu.vector_store %arg10[%swap3A_356, %swap3A_357], %mul3A_355 {strides = array<i32>} : memref<80x128xf32, #tpu.memory_space<vmem>>, vector<16xf32>,
        %get3A_359 = arith.index_cast %add3A_335 : i32 to index
        %get3A_360 = arith.constant 48 : index
        %get3A_361 = tpu.vector_load %arg10[%get3A_359, %get3A_360] {strides = array<i32>} : memref<80x128xf32, #tpu.memory_space<vmem>>, vector<16xf32>,
        %mul3A_362 = arith.mulf %get3A_361, %gather3A_337 : vector<16xf32>
        %swap3A_363 = arith.index_cast %add3A_335 : i32 to index
        %swap3A_364 = arith.constant 48 : index
        %swap3A_365 = tpu.vector_load %arg10[%swap3A_363, %swap3A_364] {strides = array<i32>} : memref<80x128xf32, #tpu.memory_space<vmem>>, vector<16xf32>,
        tpu.vector_store %arg10[%swap3A_363, %swap3A_364], %mul3A_362 {strides = array<i32>} : memref<80x128xf32, #tpu.memory_space<vmem>>, vector<16xf32>,
        %get3A_366 = arith.index_cast %add3A_335 : i32 to index
        %get3A_367 = arith.constant 64 : index
        %get3A_368 = tpu.vector_load %arg10[%get3A_366, %get3A_367] {strides = array<i32>} : memref<80x128xf32, #tpu.memory_space<vmem>>, vector<16xf32>,
        %mul3A_369 = arith.mulf %get3A_368, %gather3A_337 : vector<16xf32>
        %swap3A_370 = arith.index_cast %add3A_335 : i32 to index
        %swap3A_371 = arith.constant 64 : index
        %swap3A_372 = tpu.vector_load %arg10[%swap3A_370, %swap3A_371] {strides = array<i32>} : memref<80x128xf32, #tpu.memory_space<vmem>>, vector<16xf32>,
        tpu.vector_store %arg10[%swap3A_370, %swap3A_371], %mul3A_369 {strides = array<i32>} : memref<80x128xf32, #tpu.memory_space<vmem>>, vector<16xf32>,
        %get3A_373 = arith.index_cast %add3A_335 : i32 to index
        %get3A_374 = arith.constant 80 : index
        %get3A_375 = tpu.vector_load %arg10[%get3A_373, %get3A_374] {strides = array<i32>} : memref<80x128xf32, #tpu.memory_space<vmem>>, vector<16xf32>,
        %mul3A_376 = arith.mulf %get3A_375, %gather3A_337 : vector<16xf32>
        %swap3A_377 = arith.index_cast %add3A_335 : i32 to index
        %swap3A_378 = arith.constant 80 : index
        %swap3A_379 = tpu.vector_load %arg10[%swap3A_377, %swap3A_378] {strides = array<i32>} : memref<80x128xf32, #tpu.memory_space<vmem>>, vector<16xf32>,
        tpu.vector_store %arg10[%swap3A_377, %swap3A_378], %mul3A_376 {strides = array<i32>} : memref<80x128xf32, #tpu.memory_space<vmem>>, vector<16xf32>,
        %get3A_380 = arith.index_cast %add3A_335 : i32 to index
        %get3A_381 = arith.constant 96 : index
        %get3A_382 = tpu.vector_load %arg10[%get3A_380, %get3A_381] {strides = array<i32>} : memref<80x128xf32, #tpu.memory_space<vmem>>, vector<16xf32>,
        %mul3A_383 = arith.mulf %get3A_382, %gather3A_337 : vector<16xf32>
        %swap3A_384 = arith.index_cast %add3A_335 : i32 to index
        %swap3A_385 = arith.constant 96 : index
        %swap3A_386 = tpu.vector_load %arg10[%swap3A_384, %swap3A_385] {strides = array<i32>} : memref<80x128xf32, #tpu.memory_space<vmem>>, vector<16xf32>,
        tpu.vector_store %arg10[%swap3A_384, %swap3A_385], %mul3A_383 {strides = array<i32>} : memref<80x128xf32, #tpu.memory_space<vmem>>, vector<16xf32>,
        %get3A_387 = arith.index_cast %add3A_335 : i32 to index
        %get3A_388 = arith.constant 112 : index
        %get3A_389 = tpu.vector_load %arg10[%get3A_387, %get3A_388] {strides = array<i32>} : memref<80x128xf32, #tpu.memory_space<vmem>>, vector<16xf32>,
        %mul3A_390 = arith.mulf %get3A_389, %gather3A_337 : vector<16xf32>
        %swap3A_391 = arith.index_cast %add3A_335 : i32 to index
        %swap3A_392 = arith.constant 112 : index
        %swap3A_393 = tpu.vector_load %arg10[%swap3A_391, %swap3A_392] {strides = array<i32>} : memref<80x128xf32, #tpu.memory_space<vmem>>, vector<16xf32>,
        tpu.vector_store %arg10[%swap3A_391, %swap3A_392], %mul3A_390 {strides = array<i32>} : memref<80x128xf32, #tpu.memory_space<vmem>>, vector<16xf32>,
        %scan3A_394 = arith.constant 0 : i32
        scf.yield %scan3A_394 : i32
      }
      %scan3A_146 = arith.constant 20 : i32
      "tpu.region"() ({
        %run_scoped3A = tpu.sem_alloc : memref<!tpu.dma_semaphore, #tpu.memory_space<semaphore_mem>>
        %dma_start3A_148 = arith.constant 0 : i32
        %dma_start3A_149 = tpu.memref_slice %arg8[%scan3A_123, %dma_start3A_148] : memref<125x80xi32, #tpu.memory_space<vmem>> -> memref<1x80xi32, #tpu.memory_space<vmem>>
        %dma_start3A_150 = tpu.memref_squeeze %dma_start3A_149 : memref<1x80xi32, #tpu.memory_space<vmem>> -> memref<80xi32, #tpu.memory_space<vmem>>
        %dma_start3A_151 = arith.constant 0 : i32
        %dma_start3A_152 = arith.constant 0 : i32
        %dma_start3A_153 = tpu.memref_slice %arg11[%dma_start3A_151, %dma_start3A_152] : memref<10000x128xf32, #tpu.memory_space<vmem_shared>> -> memref<10000x128xf32, #tpu.memory_space<vmem_shared>>
        tpu.enqueue_indirect_dma source(%arg10 : memref<80x128xf32, #tpu.memory_space<vmem>>) target(%dma_start3A_153 : memref<10000x128xf32, #tpu.memory_space<vmem_shared>>) offsets(%dma_start3A_150 : memref<80xi32, #tpu.memory_space<vmem>>) semaphore(%run_scoped3A : memref<!tpu.dma_semaphore, #tpu.memory_space<semaphore_mem>>) {add = true}
        %dma_wait3A_154 = arith.constant 0 : i32
        %dma_wait3A_155 = tpu.memref_slice %arg8[%scan3A_123, %dma_wait3A_154] : memref<125x80xi32, #tpu.memory_space<vmem>> -> memref<1x80xi32, #tpu.memory_space<vmem>>
        %dma_wait3A_156 = tpu.memref_squeeze %dma_wait3A_155 : memref<1x80xi32, #tpu.memory_space<vmem>> -> memref<80xi32, #tpu.memory_space<vmem>>
        %dma_wait3A_157 = arith.constant 0 : i32
        %dma_wait3A_158 = arith.constant 0 : i32
        %dma_wait3A_159 = tpu.memref_slice %arg11[%dma_wait3A_157, %dma_wait3A_158] : memref<10000x128xf32, #tpu.memory_space<vmem_shared>> -> memref<10000x128xf32, #tpu.memory_space<vmem_shared>>
        tpu.wait_indirect_dma semaphore(%run_scoped3A : memref<!tpu.dma_semaphore, #tpu.memory_space<semaphore_mem>>) src(%arg10 : memref<80x128xf32, #tpu.memory_space<vmem>>) dst(%dma_wait3A_159 : memref<10000x128xf32, #tpu.memory_space<vmem_shared>>)
        tpu.yield
      }) : () -> ()
      %scan3A_147 = arith.constant 0 : i32
      scf.yield %scan3A_147 : i32
    }
    %scan3A_65 = arith.constant 125 : i32
    %barrier3A_66 = arith.constant 0 : index
    tpu.barrier barrier_id(%barrier3A_66)
    %lt3A_67 = arith.constant 15 : i32
    %lt3A_68 = arith.cmpi slt, %arg1, %lt3A_67 : i32
    %or3A_69 = arith.constant true
    %or3A_70 = arith.ori %lt3A_68, %or3A_69 : i1
    %convert_element_type3A_71 = arith.extui %or3A_70 : i1 to i32
    %cond3A_72 = arith.constant 0 : i32
    %cond3A_73 = arith.cmpi ne, %convert_element_type3A_71, %cond3A_72 : i32
    scf.if %cond3A_73 {
      %mul3A_123 = arith.constant 640 : i32
      %mul3A_124 = arith.muli %arg1, %mul3A_123 : i32
      %add3A_125 = arith.constant 0 : i32
      %add3A_126 = arith.addi %mul3A_124, %add3A_125 : i32
      "tpu.region"() ({
        %run_scoped3A = tpu.sem_alloc : memref<!tpu.dma_semaphore, #tpu.memory_space<semaphore_mem>>
        %dma_start3A = arith.constant 0 : i32
        %dma_start3A_127 = tpu.memref_slice %arg6[%arg0, %add3A_126, %dma_start3A] : memref<2x10000x128xf32, #tpu.memory_space<hbm>> -> memref<1x80x128xf32, #tpu.memory_space<hbm>>
        %dma_start3A_128 = tpu.memref_squeeze %dma_start3A_127 : memref<1x80x128xf32, #tpu.memory_space<hbm>> -> memref<80x128xf32, #tpu.memory_space<hbm>>
        %dma_start3A_129 = arith.constant 0 : i32
        %dma_start3A_130 = tpu.memref_slice %arg11[%add3A_126, %dma_start3A_129] : memref<10000x128xf32, #tpu.memory_space<vmem_shared>> -> memref<80x128xf32, #tpu.memory_space<vmem_shared>>
        tpu.enqueue_dma source(%dma_start3A_130 : memref<80x128xf32, #tpu.memory_space<vmem_shared>>) target(%dma_start3A_128 : memref<80x128xf32, #tpu.memory_space<hbm>>) target_semaphore(%run_scoped3A : memref<!tpu.dma_semaphore, #tpu.memory_space<semaphore_mem>>)
        %dma_wait3A = arith.constant 0 : i32
        %dma_wait3A_131 = tpu.memref_slice %arg6[%arg0, %add3A_126, %dma_wait3A] : memref<2x10000x128xf32, #tpu.memory_space<hbm>> -> memref<1x80x128xf32, #tpu.memory_space<hbm>>
        %dma_wait3A_132 = tpu.memref_squeeze %dma_wait3A_131 : memref<1x80x128xf32, #tpu.memory_space<hbm>> -> memref<80x128xf32, #tpu.memory_space<hbm>>
        %dma_wait3A_133 = arith.constant 0 : i32
        %dma_wait3A_134 = tpu.memref_slice %arg11[%add3A_126, %dma_wait3A_133] : memref<10000x128xf32, #tpu.memory_space<vmem_shared>> -> memref<80x128xf32, #tpu.memory_space<vmem_shared>>
        tpu.wait_dma2 semaphore(%run_scoped3A : memref<!tpu.dma_semaphore, #tpu.memory_space<semaphore_mem>>) src(%dma_wait3A_134 : memref<80x128xf32, #tpu.memory_space<vmem_shared>>) dst(%dma_wait3A_132 : memref<80x128xf32, #tpu.memory_space<hbm>>)
        tpu.yield
      }) : () -> ()
    } else {
    }
    %lt3A_74 = arith.constant 15 : i32
    %lt3A_75 = arith.cmpi slt, %arg1, %lt3A_74 : i32
    %or3A_76 = arith.constant true
    %or3A_77 = arith.ori %lt3A_75, %or3A_76 : i1
    %convert_element_type3A_78 = arith.extui %or3A_77 : i1 to i32
    %cond3A_79 = arith.constant 0 : i32
    %cond3A_80 = arith.cmpi ne, %convert_element_type3A_78, %cond3A_79 : i32
    scf.if %cond3A_80 {
      %mul3A_123 = arith.constant 640 : i32
      %mul3A_124 = arith.muli %arg1, %mul3A_123 : i32
      %add3A_125 = arith.constant 80 : i32
      %add3A_126 = arith.addi %mul3A_124, %add3A_125 : i32
      "tpu.region"() ({
        %run_scoped3A = tpu.sem_alloc : memref<!tpu.dma_semaphore, #tpu.memory_space<semaphore_mem>>
        %dma_start3A = arith.constant 0 : i32
        %dma_start3A_127 = tpu.memref_slice %arg6[%arg0, %add3A_126, %dma_start3A] : memref<2x10000x128xf32, #tpu.memory_space<hbm>> -> memref<1x80x128xf32, #tpu.memory_space<hbm>>
        %dma_start3A_128 = tpu.memref_squeeze %dma_start3A_127 : memref<1x80x128xf32, #tpu.memory_space<hbm>> -> memref<80x128xf32, #tpu.memory_space<hbm>>
        %dma_start3A_129 = arith.constant 0 : i32
        %dma_start3A_130 = tpu.memref_slice %arg11[%add3A_126, %dma_start3A_129] : memref<10000x128xf32, #tpu.memory_space<vmem_shared>> -> memref<80x128xf32, #tpu.memory_space<vmem_shared>>
        tpu.enqueue_dma source(%dma_start3A_130 : memref<80x128xf32, #tpu.memory_space<vmem_shared>>) target(%dma_start3A_128 : memref<80x128xf32, #tpu.memory_space<hbm>>) target_semaphore(%run_scoped3A : memref<!tpu.dma_semaphore, #tpu.memory_space<semaphore_mem>>)
        %dma_wait3A = arith.constant 0 : i32
        %dma_wait3A_131 = tpu.memref_slice %arg6[%arg0, %add3A_126, %dma_wait3A] : memref<2x10000x128xf32, #tpu.memory_space<hbm>> -> memref<1x80x128xf32, #tpu.memory_space<hbm>>
        %dma_wait3A_132 = tpu.memref_squeeze %dma_wait3A_131 : memref<1x80x128xf32, #tpu.memory_space<hbm>> -> memref<80x128xf32, #tpu.memory_space<hbm>>
        %dma_wait3A_133 = arith.constant 0 : i32
        %dma_wait3A_134 = tpu.memref_slice %arg11[%add3A_126, %dma_wait3A_133] : memref<10000x128xf32, #tpu.memory_space<vmem_shared>> -> memref<80x128xf32, #tpu.memory_space<vmem_shared>>
        tpu.wait_dma2 semaphore(%run_scoped3A : memref<!tpu.dma_semaphore, #tpu.memory_space<semaphore_mem>>) src(%dma_wait3A_134 : memref<80x128xf32, #tpu.memory_space<vmem_shared>>) dst(%dma_wait3A_132 : memref<80x128xf32, #tpu.memory_space<hbm>>)
        tpu.yield
      }) : () -> ()
    } else {
    }
    %lt3A_81 = arith.constant 15 : i32
    %lt3A_82 = arith.cmpi slt, %arg1, %lt3A_81 : i32
    %or3A_83 = arith.constant true
    %or3A_84 = arith.ori %lt3A_82, %or3A_83 : i1
    %convert_element_type3A_85 = arith.extui %or3A_84 : i1 to i32
    %cond3A_86 = arith.constant 0 : i32
    %cond3A_87 = arith.cmpi ne, %convert_element_type3A_85, %cond3A_86 : i32
    scf.if %cond3A_87 {
      %mul3A_123 = arith.constant 640 : i32
      %mul3A_124 = arith.muli %arg1, %mul3A_123 : i32
      %add3A_125 = arith.constant 160 : i32
      %add3A_126 = arith.addi %mul3A_124, %add3A_125 : i32
      "tpu.region"() ({
        %run_scoped3A = tpu.sem_alloc : memref<!tpu.dma_semaphore, #tpu.memory_space<semaphore_mem>>
        %dma_start3A = arith.constant 0 : i32
        %dma_start3A_127 = tpu.memref_slice %arg6[%arg0, %add3A_126, %dma_start3A] : memref<2x10000x128xf32, #tpu.memory_space<hbm>> -> memref<1x80x128xf32, #tpu.memory_space<hbm>>
        %dma_start3A_128 = tpu.memref_squeeze %dma_start3A_127 : memref<1x80x128xf32, #tpu.memory_space<hbm>> -> memref<80x128xf32, #tpu.memory_space<hbm>>
        %dma_start3A_129 = arith.constant 0 : i32
        %dma_start3A_130 = tpu.memref_slice %arg11[%add3A_126, %dma_start3A_129] : memref<10000x128xf32, #tpu.memory_space<vmem_shared>> -> memref<80x128xf32, #tpu.memory_space<vmem_shared>>
        tpu.enqueue_dma source(%dma_start3A_130 : memref<80x128xf32, #tpu.memory_space<vmem_shared>>) target(%dma_start3A_128 : memref<80x128xf32, #tpu.memory_space<hbm>>) target_semaphore(%run_scoped3A : memref<!tpu.dma_semaphore, #tpu.memory_space<semaphore_mem>>)
        %dma_wait3A = arith.constant 0 : i32
        %dma_wait3A_131 = tpu.memref_slice %arg6[%arg0, %add3A_126, %dma_wait3A] : memref<2x10000x128xf32, #tpu.memory_space<hbm>> -> memref<1x80x128xf32, #tpu.memory_space<hbm>>
        %dma_wait3A_132 = tpu.memref_squeeze %dma_wait3A_131 : memref<1x80x128xf32, #tpu.memory_space<hbm>> -> memref<80x128xf32, #tpu.memory_space<hbm>>
        %dma_wait3A_133 = arith.constant 0 : i32
        %dma_wait3A_134 = tpu.memref_slice %arg11[%add3A_126, %dma_wait3A_133] : memref<10000x128xf32, #tpu.memory_space<vmem_shared>> -> memref<80x128xf32, #tpu.memory_space<vmem_shared>>
        tpu.wait_dma2 semaphore(%run_scoped3A : memref<!tpu.dma_semaphore, #tpu.memory_space<semaphore_mem>>) src(%dma_wait3A_134 : memref<80x128xf32, #tpu.memory_space<vmem_shared>>) dst(%dma_wait3A_132 : memref<80x128xf32, #tpu.memory_space<hbm>>)
        tpu.yield
      }) : () -> ()
    } else {
    }
    %lt3A_88 = arith.constant 15 : i32
    %lt3A_89 = arith.cmpi slt, %arg1, %lt3A_88 : i32
    %or3A_90 = arith.constant true
    %or3A_91 = arith.ori %lt3A_89, %or3A_90 : i1
    %convert_element_type3A_92 = arith.extui %or3A_91 : i1 to i32
    %cond3A_93 = arith.constant 0 : i32
    %cond3A_94 = arith.cmpi ne, %convert_element_type3A_92, %cond3A_93 : i32
    scf.if %cond3A_94 {
      %mul3A_123 = arith.constant 640 : i32
      %mul3A_124 = arith.muli %arg1, %mul3A_123 : i32
      %add3A_125 = arith.constant 240 : i32
      %add3A_126 = arith.addi %mul3A_124, %add3A_125 : i32
      "tpu.region"() ({
        %run_scoped3A = tpu.sem_alloc : memref<!tpu.dma_semaphore, #tpu.memory_space<semaphore_mem>>
        %dma_start3A = arith.constant 0 : i32
        %dma_start3A_127 = tpu.memref_slice %arg6[%arg0, %add3A_126, %dma_start3A] : memref<2x10000x128xf32, #tpu.memory_space<hbm>> -> memref<1x80x128xf32, #tpu.memory_space<hbm>>
        %dma_start3A_128 = tpu.memref_squeeze %dma_start3A_127 : memref<1x80x128xf32, #tpu.memory_space<hbm>> -> memref<80x128xf32, #tpu.memory_space<hbm>>
        %dma_start3A_129 = arith.constant 0 : i32
        %dma_start3A_130 = tpu.memref_slice %arg11[%add3A_126, %dma_start3A_129] : memref<10000x128xf32, #tpu.memory_space<vmem_shared>> -> memref<80x128xf32, #tpu.memory_space<vmem_shared>>
        tpu.enqueue_dma source(%dma_start3A_130 : memref<80x128xf32, #tpu.memory_space<vmem_shared>>) target(%dma_start3A_128 : memref<80x128xf32, #tpu.memory_space<hbm>>) target_semaphore(%run_scoped3A : memref<!tpu.dma_semaphore, #tpu.memory_space<semaphore_mem>>)
        %dma_wait3A = arith.constant 0 : i32
        %dma_wait3A_131 = tpu.memref_slice %arg6[%arg0, %add3A_126, %dma_wait3A] : memref<2x10000x128xf32, #tpu.memory_space<hbm>> -> memref<1x80x128xf32, #tpu.memory_space<hbm>>
        %dma_wait3A_132 = tpu.memref_squeeze %dma_wait3A_131 : memref<1x80x128xf32, #tpu.memory_space<hbm>> -> memref<80x128xf32, #tpu.memory_space<hbm>>
        %dma_wait3A_133 = arith.constant 0 : i32
        %dma_wait3A_134 = tpu.memref_slice %arg11[%add3A_126, %dma_wait3A_133] : memref<10000x128xf32, #tpu.memory_space<vmem_shared>> -> memref<80x128xf32, #tpu.memory_space<vmem_shared>>
        tpu.wait_dma2 semaphore(%run_scoped3A : memref<!tpu.dma_semaphore, #tpu.memory_space<semaphore_mem>>) src(%dma_wait3A_134 : memref<80x128xf32, #tpu.memory_space<vmem_shared>>) dst(%dma_wait3A_132 : memref<80x128xf32, #tpu.memory_space<hbm>>)
        tpu.yield
      }) : () -> ()
    } else {
    }
    %lt3A_95 = arith.constant 15 : i32
    %lt3A_96 = arith.cmpi slt, %arg1, %lt3A_95 : i32
    %or3A_97 = arith.constant true
    %or3A_98 = arith.ori %lt3A_96, %or3A_97 : i1
    %convert_element_type3A_99 = arith.extui %or3A_98 : i1 to i32
    %cond3A_100 = arith.constant 0 : i32
    %cond3A_101 = arith.cmpi ne, %convert_element_type3A_99, %cond3A_100 : i32
    scf.if %cond3A_101 {
      %mul3A_123 = arith.constant 640 : i32
      %mul3A_124 = arith.muli %arg1, %mul3A_123 : i32
      %add3A_125 = arith.constant 320 : i32
      %add3A_126 = arith.addi %mul3A_124, %add3A_125 : i32
      "tpu.region"() ({
        %run_scoped3A = tpu.sem_alloc : memref<!tpu.dma_semaphore, #tpu.memory_space<semaphore_mem>>
        %dma_start3A = arith.constant 0 : i32
        %dma_start3A_127 = tpu.memref_slice %arg6[%arg0, %add3A_126, %dma_start3A] : memref<2x10000x128xf32, #tpu.memory_space<hbm>> -> memref<1x80x128xf32, #tpu.memory_space<hbm>>
        %dma_start3A_128 = tpu.memref_squeeze %dma_start3A_127 : memref<1x80x128xf32, #tpu.memory_space<hbm>> -> memref<80x128xf32, #tpu.memory_space<hbm>>
        %dma_start3A_129 = arith.constant 0 : i32
        %dma_start3A_130 = tpu.memref_slice %arg11[%add3A_126, %dma_start3A_129] : memref<10000x128xf32, #tpu.memory_space<vmem_shared>> -> memref<80x128xf32, #tpu.memory_space<vmem_shared>>
        tpu.enqueue_dma source(%dma_start3A_130 : memref<80x128xf32, #tpu.memory_space<vmem_shared>>) target(%dma_start3A_128 : memref<80x128xf32, #tpu.memory_space<hbm>>) target_semaphore(%run_scoped3A : memref<!tpu.dma_semaphore, #tpu.memory_space<semaphore_mem>>)
        %dma_wait3A = arith.constant 0 : i32
        %dma_wait3A_131 = tpu.memref_slice %arg6[%arg0, %add3A_126, %dma_wait3A] : memref<2x10000x128xf32, #tpu.memory_space<hbm>> -> memref<1x80x128xf32, #tpu.memory_space<hbm>>
        %dma_wait3A_132 = tpu.memref_squeeze %dma_wait3A_131 : memref<1x80x128xf32, #tpu.memory_space<hbm>> -> memref<80x128xf32, #tpu.memory_space<hbm>>
        %dma_wait3A_133 = arith.constant 0 : i32
        %dma_wait3A_134 = tpu.memref_slice %arg11[%add3A_126, %dma_wait3A_133] : memref<10000x128xf32, #tpu.memory_space<vmem_shared>> -> memref<80x128xf32, #tpu.memory_space<vmem_shared>>
        tpu.wait_dma2 semaphore(%run_scoped3A : memref<!tpu.dma_semaphore, #tpu.memory_space<semaphore_mem>>) src(%dma_wait3A_134 : memref<80x128xf32, #tpu.memory_space<vmem_shared>>) dst(%dma_wait3A_132 : memref<80x128xf32, #tpu.memory_space<hbm>>)
        tpu.yield
      }) : () -> ()
    } else {
    }
    %lt3A_102 = arith.constant 15 : i32
    %lt3A_103 = arith.cmpi slt, %arg1, %lt3A_102 : i32
    %or3A_104 = arith.constant false
    %or3A_105 = arith.ori %lt3A_103, %or3A_104 : i1
    %convert_element_type3A_106 = arith.extui %or3A_105 : i1 to i32
    %cond3A_107 = arith.constant 0 : i32
    %cond3A_108 = arith.cmpi ne, %convert_element_type3A_106, %cond3A_107 : i32
    scf.if %cond3A_108 {
      %mul3A_123 = arith.constant 640 : i32
      %mul3A_124 = arith.muli %arg1, %mul3A_123 : i32
      %add3A_125 = arith.constant 400 : i32
      %add3A_126 = arith.addi %mul3A_124, %add3A_125 : i32
      "tpu.region"() ({
        %run_scoped3A = tpu.sem_alloc : memref<!tpu.dma_semaphore, #tpu.memory_space<semaphore_mem>>
        %dma_start3A = arith.constant 0 : i32
        %dma_start3A_127 = tpu.memref_slice %arg6[%arg0, %add3A_126, %dma_start3A] : memref<2x10000x128xf32, #tpu.memory_space<hbm>> -> memref<1x80x128xf32, #tpu.memory_space<hbm>>
        %dma_start3A_128 = tpu.memref_squeeze %dma_start3A_127 : memref<1x80x128xf32, #tpu.memory_space<hbm>> -> memref<80x128xf32, #tpu.memory_space<hbm>>
        %dma_start3A_129 = arith.constant 0 : i32
        %dma_start3A_130 = tpu.memref_slice %arg11[%add3A_126, %dma_start3A_129] : memref<10000x128xf32, #tpu.memory_space<vmem_shared>> -> memref<80x128xf32, #tpu.memory_space<vmem_shared>>
        tpu.enqueue_dma source(%dma_start3A_130 : memref<80x128xf32, #tpu.memory_space<vmem_shared>>) target(%dma_start3A_128 : memref<80x128xf32, #tpu.memory_space<hbm>>) target_semaphore(%run_scoped3A : memref<!tpu.dma_semaphore, #tpu.memory_space<semaphore_mem>>)
        %dma_wait3A = arith.constant 0 : i32
        %dma_wait3A_131 = tpu.memref_slice %arg6[%arg0, %add3A_126, %dma_wait3A] : memref<2x10000x128xf32, #tpu.memory_space<hbm>> -> memref<1x80x128xf32, #tpu.memory_space<hbm>>
        %dma_wait3A_132 = tpu.memref_squeeze %dma_wait3A_131 : memref<1x80x128xf32, #tpu.memory_space<hbm>> -> memref<80x128xf32, #tpu.memory_space<hbm>>
        %dma_wait3A_133 = arith.constant 0 : i32
        %dma_wait3A_134 = tpu.memref_slice %arg11[%add3A_126, %dma_wait3A_133] : memref<10000x128xf32, #tpu.memory_space<vmem_shared>> -> memref<80x128xf32, #tpu.memory_space<vmem_shared>>
        tpu.wait_dma2 semaphore(%run_scoped3A : memref<!tpu.dma_semaphore, #tpu.memory_space<semaphore_mem>>) src(%dma_wait3A_134 : memref<80x128xf32, #tpu.memory_space<vmem_shared>>) dst(%dma_wait3A_132 : memref<80x128xf32, #tpu.memory_space<hbm>>)
        tpu.yield
      }) : () -> ()
    } else {
    }
    %lt3A_109 = arith.constant 15 : i32
    %lt3A_110 = arith.cmpi slt, %arg1, %lt3A_109 : i32
    %or3A_111 = arith.constant false
    %or3A_112 = arith.ori %lt3A_110, %or3A_111 : i1
    %convert_element_type3A_113 = arith.extui %or3A_112 : i1 to i32
    %cond3A_114 = arith.constant 0 : i32
    %cond3A_115 = arith.cmpi ne, %convert_element_type3A_113, %cond3A_114 : i32
    scf.if %cond3A_115 {
      %mul3A_123 = arith.constant 640 : i32
      %mul3A_124 = arith.muli %arg1, %mul3A_123 : i32
      %add3A_125 = arith.constant 480 : i32
      %add3A_126 = arith.addi %mul3A_124, %add3A_125 : i32
      "tpu.region"() ({
        %run_scoped3A = tpu.sem_alloc : memref<!tpu.dma_semaphore, #tpu.memory_space<semaphore_mem>>
        %dma_start3A = arith.constant 0 : i32
        %dma_start3A_127 = tpu.memref_slice %arg6[%arg0, %add3A_126, %dma_start3A] : memref<2x10000x128xf32, #tpu.memory_space<hbm>> -> memref<1x80x128xf32, #tpu.memory_space<hbm>>
        %dma_start3A_128 = tpu.memref_squeeze %dma_start3A_127 : memref<1x80x128xf32, #tpu.memory_space<hbm>> -> memref<80x128xf32, #tpu.memory_space<hbm>>
        %dma_start3A_129 = arith.constant 0 : i32
        %dma_start3A_130 = tpu.memref_slice %arg11[%add3A_126, %dma_start3A_129] : memref<10000x128xf32, #tpu.memory_space<vmem_shared>> -> memref<80x128xf32, #tpu.memory_space<vmem_shared>>
        tpu.enqueue_dma source(%dma_start3A_130 : memref<80x128xf32, #tpu.memory_space<vmem_shared>>) target(%dma_start3A_128 : memref<80x128xf32, #tpu.memory_space<hbm>>) target_semaphore(%run_scoped3A : memref<!tpu.dma_semaphore, #tpu.memory_space<semaphore_mem>>)
        %dma_wait3A = arith.constant 0 : i32
        %dma_wait3A_131 = tpu.memref_slice %arg6[%arg0, %add3A_126, %dma_wait3A] : memref<2x10000x128xf32, #tpu.memory_space<hbm>> -> memref<1x80x128xf32, #tpu.memory_space<hbm>>
        %dma_wait3A_132 = tpu.memref_squeeze %dma_wait3A_131 : memref<1x80x128xf32, #tpu.memory_space<hbm>> -> memref<80x128xf32, #tpu.memory_space<hbm>>
        %dma_wait3A_133 = arith.constant 0 : i32
        %dma_wait3A_134 = tpu.memref_slice %arg11[%add3A_126, %dma_wait3A_133] : memref<10000x128xf32, #tpu.memory_space<vmem_shared>> -> memref<80x128xf32, #tpu.memory_space<vmem_shared>>
        tpu.wait_dma2 semaphore(%run_scoped3A : memref<!tpu.dma_semaphore, #tpu.memory_space<semaphore_mem>>) src(%dma_wait3A_134 : memref<80x128xf32, #tpu.memory_space<vmem_shared>>) dst(%dma_wait3A_132 : memref<80x128xf32, #tpu.memory_space<hbm>>)
        tpu.yield
      }) : () -> ()
    } else {
    }
    %lt3A_116 = arith.constant 15 : i32
    %lt3A_117 = arith.cmpi slt, %arg1, %lt3A_116 : i32
    %or3A_118 = arith.constant false
    %or3A_119 = arith.ori %lt3A_117, %or3A_118 : i1
    %convert_element_type3A_120 = arith.extui %or3A_119 : i1 to i32
    %cond3A_121 = arith.constant 0 : i32
    %cond3A_122 = arith.cmpi ne, %convert_element_type3A_120, %cond3A_121 : i32
    scf.if %cond3A_122 {
      %mul3A_123 = arith.constant 640 : i32
      %mul3A_124 = arith.muli %arg1, %mul3A_123 : i32
      %add3A_125 = arith.constant 560 : i32
      %add3A_126 = arith.addi %mul3A_124, %add3A_125 : i32
      "tpu.region"() ({
        %run_scoped3A = tpu.sem_alloc : memref<!tpu.dma_semaphore, #tpu.memory_space<semaphore_mem>>
        %dma_start3A = arith.constant 0 : i32
        %dma_start3A_127 = tpu.memref_slice %arg6[%arg0, %add3A_126, %dma_start3A] : memref<2x10000x128xf32, #tpu.memory_space<hbm>> -> memref<1x80x128xf32, #tpu.memory_space<hbm>>
        %dma_start3A_128 = tpu.memref_squeeze %dma_start3A_127 : memref<1x80x128xf32, #tpu.memory_space<hbm>> -> memref<80x128xf32, #tpu.memory_space<hbm>>
        %dma_start3A_129 = arith.constant 0 : i32
        %dma_start3A_130 = tpu.memref_slice %arg11[%add3A_126, %dma_start3A_129] : memref<10000x128xf32, #tpu.memory_space<vmem_shared>> -> memref<80x128xf32, #tpu.memory_space<vmem_shared>>
        tpu.enqueue_dma source(%dma_start3A_130 : memref<80x128xf32, #tpu.memory_space<vmem_shared>>) target(%dma_start3A_128 : memref<80x128xf32, #tpu.memory_space<hbm>>) target_semaphore(%run_scoped3A : memref<!tpu.dma_semaphore, #tpu.memory_space<semaphore_mem>>)
        %dma_wait3A = arith.constant 0 : i32
        %dma_wait3A_131 = tpu.memref_slice %arg6[%arg0, %add3A_126, %dma_wait3A] : memref<2x10000x128xf32, #tpu.memory_space<hbm>> -> memref<1x80x128xf32, #tpu.memory_space<hbm>>
        %dma_wait3A_132 = tpu.memref_squeeze %dma_wait3A_131 : memref<1x80x128xf32, #tpu.memory_space<hbm>> -> memref<80x128xf32, #tpu.memory_space<hbm>>
        %dma_wait3A_133 = arith.constant 0 : i32
        %dma_wait3A_134 = tpu.memref_slice %arg11[%add3A_126, %dma_wait3A_133] : memref<10000x128xf32, #tpu.memory_space<vmem_shared>> -> memref<80x128xf32, #tpu.memory_space<vmem_shared>>
        tpu.wait_dma2 semaphore(%run_scoped3A : memref<!tpu.dma_semaphore, #tpu.memory_space<semaphore_mem>>) src(%dma_wait3A_134 : memref<80x128xf32, #tpu.memory_space<vmem_shared>>) dst(%dma_wait3A_132 : memref<80x128xf32, #tpu.memory_space<hbm>>)
        tpu.yield
      }) : () -> ()
    } else {
    }
    return
  }
}

#map = affine_map<(d0, d1) -> (0, 0, 0)>
#map1 = affine_map<(d0, d1) -> (0)>
#map2 = affine_map<(d0, d1) -> (0, 0)>
module attributes {stable_mosaic.version = 14 : i64} {
  func.func @_sc_spmm_body(%arg0: i32, %arg1: i32, %arg2: memref<32x125x80xi32, #tpu.memory_space<hbm>>, %arg3: memref<32x125x80xi32, #tpu.memory_space<hbm>>, %arg4: memref<320000xf32, #tpu.memory_space<hbm>>, %arg5: memref<10000x128xf32, #tpu.memory_space<hbm>>, %arg6: memref<2x10000x128xf32, #tpu.memory_space<hbm>>, %arg7: memref<125x80xi32, #tpu.memory_space<vmem>>, %arg8: memref<125x80xi32, #tpu.memory_space<vmem>>, %arg9: memref<80xf32, #tpu.memory_space<vmem>>, %arg10: memref<80x128xf32, #tpu.memory_space<vmem>>, %arg11: memref<10000x128xf32, #tpu.memory_space<vmem_shared>>, %arg12: memref<!tpu.dma_semaphore, #tpu.memory_space<semaphore_mem>>) attributes {dimension_semantics = [#tpu.dimension_semantics<core_parallel>, #tpu.dimension_semantics<subcore_parallel>], iteration_bounds = array<i64: 2, 16>, scalar_prefetch = 0 : i64, scratch_operands = 6 : i64, tpu.core_type = #tpu.core_type<sc_vector_subcore>, window_params = [{transform_indices = #map}, {transform_indices = #map}, {transform_indices = #map1}, {transform_indices = #map2}, {transform_indices = #map}]} {
    %mul3A = arith.constant 16 : i32
    %mul3A_0 = arith.muli %arg0, %mul3A : i32
    %add3A = arith.addi %mul3A_0, %arg1 : i32
    %scan3A = arith.constant 0 : i32
    %scan3A_1 = arith.constant 0 : i32
    %scan3A_2 = arith.constant 80 : i32
    %scan3A_3 = arith.addi %scan3A_1, %scan3A_2 : i32
    %scan3A_4 = arith.constant 1 : i32
    %scan3A_5 = scf.for %scan3A_123 = %scan3A_1 to %scan3A_3 step %scan3A_4 iter_args(%scan3A_124 = %scan3A) -> (i32)  : i32 {
      %broadcast_in_dim3A = arith.constant 0.000000e+00 : f32
      %broadcast_in_dim3A_125 = vector.broadcast %broadcast_in_dim3A : f32 to vector<16xf32>
      %swap3A = arith.index_cast %scan3A_123 : i32 to index
      %swap3A_126 = arith.constant 0 : index
      %swap3A_127 = tpu.vector_load %arg10[%swap3A, %swap3A_126] {strides = array<i32>} : memref<80x128xf32, #tpu.memory_space<vmem>>, vector<16xf32>,
      tpu.vector_store %arg10[%swap3A, %swap3A_126], %broadcast_in_dim3A_125 {strides = array<i32>} : memref<80x128xf32, #tpu.memory_space<vmem>>, vector<16xf32>,
      %broadcast_in_dim3A_128 = arith.constant 0.000000e+00 : f32
      %broadcast_in_dim3A_129 = vector.broadcast %broadcast_in_dim3A_128 : f32 to vector<16xf32>
      %swap3A_130 = arith.index_cast %scan3A_123 : i32 to index
      %swap3A_131 = arith.constant 16 : index
      %swap3A_132 = tpu.vector_load %arg10[%swap3A_130, %swap3A_131] {strides = array<i32>} : memref<80x128xf32, #tpu.memory_space<vmem>>, vector<16xf32>,
      tpu.vector_store %arg10[%swap3A_130, %swap3A_131], %broadcast_in_dim3A_129 {strides = array<i32>} : memref<80x128xf32, #tpu.memory_space<vmem>>, vector<16xf32>,
      %broadcast_in_dim3A_133 = arith.constant 0.000000e+00 : f32
      %broadcast_in_dim3A_134 = vector.broadcast %broadcast_in_dim3A_133 : f32 to vector<16xf32>
      %swap3A_135 = arith.index_cast %scan3A_123 : i32 to index
      %swap3A_136 = arith.constant 32 : index
      %swap3A_137 = tpu.vector_load %arg10[%swap3A_135, %swap3A_136] {strides = array<i32>} : memref<80x128xf32, #tpu.memory_space<vmem>>, vector<16xf32>,
      tpu.vector_store %arg10[%swap3A_135, %swap3A_136], %broadcast_in_dim3A_134 {strides = array<i32>} : memref<80x128xf32, #tpu.memory_space<vmem>>, vector<16xf32>,
      %broadcast_in_dim3A_138 = arith.constant 0.000000e+00 : f32
      %broadcast_in_dim3A_139 = vector.broadcast %broadcast_in_dim3A_138 : f32 to vector<16xf32>
      %swap3A_140 = arith.index_cast %scan3A_123 : i32 to index
      %swap3A_141 = arith.constant 48 : index
      %swap3A_142 = tpu.vector_load %arg10[%swap3A_140, %swap3A_141] {strides = array<i32>} : memref<80x128xf32, #tpu.memory_space<vmem>>, vector<16xf32>,
      tpu.vector_store %arg10[%swap3A_140, %swap3A_141], %broadcast_in_dim3A_139 {strides = array<i32>} : memref<80x128xf32, #tpu.memory_space<vmem>>, vector<16xf32>,
      %broadcast_in_dim3A_143 = arith.constant 0.000000e+00 : f32
      %broadcast_in_dim3A_144 = vector.broadcast %broadcast_in_dim3A_143 : f32 to vector<16xf32>
      %swap3A_145 = arith.index_cast %scan3A_123 : i32 to index
      %swap3A_146 = arith.constant 64 : index
      %swap3A_147 = tpu.vector_load %arg10[%swap3A_145, %swap3A_146] {strides = array<i32>} : memref<80x128xf32, #tpu.memory_space<vmem>>, vector<16xf32>,
      tpu.vector_store %arg10[%swap3A_145, %swap3A_146], %broadcast_in_dim3A_144 {strides = array<i32>} : memref<80x128xf32, #tpu.memory_space<vmem>>, vector<16xf32>,
      %broadcast_in_dim3A_148 = arith.constant 0.000000e+00 : f32
      %broadcast_in_dim3A_149 = vector.broadcast %broadcast_in_dim3A_148 : f32 to vector<16xf32>
      %swap3A_150 = arith.index_cast %scan3A_123 : i32 to index
      %swap3A_151 = arith.constant 80 : index
      %swap3A_152 = tpu.vector_load %arg10[%swap3A_150, %swap3A_151] {strides = array<i32>} : memref<80x128xf32, #tpu.memory_space<vmem>>, vector<16xf32>,
      tpu.vector_store %arg10[%swap3A_150, %swap3A_151], %broadcast_in_dim3A_149 {strides = array<i32>} : memref<80x128xf32, #tpu.memory_space<vmem>>, vector<16xf32>,
      %broadcast_in_dim3A_153 = arith.constant 0.000000e+00 : f32
      %broadcast_in_dim3A_154 = vector.broadcast %broadcast_in_dim3A_153 : f32 to vector<16xf32>
      %swap3A_155 = arith.index_cast %scan3A_123 : i32 to index
      %swap3A_156 = arith.constant 96 : index
      %swap3A_157 = tpu.vector_load %arg10[%swap3A_155, %swap3A_156] {strides = array<i32>} : memref<80x128xf32, #tpu.memory_space<vmem>>, vector<16xf32>,
      tpu.vector_store %arg10[%swap3A_155, %swap3A_156], %broadcast_in_dim3A_154 {strides = array<i32>} : memref<80x128xf32, #tpu.memory_space<vmem>>, vector<16xf32>,
      %broadcast_in_dim3A_158 = arith.constant 0.000000e+00 : f32
      %broadcast_in_dim3A_159 = vector.broadcast %broadcast_in_dim3A_158 : f32 to vector<16xf32>
      %swap3A_160 = arith.index_cast %scan3A_123 : i32 to index
      %swap3A_161 = arith.constant 112 : index
      %swap3A_162 = tpu.vector_load %arg10[%swap3A_160, %swap3A_161] {strides = array<i32>} : memref<80x128xf32, #tpu.memory_space<vmem>>, vector<16xf32>,
      tpu.vector_store %arg10[%swap3A_160, %swap3A_161], %broadcast_in_dim3A_159 {strides = array<i32>} : memref<80x128xf32, #tpu.memory_space<vmem>>, vector<16xf32>,
      %scan3A_163 = arith.constant 0 : i32
      scf.yield %scan3A_163 : i32
    }
    %scan3A_6 = arith.constant 80 : i32
    %lt3A = arith.constant 15 : i32
    %lt3A_7 = arith.cmpi slt, %arg1, %lt3A : i32
    %or3A = arith.constant true
    %or3A_8 = arith.ori %lt3A_7, %or3A : i1
    %convert_element_type3A = arith.extui %or3A_8 : i1 to i32
    %cond3A = arith.constant 0 : i32
    %cond3A_9 = arith.cmpi ne, %convert_element_type3A, %cond3A : i32
    scf.if %cond3A_9 {
      %mul3A_123 = arith.constant 640 : i32
      %mul3A_124 = arith.muli %arg1, %mul3A_123 : i32
      %add3A_125 = arith.constant 0 : i32
      %add3A_126 = arith.addi %mul3A_124, %add3A_125 : i32
      "tpu.region"() ({
        %run_scoped3A = tpu.sem_alloc : memref<!tpu.dma_semaphore, #tpu.memory_space<semaphore_mem>>
        %dma_start3A = arith.constant 0 : i32
        %dma_start3A_127 = tpu.memref_slice %arg11[%add3A_126, %dma_start3A] : memref<10000x128xf32, #tpu.memory_space<vmem_shared>> -> memref<80x128xf32, #tpu.memory_space<vmem_shared>>
        %dma_start3A_128 = arith.constant 0 : i32
        %dma_start3A_129 = tpu.memref_slice %arg11[%add3A_126, %dma_start3A_128] : memref<10000x128xf32, #tpu.memory_space<vmem_shared>> -> memref<80x128xf32, #tpu.memory_space<vmem_shared>>
        tpu.enqueue_dma source(%arg10 : memref<80x128xf32, #tpu.memory_space<vmem>>) target(%dma_start3A_129 : memref<80x128xf32, #tpu.memory_space<vmem_shared>>) target_semaphore(%run_scoped3A : memref<!tpu.dma_semaphore, #tpu.memory_space<semaphore_mem>>)
        %dma_wait3A = arith.constant 0 : i32
        %dma_wait3A_130 = tpu.memref_slice %arg11[%add3A_126, %dma_wait3A] : memref<10000x128xf32, #tpu.memory_space<vmem_shared>> -> memref<80x128xf32, #tpu.memory_space<vmem_shared>>
        %dma_wait3A_131 = arith.constant 0 : i32
        %dma_wait3A_132 = tpu.memref_slice %arg11[%add3A_126, %dma_wait3A_131] : memref<10000x128xf32, #tpu.memory_space<vmem_shared>> -> memref<80x128xf32, #tpu.memory_space<vmem_shared>>
        tpu.wait_dma2 semaphore(%run_scoped3A : memref<!tpu.dma_semaphore, #tpu.memory_space<semaphore_mem>>) src(%arg10 : memref<80x128xf32, #tpu.memory_space<vmem>>) dst(%dma_wait3A_132 : memref<80x128xf32, #tpu.memory_space<vmem_shared>>)
        tpu.yield
      }) : () -> ()
    } else {
    }
    %lt3A_10 = arith.constant 15 : i32
    %lt3A_11 = arith.cmpi slt, %arg1, %lt3A_10 : i32
    %or3A_12 = arith.constant true
    %or3A_13 = arith.ori %lt3A_11, %or3A_12 : i1
    %convert_element_type3A_14 = arith.extui %or3A_13 : i1 to i32
    %cond3A_15 = arith.constant 0 : i32
    %cond3A_16 = arith.cmpi ne, %convert_element_type3A_14, %cond3A_15 : i32
    scf.if %cond3A_16 {
      %mul3A_123 = arith.constant 640 : i32
      %mul3A_124 = arith.muli %arg1, %mul3A_123 : i32
      %add3A_125 = arith.constant 80 : i32
      %add3A_126 = arith.addi %mul3A_124, %add3A_125 : i32
      "tpu.region"() ({
        %run_scoped3A = tpu.sem_alloc : memref<!tpu.dma_semaphore, #tpu.memory_space<semaphore_mem>>
        %dma_start3A = arith.constant 0 : i32
        %dma_start3A_127 = tpu.memref_slice %arg11[%add3A_126, %dma_start3A] : memref<10000x128xf32, #tpu.memory_space<vmem_shared>> -> memref<80x128xf32, #tpu.memory_space<vmem_shared>>
        %dma_start3A_128 = arith.constant 0 : i32
        %dma_start3A_129 = tpu.memref_slice %arg11[%add3A_126, %dma_start3A_128] : memref<10000x128xf32, #tpu.memory_space<vmem_shared>> -> memref<80x128xf32, #tpu.memory_space<vmem_shared>>
        tpu.enqueue_dma source(%arg10 : memref<80x128xf32, #tpu.memory_space<vmem>>) target(%dma_start3A_129 : memref<80x128xf32, #tpu.memory_space<vmem_shared>>) target_semaphore(%run_scoped3A : memref<!tpu.dma_semaphore, #tpu.memory_space<semaphore_mem>>)
        %dma_wait3A = arith.constant 0 : i32
        %dma_wait3A_130 = tpu.memref_slice %arg11[%add3A_126, %dma_wait3A] : memref<10000x128xf32, #tpu.memory_space<vmem_shared>> -> memref<80x128xf32, #tpu.memory_space<vmem_shared>>
        %dma_wait3A_131 = arith.constant 0 : i32
        %dma_wait3A_132 = tpu.memref_slice %arg11[%add3A_126, %dma_wait3A_131] : memref<10000x128xf32, #tpu.memory_space<vmem_shared>> -> memref<80x128xf32, #tpu.memory_space<vmem_shared>>
        tpu.wait_dma2 semaphore(%run_scoped3A : memref<!tpu.dma_semaphore, #tpu.memory_space<semaphore_mem>>) src(%arg10 : memref<80x128xf32, #tpu.memory_space<vmem>>) dst(%dma_wait3A_132 : memref<80x128xf32, #tpu.memory_space<vmem_shared>>)
        tpu.yield
      }) : () -> ()
    } else {
    }
    %lt3A_17 = arith.constant 15 : i32
    %lt3A_18 = arith.cmpi slt, %arg1, %lt3A_17 : i32
    %or3A_19 = arith.constant true
    %or3A_20 = arith.ori %lt3A_18, %or3A_19 : i1
    %convert_element_type3A_21 = arith.extui %or3A_20 : i1 to i32
    %cond3A_22 = arith.constant 0 : i32
    %cond3A_23 = arith.cmpi ne, %convert_element_type3A_21, %cond3A_22 : i32
    scf.if %cond3A_23 {
      %mul3A_123 = arith.constant 640 : i32
      %mul3A_124 = arith.muli %arg1, %mul3A_123 : i32
      %add3A_125 = arith.constant 160 : i32
      %add3A_126 = arith.addi %mul3A_124, %add3A_125 : i32
      "tpu.region"() ({
        %run_scoped3A = tpu.sem_alloc : memref<!tpu.dma_semaphore, #tpu.memory_space<semaphore_mem>>
        %dma_start3A = arith.constant 0 : i32
        %dma_start3A_127 = tpu.memref_slice %arg11[%add3A_126, %dma_start3A] : memref<10000x128xf32, #tpu.memory_space<vmem_shared>> -> memref<80x128xf32, #tpu.memory_space<vmem_shared>>
        %dma_start3A_128 = arith.constant 0 : i32
        %dma_start3A_129 = tpu.memref_slice %arg11[%add3A_126, %dma_start3A_128] : memref<10000x128xf32, #tpu.memory_space<vmem_shared>> -> memref<80x128xf32, #tpu.memory_space<vmem_shared>>
        tpu.enqueue_dma source(%arg10 : memref<80x128xf32, #tpu.memory_space<vmem>>) target(%dma_start3A_129 : memref<80x128xf32, #tpu.memory_space<vmem_shared>>) target_semaphore(%run_scoped3A : memref<!tpu.dma_semaphore, #tpu.memory_space<semaphore_mem>>)
        %dma_wait3A = arith.constant 0 : i32
        %dma_wait3A_130 = tpu.memref_slice %arg11[%add3A_126, %dma_wait3A] : memref<10000x128xf32, #tpu.memory_space<vmem_shared>> -> memref<80x128xf32, #tpu.memory_space<vmem_shared>>
        %dma_wait3A_131 = arith.constant 0 : i32
        %dma_wait3A_132 = tpu.memref_slice %arg11[%add3A_126, %dma_wait3A_131] : memref<10000x128xf32, #tpu.memory_space<vmem_shared>> -> memref<80x128xf32, #tpu.memory_space<vmem_shared>>
        tpu.wait_dma2 semaphore(%run_scoped3A : memref<!tpu.dma_semaphore, #tpu.memory_space<semaphore_mem>>) src(%arg10 : memref<80x128xf32, #tpu.memory_space<vmem>>) dst(%dma_wait3A_132 : memref<80x128xf32, #tpu.memory_space<vmem_shared>>)
        tpu.yield
      }) : () -> ()
    } else {
    }
    %lt3A_24 = arith.constant 15 : i32
    %lt3A_25 = arith.cmpi slt, %arg1, %lt3A_24 : i32
    %or3A_26 = arith.constant true
    %or3A_27 = arith.ori %lt3A_25, %or3A_26 : i1
    %convert_element_type3A_28 = arith.extui %or3A_27 : i1 to i32
    %cond3A_29 = arith.constant 0 : i32
    %cond3A_30 = arith.cmpi ne, %convert_element_type3A_28, %cond3A_29 : i32
    scf.if %cond3A_30 {
      %mul3A_123 = arith.constant 640 : i32
      %mul3A_124 = arith.muli %arg1, %mul3A_123 : i32
      %add3A_125 = arith.constant 240 : i32
      %add3A_126 = arith.addi %mul3A_124, %add3A_125 : i32
      "tpu.region"() ({
        %run_scoped3A = tpu.sem_alloc : memref<!tpu.dma_semaphore, #tpu.memory_space<semaphore_mem>>
        %dma_start3A = arith.constant 0 : i32
        %dma_start3A_127 = tpu.memref_slice %arg11[%add3A_126, %dma_start3A] : memref<10000x128xf32, #tpu.memory_space<vmem_shared>> -> memref<80x128xf32, #tpu.memory_space<vmem_shared>>
        %dma_start3A_128 = arith.constant 0 : i32
        %dma_start3A_129 = tpu.memref_slice %arg11[%add3A_126, %dma_start3A_128] : memref<10000x128xf32, #tpu.memory_space<vmem_shared>> -> memref<80x128xf32, #tpu.memory_space<vmem_shared>>
        tpu.enqueue_dma source(%arg10 : memref<80x128xf32, #tpu.memory_space<vmem>>) target(%dma_start3A_129 : memref<80x128xf32, #tpu.memory_space<vmem_shared>>) target_semaphore(%run_scoped3A : memref<!tpu.dma_semaphore, #tpu.memory_space<semaphore_mem>>)
        %dma_wait3A = arith.constant 0 : i32
        %dma_wait3A_130 = tpu.memref_slice %arg11[%add3A_126, %dma_wait3A] : memref<10000x128xf32, #tpu.memory_space<vmem_shared>> -> memref<80x128xf32, #tpu.memory_space<vmem_shared>>
        %dma_wait3A_131 = arith.constant 0 : i32
        %dma_wait3A_132 = tpu.memref_slice %arg11[%add3A_126, %dma_wait3A_131] : memref<10000x128xf32, #tpu.memory_space<vmem_shared>> -> memref<80x128xf32, #tpu.memory_space<vmem_shared>>
        tpu.wait_dma2 semaphore(%run_scoped3A : memref<!tpu.dma_semaphore, #tpu.memory_space<semaphore_mem>>) src(%arg10 : memref<80x128xf32, #tpu.memory_space<vmem>>) dst(%dma_wait3A_132 : memref<80x128xf32, #tpu.memory_space<vmem_shared>>)
        tpu.yield
      }) : () -> ()
    } else {
    }
    %lt3A_31 = arith.constant 15 : i32
    %lt3A_32 = arith.cmpi slt, %arg1, %lt3A_31 : i32
    %or3A_33 = arith.constant true
    %or3A_34 = arith.ori %lt3A_32, %or3A_33 : i1
    %convert_element_type3A_35 = arith.extui %or3A_34 : i1 to i32
    %cond3A_36 = arith.constant 0 : i32
    %cond3A_37 = arith.cmpi ne, %convert_element_type3A_35, %cond3A_36 : i32
    scf.if %cond3A_37 {
      %mul3A_123 = arith.constant 640 : i32
      %mul3A_124 = arith.muli %arg1, %mul3A_123 : i32
      %add3A_125 = arith.constant 320 : i32
      %add3A_126 = arith.addi %mul3A_124, %add3A_125 : i32
      "tpu.region"() ({
        %run_scoped3A = tpu.sem_alloc : memref<!tpu.dma_semaphore, #tpu.memory_space<semaphore_mem>>
        %dma_start3A = arith.constant 0 : i32
        %dma_start3A_127 = tpu.memref_slice %arg11[%add3A_126, %dma_start3A] : memref<10000x128xf32, #tpu.memory_space<vmem_shared>> -> memref<80x128xf32, #tpu.memory_space<vmem_shared>>
        %dma_start3A_128 = arith.constant 0 : i32
        %dma_start3A_129 = tpu.memref_slice %arg11[%add3A_126, %dma_start3A_128] : memref<10000x128xf32, #tpu.memory_space<vmem_shared>> -> memref<80x128xf32, #tpu.memory_space<vmem_shared>>
        tpu.enqueue_dma source(%arg10 : memref<80x128xf32, #tpu.memory_space<vmem>>) target(%dma_start3A_129 : memref<80x128xf32, #tpu.memory_space<vmem_shared>>) target_semaphore(%run_scoped3A : memref<!tpu.dma_semaphore, #tpu.memory_space<semaphore_mem>>)
        %dma_wait3A = arith.constant 0 : i32
        %dma_wait3A_130 = tpu.memref_slice %arg11[%add3A_126, %dma_wait3A] : memref<10000x128xf32, #tpu.memory_space<vmem_shared>> -> memref<80x128xf32, #tpu.memory_space<vmem_shared>>
        %dma_wait3A_131 = arith.constant 0 : i32
        %dma_wait3A_132 = tpu.memref_slice %arg11[%add3A_126, %dma_wait3A_131] : memref<10000x128xf32, #tpu.memory_space<vmem_shared>> -> memref<80x128xf32, #tpu.memory_space<vmem_shared>>
        tpu.wait_dma2 semaphore(%run_scoped3A : memref<!tpu.dma_semaphore, #tpu.memory_space<semaphore_mem>>) src(%arg10 : memref<80x128xf32, #tpu.memory_space<vmem>>) dst(%dma_wait3A_132 : memref<80x128xf32, #tpu.memory_space<vmem_shared>>)
        tpu.yield
      }) : () -> ()
    } else {
    }
    %lt3A_38 = arith.constant 15 : i32
    %lt3A_39 = arith.cmpi slt, %arg1, %lt3A_38 : i32
    %or3A_40 = arith.constant false
    %or3A_41 = arith.ori %lt3A_39, %or3A_40 : i1
    %convert_element_type3A_42 = arith.extui %or3A_41 : i1 to i32
    %cond3A_43 = arith.constant 0 : i32
    %cond3A_44 = arith.cmpi ne, %convert_element_type3A_42, %cond3A_43 : i32
    scf.if %cond3A_44 {
      %mul3A_123 = arith.constant 640 : i32
      %mul3A_124 = arith.muli %arg1, %mul3A_123 : i32
      %add3A_125 = arith.constant 400 : i32
      %add3A_126 = arith.addi %mul3A_124, %add3A_125 : i32
      "tpu.region"() ({
        %run_scoped3A = tpu.sem_alloc : memref<!tpu.dma_semaphore, #tpu.memory_space<semaphore_mem>>
        %dma_start3A = arith.constant 0 : i32
        %dma_start3A_127 = tpu.memref_slice %arg11[%add3A_126, %dma_start3A] : memref<10000x128xf32, #tpu.memory_space<vmem_shared>> -> memref<80x128xf32, #tpu.memory_space<vmem_shared>>
        %dma_start3A_128 = arith.constant 0 : i32
        %dma_start3A_129 = tpu.memref_slice %arg11[%add3A_126, %dma_start3A_128] : memref<10000x128xf32, #tpu.memory_space<vmem_shared>> -> memref<80x128xf32, #tpu.memory_space<vmem_shared>>
        tpu.enqueue_dma source(%arg10 : memref<80x128xf32, #tpu.memory_space<vmem>>) target(%dma_start3A_129 : memref<80x128xf32, #tpu.memory_space<vmem_shared>>) target_semaphore(%run_scoped3A : memref<!tpu.dma_semaphore, #tpu.memory_space<semaphore_mem>>)
        %dma_wait3A = arith.constant 0 : i32
        %dma_wait3A_130 = tpu.memref_slice %arg11[%add3A_126, %dma_wait3A] : memref<10000x128xf32, #tpu.memory_space<vmem_shared>> -> memref<80x128xf32, #tpu.memory_space<vmem_shared>>
        %dma_wait3A_131 = arith.constant 0 : i32
        %dma_wait3A_132 = tpu.memref_slice %arg11[%add3A_126, %dma_wait3A_131] : memref<10000x128xf32, #tpu.memory_space<vmem_shared>> -> memref<80x128xf32, #tpu.memory_space<vmem_shared>>
        tpu.wait_dma2 semaphore(%run_scoped3A : memref<!tpu.dma_semaphore, #tpu.memory_space<semaphore_mem>>) src(%arg10 : memref<80x128xf32, #tpu.memory_space<vmem>>) dst(%dma_wait3A_132 : memref<80x128xf32, #tpu.memory_space<vmem_shared>>)
        tpu.yield
      }) : () -> ()
    } else {
    }
    %lt3A_45 = arith.constant 15 : i32
    %lt3A_46 = arith.cmpi slt, %arg1, %lt3A_45 : i32
    %or3A_47 = arith.constant false
    %or3A_48 = arith.ori %lt3A_46, %or3A_47 : i1
    %convert_element_type3A_49 = arith.extui %or3A_48 : i1 to i32
    %cond3A_50 = arith.constant 0 : i32
    %cond3A_51 = arith.cmpi ne, %convert_element_type3A_49, %cond3A_50 : i32
    scf.if %cond3A_51 {
      %mul3A_123 = arith.constant 640 : i32
      %mul3A_124 = arith.muli %arg1, %mul3A_123 : i32
      %add3A_125 = arith.constant 480 : i32
      %add3A_126 = arith.addi %mul3A_124, %add3A_125 : i32
      "tpu.region"() ({
        %run_scoped3A = tpu.sem_alloc : memref<!tpu.dma_semaphore, #tpu.memory_space<semaphore_mem>>
        %dma_start3A = arith.constant 0 : i32
        %dma_start3A_127 = tpu.memref_slice %arg11[%add3A_126, %dma_start3A] : memref<10000x128xf32, #tpu.memory_space<vmem_shared>> -> memref<80x128xf32, #tpu.memory_space<vmem_shared>>
        %dma_start3A_128 = arith.constant 0 : i32
        %dma_start3A_129 = tpu.memref_slice %arg11[%add3A_126, %dma_start3A_128] : memref<10000x128xf32, #tpu.memory_space<vmem_shared>> -> memref<80x128xf32, #tpu.memory_space<vmem_shared>>
        tpu.enqueue_dma source(%arg10 : memref<80x128xf32, #tpu.memory_space<vmem>>) target(%dma_start3A_129 : memref<80x128xf32, #tpu.memory_space<vmem_shared>>) target_semaphore(%run_scoped3A : memref<!tpu.dma_semaphore, #tpu.memory_space<semaphore_mem>>)
        %dma_wait3A = arith.constant 0 : i32
        %dma_wait3A_130 = tpu.memref_slice %arg11[%add3A_126, %dma_wait3A] : memref<10000x128xf32, #tpu.memory_space<vmem_shared>> -> memref<80x128xf32, #tpu.memory_space<vmem_shared>>
        %dma_wait3A_131 = arith.constant 0 : i32
        %dma_wait3A_132 = tpu.memref_slice %arg11[%add3A_126, %dma_wait3A_131] : memref<10000x128xf32, #tpu.memory_space<vmem_shared>> -> memref<80x128xf32, #tpu.memory_space<vmem_shared>>
        tpu.wait_dma2 semaphore(%run_scoped3A : memref<!tpu.dma_semaphore, #tpu.memory_space<semaphore_mem>>) src(%arg10 : memref<80x128xf32, #tpu.memory_space<vmem>>) dst(%dma_wait3A_132 : memref<80x128xf32, #tpu.memory_space<vmem_shared>>)
        tpu.yield
      }) : () -> ()
    } else {
    }
    %lt3A_52 = arith.constant 15 : i32
    %lt3A_53 = arith.cmpi slt, %arg1, %lt3A_52 : i32
    %or3A_54 = arith.constant false
    %or3A_55 = arith.ori %lt3A_53, %or3A_54 : i1
    %convert_element_type3A_56 = arith.extui %or3A_55 : i1 to i32
    %cond3A_57 = arith.constant 0 : i32
    %cond3A_58 = arith.cmpi ne, %convert_element_type3A_56, %cond3A_57 : i32
    scf.if %cond3A_58 {
      %mul3A_123 = arith.constant 640 : i32
      %mul3A_124 = arith.muli %arg1, %mul3A_123 : i32
      %add3A_125 = arith.constant 560 : i32
      %add3A_126 = arith.addi %mul3A_124, %add3A_125 : i32
      "tpu.region"() ({
        %run_scoped3A = tpu.sem_alloc : memref<!tpu.dma_semaphore, #tpu.memory_space<semaphore_mem>>
        %dma_start3A = arith.constant 0 : i32
        %dma_start3A_127 = tpu.memref_slice %arg11[%add3A_126, %dma_start3A] : memref<10000x128xf32, #tpu.memory_space<vmem_shared>> -> memref<80x128xf32, #tpu.memory_space<vmem_shared>>
        %dma_start3A_128 = arith.constant 0 : i32
        %dma_start3A_129 = tpu.memref_slice %arg11[%add3A_126, %dma_start3A_128] : memref<10000x128xf32, #tpu.memory_space<vmem_shared>> -> memref<80x128xf32, #tpu.memory_space<vmem_shared>>
        tpu.enqueue_dma source(%arg10 : memref<80x128xf32, #tpu.memory_space<vmem>>) target(%dma_start3A_129 : memref<80x128xf32, #tpu.memory_space<vmem_shared>>) target_semaphore(%run_scoped3A : memref<!tpu.dma_semaphore, #tpu.memory_space<semaphore_mem>>)
        %dma_wait3A = arith.constant 0 : i32
        %dma_wait3A_130 = tpu.memref_slice %arg11[%add3A_126, %dma_wait3A] : memref<10000x128xf32, #tpu.memory_space<vmem_shared>> -> memref<80x128xf32, #tpu.memory_space<vmem_shared>>
        %dma_wait3A_131 = arith.constant 0 : i32
        %dma_wait3A_132 = tpu.memref_slice %arg11[%add3A_126, %dma_wait3A_131] : memref<10000x128xf32, #tpu.memory_space<vmem_shared>> -> memref<80x128xf32, #tpu.memory_space<vmem_shared>>
        tpu.wait_dma2 semaphore(%run_scoped3A : memref<!tpu.dma_semaphore, #tpu.memory_space<semaphore_mem>>) src(%arg10 : memref<80x128xf32, #tpu.memory_space<vmem>>) dst(%dma_wait3A_132 : memref<80x128xf32, #tpu.memory_space<vmem_shared>>)
        tpu.yield
      }) : () -> ()
    } else {
    }
    %barrier3A = arith.constant 0 : index
    tpu.barrier barrier_id(%barrier3A)
    "tpu.region"() ({
      %run_scoped3A = tpu.sem_alloc : memref<!tpu.dma_semaphore, #tpu.memory_space<semaphore_mem>>
      %dma_start3A = arith.constant 0 : i32
      %dma_start3A_123 = arith.constant 0 : i32
      %dma_start3A_124 = tpu.memref_slice %arg2[%add3A, %dma_start3A, %dma_start3A_123] : memref<32x125x80xi32, #tpu.memory_space<hbm>> -> memref<1x125x80xi32, #tpu.memory_space<hbm>>
      %dma_start3A_125 = tpu.memref_squeeze %dma_start3A_124 : memref<1x125x80xi32, #tpu.memory_space<hbm>> -> memref<125x80xi32, #tpu.memory_space<hbm>>
      %dma_start3A_126 = arith.constant 0 : i32
      %dma_start3A_127 = arith.constant 0 : i32
      %dma_start3A_128 = tpu.memref_slice %arg2[%add3A, %dma_start3A_126, %dma_start3A_127] : memref<32x125x80xi32, #tpu.memory_space<hbm>> -> memref<1x125x80xi32, #tpu.memory_space<hbm>>
      %dma_start3A_129 = tpu.memref_squeeze %dma_start3A_128 : memref<1x125x80xi32, #tpu.memory_space<hbm>> -> memref<125x80xi32, #tpu.memory_space<hbm>>
      tpu.enqueue_dma source(%dma_start3A_129 : memref<125x80xi32, #tpu.memory_space<hbm>>) target(%arg7 : memref<125x80xi32, #tpu.memory_space<vmem>>) target_semaphore(%run_scoped3A : memref<!tpu.dma_semaphore, #tpu.memory_space<semaphore_mem>>)
      %dma_wait3A = arith.constant 0 : i32
      %dma_wait3A_130 = arith.constant 0 : i32
      %dma_wait3A_131 = tpu.memref_slice %arg2[%add3A, %dma_wait3A, %dma_wait3A_130] : memref<32x125x80xi32, #tpu.memory_space<hbm>> -> memref<1x125x80xi32, #tpu.memory_space<hbm>>
      %dma_wait3A_132 = tpu.memref_squeeze %dma_wait3A_131 : memref<1x125x80xi32, #tpu.memory_space<hbm>> -> memref<125x80xi32, #tpu.memory_space<hbm>>
      %dma_wait3A_133 = arith.constant 0 : i32
      %dma_wait3A_134 = arith.constant 0 : i32
      %dma_wait3A_135 = tpu.memref_slice %arg2[%add3A, %dma_wait3A_133, %dma_wait3A_134] : memref<32x125x80xi32, #tpu.memory_space<hbm>> -> memref<1x125x80xi32, #tpu.memory_space<hbm>>
      %dma_wait3A_136 = tpu.memref_squeeze %dma_wait3A_135 : memref<1x125x80xi32, #tpu.memory_space<hbm>> -> memref<125x80xi32, #tpu.memory_space<hbm>>
      tpu.wait_dma2 semaphore(%run_scoped3A : memref<!tpu.dma_semaphore, #tpu.memory_space<semaphore_mem>>) src(%dma_wait3A_136 : memref<125x80xi32, #tpu.memory_space<hbm>>) dst(%arg7 : memref<125x80xi32, #tpu.memory_space<vmem>>)
      tpu.yield
    }) : () -> ()
    "tpu.region"() ({
      %run_scoped3A = tpu.sem_alloc : memref<!tpu.dma_semaphore, #tpu.memory_space<semaphore_mem>>
      %dma_start3A = arith.constant 0 : i32
      %dma_start3A_123 = arith.constant 0 : i32
      %dma_start3A_124 = tpu.memref_slice %arg3[%add3A, %dma_start3A, %dma_start3A_123] : memref<32x125x80xi32, #tpu.memory_space<hbm>> -> memref<1x125x80xi32, #tpu.memory_space<hbm>>
      %dma_start3A_125 = tpu.memref_squeeze %dma_start3A_124 : memref<1x125x80xi32, #tpu.memory_space<hbm>> -> memref<125x80xi32, #tpu.memory_space<hbm>>
      %dma_start3A_126 = arith.constant 0 : i32
      %dma_start3A_127 = arith.constant 0 : i32
      %dma_start3A_128 = tpu.memref_slice %arg3[%add3A, %dma_start3A_126, %dma_start3A_127] : memref<32x125x80xi32, #tpu.memory_space<hbm>> -> memref<1x125x80xi32, #tpu.memory_space<hbm>>
      %dma_start3A_129 = tpu.memref_squeeze %dma_start3A_128 : memref<1x125x80xi32, #tpu.memory_space<hbm>> -> memref<125x80xi32, #tpu.memory_space<hbm>>
      tpu.enqueue_dma source(%dma_start3A_129 : memref<125x80xi32, #tpu.memory_space<hbm>>) target(%arg8 : memref<125x80xi32, #tpu.memory_space<vmem>>) target_semaphore(%run_scoped3A : memref<!tpu.dma_semaphore, #tpu.memory_space<semaphore_mem>>)
      %dma_wait3A = arith.constant 0 : i32
      %dma_wait3A_130 = arith.constant 0 : i32
      %dma_wait3A_131 = tpu.memref_slice %arg3[%add3A, %dma_wait3A, %dma_wait3A_130] : memref<32x125x80xi32, #tpu.memory_space<hbm>> -> memref<1x125x80xi32, #tpu.memory_space<hbm>>
      %dma_wait3A_132 = tpu.memref_squeeze %dma_wait3A_131 : memref<1x125x80xi32, #tpu.memory_space<hbm>> -> memref<125x80xi32, #tpu.memory_space<hbm>>
      %dma_wait3A_133 = arith.constant 0 : i32
      %dma_wait3A_134 = arith.constant 0 : i32
      %dma_wait3A_135 = tpu.memref_slice %arg3[%add3A, %dma_wait3A_133, %dma_wait3A_134] : memref<32x125x80xi32, #tpu.memory_space<hbm>> -> memref<1x125x80xi32, #tpu.memory_space<hbm>>
      %dma_wait3A_136 = tpu.memref_squeeze %dma_wait3A_135 : memref<1x125x80xi32, #tpu.memory_space<hbm>> -> memref<125x80xi32, #tpu.memory_space<hbm>>
      tpu.wait_dma2 semaphore(%run_scoped3A : memref<!tpu.dma_semaphore, #tpu.memory_space<semaphore_mem>>) src(%dma_wait3A_136 : memref<125x80xi32, #tpu.memory_space<hbm>>) dst(%arg8 : memref<125x80xi32, #tpu.memory_space<vmem>>)
      tpu.yield
    }) : () -> ()
    %scan3A_59 = arith.constant 0 : i32
    %scan3A_60 = arith.constant 0 : i32
    %scan3A_61 = arith.constant 125 : i32
    %scan3A_62 = arith.addi %scan3A_60, %scan3A_61 : i32
    %scan3A_63 = arith.constant 1 : i32
    %scan3A_64 = scf.for %scan3A_123 = %scan3A_60 to %scan3A_62 step %scan3A_63 iter_args(%scan3A_124 = %scan3A_59) -> (i32)  : i32 {
      %mul3A_125 = arith.constant 10000 : i32
      %mul3A_126 = arith.muli %add3A, %mul3A_125 : i32
      %mul3A_127 = arith.constant 80 : i32
      %mul3A_128 = arith.muli %scan3A_123, %mul3A_127 : i32
      %add3A_129 = arith.addi %mul3A_126, %mul3A_128 : i32
      "tpu.region"() ({
        %run_scoped3A = tpu.sem_alloc : memref<!tpu.dma_semaphore, #tpu.memory_space<semaphore_mem>>
        %dma_start3A_148 = tpu.memref_slice %arg4[%add3A_129] : memref<320000xf32, #tpu.memory_space<hbm>> -> memref<80xf32, #tpu.memory_space<hbm>>
        %dma_start3A_149 = tpu.memref_slice %arg4[%add3A_129] : memref<320000xf32, #tpu.memory_space<hbm>> -> memref<80xf32, #tpu.memory_space<hbm>>
        tpu.enqueue_dma source(%dma_start3A_149 : memref<80xf32, #tpu.memory_space<hbm>>) target(%arg9 : memref<80xf32, #tpu.memory_space<vmem>>) target_semaphore(%run_scoped3A : memref<!tpu.dma_semaphore, #tpu.memory_space<semaphore_mem>>)
        %dma_wait3A_150 = tpu.memref_slice %arg4[%add3A_129] : memref<320000xf32, #tpu.memory_space<hbm>> -> memref<80xf32, #tpu.memory_space<hbm>>
        %dma_wait3A_151 = tpu.memref_slice %arg4[%add3A_129] : memref<320000xf32, #tpu.memory_space<hbm>> -> memref<80xf32, #tpu.memory_space<hbm>>
        tpu.wait_dma2 semaphore(%run_scoped3A : memref<!tpu.dma_semaphore, #tpu.memory_space<semaphore_mem>>) src(%dma_wait3A_151 : memref<80xf32, #tpu.memory_space<hbm>>) dst(%arg9 : memref<80xf32, #tpu.memory_space<vmem>>)
        tpu.yield
      }) : () -> ()
      %dma_start3A = arith.constant 0 : i32
      %dma_start3A_130 = tpu.memref_slice %arg7[%scan3A_123, %dma_start3A] : memref<125x80xi32, #tpu.memory_space<vmem>> -> memref<1x80xi32, #tpu.memory_space<vmem>>
      %dma_start3A_131 = tpu.memref_squeeze %dma_start3A_130 : memref<1x80xi32, #tpu.memory_space<vmem>> -> memref<80xi32, #tpu.memory_space<vmem>>
      %dma_start3A_132 = arith.constant 0 : i32
      %dma_start3A_133 = arith.constant 0 : i32
      %dma_start3A_134 = tpu.memref_slice %arg5[%dma_start3A_132, %dma_start3A_133] : memref<10000x128xf32, #tpu.memory_space<hbm>> -> memref<10000x128xf32, #tpu.memory_space<hbm>>
      tpu.enqueue_indirect_dma source(%dma_start3A_134 : memref<10000x128xf32, #tpu.memory_space<hbm>>) target(%arg10 : memref<80x128xf32, #tpu.memory_space<vmem>>) offsets(%dma_start3A_131 : memref<80xi32, #tpu.memory_space<vmem>>) semaphore(%arg12 : memref<!tpu.dma_semaphore, #tpu.memory_space<semaphore_mem>>)
      %dma_wait3A = arith.constant 0 : i32
      %dma_wait3A_135 = tpu.memref_slice %arg7[%scan3A_123, %dma_wait3A] : memref<125x80xi32, #tpu.memory_space<vmem>> -> memref<1x80xi32, #tpu.memory_space<vmem>>
      %dma_wait3A_136 = tpu.memref_squeeze %dma_wait3A_135 : memref<1x80xi32, #tpu.memory_space<vmem>> -> memref<80xi32, #tpu.memory_space<vmem>>
      %dma_wait3A_137 = arith.constant 0 : i32
      %dma_wait3A_138 = arith.constant 0 : i32
      %dma_wait3A_139 = tpu.memref_slice %arg5[%dma_wait3A_137, %dma_wait3A_138] : memref<10000x128xf32, #tpu.memory_space<hbm>> -> memref<10000x128xf32, #tpu.memory_space<hbm>>
      tpu.wait_indirect_dma semaphore(%arg12 : memref<!tpu.dma_semaphore, #tpu.memory_space<semaphore_mem>>) src(%dma_wait3A_139 : memref<10000x128xf32, #tpu.memory_space<hbm>>) dst(%arg10 : memref<80x128xf32, #tpu.memory_space<vmem>>)
      %scan3A_140 = arith.constant 0 : i32
      %scan3A_141 = arith.constant 0 : i32
      %scan3A_142 = arith.constant 20 : i32
      %scan3A_143 = arith.addi %scan3A_141, %scan3A_142 : i32
      %scan3A_144 = arith.constant 1 : i32
      %scan3A_145 = scf.for %scan3A_148 = %scan3A_141 to %scan3A_143 step %scan3A_144 iter_args(%scan3A_149 = %scan3A_140) -> (i32)  : i32 {
        %mul3A_150 = arith.constant 4 : i32
        %mul3A_151 = arith.muli %scan3A_148, %mul3A_150 : i32
        %add3A_152 = arith.constant 0 : i32
        %add3A_153 = arith.addi %mul3A_151, %add3A_152 : i32
        %broadcast_in_dim3A = vector.broadcast %add3A_153 : i32 to vector<16xi32>
        %gather3A = tpu.vector_load_idx %arg9[%broadcast_in_dim3A] : memref<80xf32, #tpu.memory_space<vmem>>[vector<16xi32>], vector<16xf32>,
        %get3A = arith.index_cast %add3A_153 : i32 to index
        %get3A_154 = arith.constant 0 : index
        %get3A_155 = tpu.vector_load %arg10[%get3A, %get3A_154] {strides = array<i32>} : memref<80x128xf32, #tpu.memory_space<vmem>>, vector<16xf32>,
        %mul3A_156 = arith.mulf %get3A_155, %gather3A : vector<16xf32>
        %swap3A = arith.index_cast %add3A_153 : i32 to index
        %swap3A_157 = arith.constant 0 : index
        %swap3A_158 = tpu.vector_load %arg10[%swap3A, %swap3A_157] {strides = array<i32>} : memref<80x128xf32, #tpu.memory_space<vmem>>, vector<16xf32>,
        tpu.vector_store %arg10[%swap3A, %swap3A_157], %mul3A_156 {strides = array<i32>} : memref<80x128xf32, #tpu.memory_space<vmem>>, vector<16xf32>,
        %get3A_159 = arith.index_cast %add3A_153 : i32 to index
        %get3A_160 = arith.constant 16 : index
        %get3A_161 = tpu.vector_load %arg10[%get3A_159, %get3A_160] {strides = array<i32>} : memref<80x128xf32, #tpu.memory_space<vmem>>, vector<16xf32>,
        %mul3A_162 = arith.mulf %get3A_161, %gather3A : vector<16xf32>
        %swap3A_163 = arith.index_cast %add3A_153 : i32 to index
        %swap3A_164 = arith.constant 16 : index
        %swap3A_165 = tpu.vector_load %arg10[%swap3A_163, %swap3A_164] {strides = array<i32>} : memref<80x128xf32, #tpu.memory_space<vmem>>, vector<16xf32>,
        tpu.vector_store %arg10[%swap3A_163, %swap3A_164], %mul3A_162 {strides = array<i32>} : memref<80x128xf32, #tpu.memory_space<vmem>>, vector<16xf32>,
        %get3A_166 = arith.index_cast %add3A_153 : i32 to index
        %get3A_167 = arith.constant 32 : index
        %get3A_168 = tpu.vector_load %arg10[%get3A_166, %get3A_167] {strides = array<i32>} : memref<80x128xf32, #tpu.memory_space<vmem>>, vector<16xf32>,
        %mul3A_169 = arith.mulf %get3A_168, %gather3A : vector<16xf32>
        %swap3A_170 = arith.index_cast %add3A_153 : i32 to index
        %swap3A_171 = arith.constant 32 : index
        %swap3A_172 = tpu.vector_load %arg10[%swap3A_170, %swap3A_171] {strides = array<i32>} : memref<80x128xf32, #tpu.memory_space<vmem>>, vector<16xf32>,
        tpu.vector_store %arg10[%swap3A_170, %swap3A_171], %mul3A_169 {strides = array<i32>} : memref<80x128xf32, #tpu.memory_space<vmem>>, vector<16xf32>,
        %get3A_173 = arith.index_cast %add3A_153 : i32 to index
        %get3A_174 = arith.constant 48 : index
        %get3A_175 = tpu.vector_load %arg10[%get3A_173, %get3A_174] {strides = array<i32>} : memref<80x128xf32, #tpu.memory_space<vmem>>, vector<16xf32>,
        %mul3A_176 = arith.mulf %get3A_175, %gather3A : vector<16xf32>
        %swap3A_177 = arith.index_cast %add3A_153 : i32 to index
        %swap3A_178 = arith.constant 48 : index
        %swap3A_179 = tpu.vector_load %arg10[%swap3A_177, %swap3A_178] {strides = array<i32>} : memref<80x128xf32, #tpu.memory_space<vmem>>, vector<16xf32>,
        tpu.vector_store %arg10[%swap3A_177, %swap3A_178], %mul3A_176 {strides = array<i32>} : memref<80x128xf32, #tpu.memory_space<vmem>>, vector<16xf32>,
        %get3A_180 = arith.index_cast %add3A_153 : i32 to index
        %get3A_181 = arith.constant 64 : index
        %get3A_182 = tpu.vector_load %arg10[%get3A_180, %get3A_181] {strides = array<i32>} : memref<80x128xf32, #tpu.memory_space<vmem>>, vector<16xf32>,
        %mul3A_183 = arith.mulf %get3A_182, %gather3A : vector<16xf32>
        %swap3A_184 = arith.index_cast %add3A_153 : i32 to index
        %swap3A_185 = arith.constant 64 : index
        %swap3A_186 = tpu.vector_load %arg10[%swap3A_184, %swap3A_185] {strides = array<i32>} : memref<80x128xf32, #tpu.memory_space<vmem>>, vector<16xf32>,
        tpu.vector_store %arg10[%swap3A_184, %swap3A_185], %mul3A_183 {strides = array<i32>} : memref<80x128xf32, #tpu.memory_space<vmem>>, vector<16xf32>,
        %get3A_187 = arith.index_cast %add3A_153 : i32 to index
        %get3A_188 = arith.constant 80 : index
        %get3A_189 = tpu.vector_load %arg10[%get3A_187, %get3A_188] {strides = array<i32>} : memref<80x128xf32, #tpu.memory_space<vmem>>, vector<16xf32>,
        %mul3A_190 = arith.mulf %get3A_189, %gather3A : vector<16xf32>
        %swap3A_191 = arith.index_cast %add3A_153 : i32 to index
        %swap3A_192 = arith.constant 80 : index
        %swap3A_193 = tpu.vector_load %arg10[%swap3A_191, %swap3A_192] {strides = array<i32>} : memref<80x128xf32, #tpu.memory_space<vmem>>, vector<16xf32>,
        tpu.vector_store %arg10[%swap3A_191, %swap3A_192], %mul3A_190 {strides = array<i32>} : memref<80x128xf32, #tpu.memory_space<vmem>>, vector<16xf32>,
        %get3A_194 = arith.index_cast %add3A_153 : i32 to index
        %get3A_195 = arith.constant 96 : index
        %get3A_196 = tpu.vector_load %arg10[%get3A_194, %get3A_195] {strides = array<i32>} : memref<80x128xf32, #tpu.memory_space<vmem>>, vector<16xf32>,
        %mul3A_197 = arith.mulf %get3A_196, %gather3A : vector<16xf32>
        %swap3A_198 = arith.index_cast %add3A_153 : i32 to index
        %swap3A_199 = arith.constant 96 : index
        %swap3A_200 = tpu.vector_load %arg10[%swap3A_198, %swap3A_199] {strides = array<i32>} : memref<80x128xf32, #tpu.memory_space<vmem>>, vector<16xf32>,
        tpu.vector_store %arg10[%swap3A_198, %swap3A_199], %mul3A_197 {strides = array<i32>} : memref<80x128xf32, #tpu.memory_space<vmem>>, vector<16xf32>,
        %get3A_201 = arith.index_cast %add3A_153 : i32 to index
        %get3A_202 = arith.constant 112 : index
        %get3A_203 = tpu.vector_load %arg10[%get3A_201, %get3A_202] {strides = array<i32>} : memref<80x128xf32, #tpu.memory_space<vmem>>, vector<16xf32>,
        %mul3A_204 = arith.mulf %get3A_203, %gather3A : vector<16xf32>
        %swap3A_205 = arith.index_cast %add3A_153 : i32 to index
        %swap3A_206 = arith.constant 112 : index
        %swap3A_207 = tpu.vector_load %arg10[%swap3A_205, %swap3A_206] {strides = array<i32>} : memref<80x128xf32, #tpu.memory_space<vmem>>, vector<16xf32>,
        tpu.vector_store %arg10[%swap3A_205, %swap3A_206], %mul3A_204 {strides = array<i32>} : memref<80x128xf32, #tpu.memory_space<vmem>>, vector<16xf32>,
        %mul3A_208 = arith.constant 4 : i32
        %mul3A_209 = arith.muli %scan3A_148, %mul3A_208 : i32
        %add3A_210 = arith.constant 1 : i32
        %add3A_211 = arith.addi %mul3A_209, %add3A_210 : i32
        %broadcast_in_dim3A_212 = vector.broadcast %add3A_211 : i32 to vector<16xi32>
        %gather3A_213 = tpu.vector_load_idx %arg9[%broadcast_in_dim3A_212] : memref<80xf32, #tpu.memory_space<vmem>>[vector<16xi32>], vector<16xf32>,
        %get3A_214 = arith.index_cast %add3A_211 : i32 to index
        %get3A_215 = arith.constant 0 : index
        %get3A_216 = tpu.vector_load %arg10[%get3A_214, %get3A_215] {strides = array<i32>} : memref<80x128xf32, #tpu.memory_space<vmem>>, vector<16xf32>,
        %mul3A_217 = arith.mulf %get3A_216, %gather3A_213 : vector<16xf32>
        %swap3A_218 = arith.index_cast %add3A_211 : i32 to index
        %swap3A_219 = arith.constant 0 : index
        %swap3A_220 = tpu.vector_load %arg10[%swap3A_218, %swap3A_219] {strides = array<i32>} : memref<80x128xf32, #tpu.memory_space<vmem>>, vector<16xf32>,
        tpu.vector_store %arg10[%swap3A_218, %swap3A_219], %mul3A_217 {strides = array<i32>} : memref<80x128xf32, #tpu.memory_space<vmem>>, vector<16xf32>,
        %get3A_221 = arith.index_cast %add3A_211 : i32 to index
        %get3A_222 = arith.constant 16 : index
        %get3A_223 = tpu.vector_load %arg10[%get3A_221, %get3A_222] {strides = array<i32>} : memref<80x128xf32, #tpu.memory_space<vmem>>, vector<16xf32>,
        %mul3A_224 = arith.mulf %get3A_223, %gather3A_213 : vector<16xf32>
        %swap3A_225 = arith.index_cast %add3A_211 : i32 to index
        %swap3A_226 = arith.constant 16 : index
        %swap3A_227 = tpu.vector_load %arg10[%swap3A_225, %swap3A_226] {strides = array<i32>} : memref<80x128xf32, #tpu.memory_space<vmem>>, vector<16xf32>,
        tpu.vector_store %arg10[%swap3A_225, %swap3A_226], %mul3A_224 {strides = array<i32>} : memref<80x128xf32, #tpu.memory_space<vmem>>, vector<16xf32>,
        %get3A_228 = arith.index_cast %add3A_211 : i32 to index
        %get3A_229 = arith.constant 32 : index
        %get3A_230 = tpu.vector_load %arg10[%get3A_228, %get3A_229] {strides = array<i32>} : memref<80x128xf32, #tpu.memory_space<vmem>>, vector<16xf32>,
        %mul3A_231 = arith.mulf %get3A_230, %gather3A_213 : vector<16xf32>
        %swap3A_232 = arith.index_cast %add3A_211 : i32 to index
        %swap3A_233 = arith.constant 32 : index
        %swap3A_234 = tpu.vector_load %arg10[%swap3A_232, %swap3A_233] {strides = array<i32>} : memref<80x128xf32, #tpu.memory_space<vmem>>, vector<16xf32>,
        tpu.vector_store %arg10[%swap3A_232, %swap3A_233], %mul3A_231 {strides = array<i32>} : memref<80x128xf32, #tpu.memory_space<vmem>>, vector<16xf32>,
        %get3A_235 = arith.index_cast %add3A_211 : i32 to index
        %get3A_236 = arith.constant 48 : index
        %get3A_237 = tpu.vector_load %arg10[%get3A_235, %get3A_236] {strides = array<i32>} : memref<80x128xf32, #tpu.memory_space<vmem>>, vector<16xf32>,
        %mul3A_238 = arith.mulf %get3A_237, %gather3A_213 : vector<16xf32>
        %swap3A_239 = arith.index_cast %add3A_211 : i32 to index
        %swap3A_240 = arith.constant 48 : index
        %swap3A_241 = tpu.vector_load %arg10[%swap3A_239, %swap3A_240] {strides = array<i32>} : memref<80x128xf32, #tpu.memory_space<vmem>>, vector<16xf32>,
        tpu.vector_store %arg10[%swap3A_239, %swap3A_240], %mul3A_238 {strides = array<i32>} : memref<80x128xf32, #tpu.memory_space<vmem>>, vector<16xf32>,
        %get3A_242 = arith.index_cast %add3A_211 : i32 to index
        %get3A_243 = arith.constant 64 : index
        %get3A_244 = tpu.vector_load %arg10[%get3A_242, %get3A_243] {strides = array<i32>} : memref<80x128xf32, #tpu.memory_space<vmem>>, vector<16xf32>,
        %mul3A_245 = arith.mulf %get3A_244, %gather3A_213 : vector<16xf32>
        %swap3A_246 = arith.index_cast %add3A_211 : i32 to index
        %swap3A_247 = arith.constant 64 : index
        %swap3A_248 = tpu.vector_load %arg10[%swap3A_246, %swap3A_247] {strides = array<i32>} : memref<80x128xf32, #tpu.memory_space<vmem>>, vector<16xf32>,
        tpu.vector_store %arg10[%swap3A_246, %swap3A_247], %mul3A_245 {strides = array<i32>} : memref<80x128xf32, #tpu.memory_space<vmem>>, vector<16xf32>,
        %get3A_249 = arith.index_cast %add3A_211 : i32 to index
        %get3A_250 = arith.constant 80 : index
        %get3A_251 = tpu.vector_load %arg10[%get3A_249, %get3A_250] {strides = array<i32>} : memref<80x128xf32, #tpu.memory_space<vmem>>, vector<16xf32>,
        %mul3A_252 = arith.mulf %get3A_251, %gather3A_213 : vector<16xf32>
        %swap3A_253 = arith.index_cast %add3A_211 : i32 to index
        %swap3A_254 = arith.constant 80 : index
        %swap3A_255 = tpu.vector_load %arg10[%swap3A_253, %swap3A_254] {strides = array<i32>} : memref<80x128xf32, #tpu.memory_space<vmem>>, vector<16xf32>,
        tpu.vector_store %arg10[%swap3A_253, %swap3A_254], %mul3A_252 {strides = array<i32>} : memref<80x128xf32, #tpu.memory_space<vmem>>, vector<16xf32>,
        %get3A_256 = arith.index_cast %add3A_211 : i32 to index
        %get3A_257 = arith.constant 96 : index
        %get3A_258 = tpu.vector_load %arg10[%get3A_256, %get3A_257] {strides = array<i32>} : memref<80x128xf32, #tpu.memory_space<vmem>>, vector<16xf32>,
        %mul3A_259 = arith.mulf %get3A_258, %gather3A_213 : vector<16xf32>
        %swap3A_260 = arith.index_cast %add3A_211 : i32 to index
        %swap3A_261 = arith.constant 96 : index
        %swap3A_262 = tpu.vector_load %arg10[%swap3A_260, %swap3A_261] {strides = array<i32>} : memref<80x128xf32, #tpu.memory_space<vmem>>, vector<16xf32>,
        tpu.vector_store %arg10[%swap3A_260, %swap3A_261], %mul3A_259 {strides = array<i32>} : memref<80x128xf32, #tpu.memory_space<vmem>>, vector<16xf32>,
        %get3A_263 = arith.index_cast %add3A_211 : i32 to index
        %get3A_264 = arith.constant 112 : index
        %get3A_265 = tpu.vector_load %arg10[%get3A_263, %get3A_264] {strides = array<i32>} : memref<80x128xf32, #tpu.memory_space<vmem>>, vector<16xf32>,
        %mul3A_266 = arith.mulf %get3A_265, %gather3A_213 : vector<16xf32>
        %swap3A_267 = arith.index_cast %add3A_211 : i32 to index
        %swap3A_268 = arith.constant 112 : index
        %swap3A_269 = tpu.vector_load %arg10[%swap3A_267, %swap3A_268] {strides = array<i32>} : memref<80x128xf32, #tpu.memory_space<vmem>>, vector<16xf32>,
        tpu.vector_store %arg10[%swap3A_267, %swap3A_268], %mul3A_266 {strides = array<i32>} : memref<80x128xf32, #tpu.memory_space<vmem>>, vector<16xf32>,
        %mul3A_270 = arith.constant 4 : i32
        %mul3A_271 = arith.muli %scan3A_148, %mul3A_270 : i32
        %add3A_272 = arith.constant 2 : i32
        %add3A_273 = arith.addi %mul3A_271, %add3A_272 : i32
        %broadcast_in_dim3A_274 = vector.broadcast %add3A_273 : i32 to vector<16xi32>
        %gather3A_275 = tpu.vector_load_idx %arg9[%broadcast_in_dim3A_274] : memref<80xf32, #tpu.memory_space<vmem>>[vector<16xi32>], vector<16xf32>,
        %get3A_276 = arith.index_cast %add3A_273 : i32 to index
        %get3A_277 = arith.constant 0 : index
        %get3A_278 = tpu.vector_load %arg10[%get3A_276, %get3A_277] {strides = array<i32>} : memref<80x128xf32, #tpu.memory_space<vmem>>, vector<16xf32>,
        %mul3A_279 = arith.mulf %get3A_278, %gather3A_275 : vector<16xf32>
        %swap3A_280 = arith.index_cast %add3A_273 : i32 to index
        %swap3A_281 = arith.constant 0 : index
        %swap3A_282 = tpu.vector_load %arg10[%swap3A_280, %swap3A_281] {strides = array<i32>} : memref<80x128xf32, #tpu.memory_space<vmem>>, vector<16xf32>,
        tpu.vector_store %arg10[%swap3A_280, %swap3A_281], %mul3A_279 {strides = array<i32>} : memref<80x128xf32, #tpu.memory_space<vmem>>, vector<16xf32>,
        %get3A_283 = arith.index_cast %add3A_273 : i32 to index
        %get3A_284 = arith.constant 16 : index
        %get3A_285 = tpu.vector_load %arg10[%get3A_283, %get3A_284] {strides = array<i32>} : memref<80x128xf32, #tpu.memory_space<vmem>>, vector<16xf32>,
        %mul3A_286 = arith.mulf %get3A_285, %gather3A_275 : vector<16xf32>
        %swap3A_287 = arith.index_cast %add3A_273 : i32 to index
        %swap3A_288 = arith.constant 16 : index
        %swap3A_289 = tpu.vector_load %arg10[%swap3A_287, %swap3A_288] {strides = array<i32>} : memref<80x128xf32, #tpu.memory_space<vmem>>, vector<16xf32>,
        tpu.vector_store %arg10[%swap3A_287, %swap3A_288], %mul3A_286 {strides = array<i32>} : memref<80x128xf32, #tpu.memory_space<vmem>>, vector<16xf32>,
        %get3A_290 = arith.index_cast %add3A_273 : i32 to index
        %get3A_291 = arith.constant 32 : index
        %get3A_292 = tpu.vector_load %arg10[%get3A_290, %get3A_291] {strides = array<i32>} : memref<80x128xf32, #tpu.memory_space<vmem>>, vector<16xf32>,
        %mul3A_293 = arith.mulf %get3A_292, %gather3A_275 : vector<16xf32>
        %swap3A_294 = arith.index_cast %add3A_273 : i32 to index
        %swap3A_295 = arith.constant 32 : index
        %swap3A_296 = tpu.vector_load %arg10[%swap3A_294, %swap3A_295] {strides = array<i32>} : memref<80x128xf32, #tpu.memory_space<vmem>>, vector<16xf32>,
        tpu.vector_store %arg10[%swap3A_294, %swap3A_295], %mul3A_293 {strides = array<i32>} : memref<80x128xf32, #tpu.memory_space<vmem>>, vector<16xf32>,
        %get3A_297 = arith.index_cast %add3A_273 : i32 to index
        %get3A_298 = arith.constant 48 : index
        %get3A_299 = tpu.vector_load %arg10[%get3A_297, %get3A_298] {strides = array<i32>} : memref<80x128xf32, #tpu.memory_space<vmem>>, vector<16xf32>,
        %mul3A_300 = arith.mulf %get3A_299, %gather3A_275 : vector<16xf32>
        %swap3A_301 = arith.index_cast %add3A_273 : i32 to index
        %swap3A_302 = arith.constant 48 : index
        %swap3A_303 = tpu.vector_load %arg10[%swap3A_301, %swap3A_302] {strides = array<i32>} : memref<80x128xf32, #tpu.memory_space<vmem>>, vector<16xf32>,
        tpu.vector_store %arg10[%swap3A_301, %swap3A_302], %mul3A_300 {strides = array<i32>} : memref<80x128xf32, #tpu.memory_space<vmem>>, vector<16xf32>,
        %get3A_304 = arith.index_cast %add3A_273 : i32 to index
        %get3A_305 = arith.constant 64 : index
        %get3A_306 = tpu.vector_load %arg10[%get3A_304, %get3A_305] {strides = array<i32>} : memref<80x128xf32, #tpu.memory_space<vmem>>, vector<16xf32>,
        %mul3A_307 = arith.mulf %get3A_306, %gather3A_275 : vector<16xf32>
        %swap3A_308 = arith.index_cast %add3A_273 : i32 to index
        %swap3A_309 = arith.constant 64 : index
        %swap3A_310 = tpu.vector_load %arg10[%swap3A_308, %swap3A_309] {strides = array<i32>} : memref<80x128xf32, #tpu.memory_space<vmem>>, vector<16xf32>,
        tpu.vector_store %arg10[%swap3A_308, %swap3A_309], %mul3A_307 {strides = array<i32>} : memref<80x128xf32, #tpu.memory_space<vmem>>, vector<16xf32>,
        %get3A_311 = arith.index_cast %add3A_273 : i32 to index
        %get3A_312 = arith.constant 80 : index
        %get3A_313 = tpu.vector_load %arg10[%get3A_311, %get3A_312] {strides = array<i32>} : memref<80x128xf32, #tpu.memory_space<vmem>>, vector<16xf32>,
        %mul3A_314 = arith.mulf %get3A_313, %gather3A_275 : vector<16xf32>
        %swap3A_315 = arith.index_cast %add3A_273 : i32 to index
        %swap3A_316 = arith.constant 80 : index
        %swap3A_317 = tpu.vector_load %arg10[%swap3A_315, %swap3A_316] {strides = array<i32>} : memref<80x128xf32, #tpu.memory_space<vmem>>, vector<16xf32>,
        tpu.vector_store %arg10[%swap3A_315, %swap3A_316], %mul3A_314 {strides = array<i32>} : memref<80x128xf32, #tpu.memory_space<vmem>>, vector<16xf32>,
        %get3A_318 = arith.index_cast %add3A_273 : i32 to index
        %get3A_319 = arith.constant 96 : index
        %get3A_320 = tpu.vector_load %arg10[%get3A_318, %get3A_319] {strides = array<i32>} : memref<80x128xf32, #tpu.memory_space<vmem>>, vector<16xf32>,
        %mul3A_321 = arith.mulf %get3A_320, %gather3A_275 : vector<16xf32>
        %swap3A_322 = arith.index_cast %add3A_273 : i32 to index
        %swap3A_323 = arith.constant 96 : index
        %swap3A_324 = tpu.vector_load %arg10[%swap3A_322, %swap3A_323] {strides = array<i32>} : memref<80x128xf32, #tpu.memory_space<vmem>>, vector<16xf32>,
        tpu.vector_store %arg10[%swap3A_322, %swap3A_323], %mul3A_321 {strides = array<i32>} : memref<80x128xf32, #tpu.memory_space<vmem>>, vector<16xf32>,
        %get3A_325 = arith.index_cast %add3A_273 : i32 to index
        %get3A_326 = arith.constant 112 : index
        %get3A_327 = tpu.vector_load %arg10[%get3A_325, %get3A_326] {strides = array<i32>} : memref<80x128xf32, #tpu.memory_space<vmem>>, vector<16xf32>,
        %mul3A_328 = arith.mulf %get3A_327, %gather3A_275 : vector<16xf32>
        %swap3A_329 = arith.index_cast %add3A_273 : i32 to index
        %swap3A_330 = arith.constant 112 : index
        %swap3A_331 = tpu.vector_load %arg10[%swap3A_329, %swap3A_330] {strides = array<i32>} : memref<80x128xf32, #tpu.memory_space<vmem>>, vector<16xf32>,
        tpu.vector_store %arg10[%swap3A_329, %swap3A_330], %mul3A_328 {strides = array<i32>} : memref<80x128xf32, #tpu.memory_space<vmem>>, vector<16xf32>,
        %mul3A_332 = arith.constant 4 : i32
        %mul3A_333 = arith.muli %scan3A_148, %mul3A_332 : i32
        %add3A_334 = arith.constant 3 : i32
        %add3A_335 = arith.addi %mul3A_333, %add3A_334 : i32
        %broadcast_in_dim3A_336 = vector.broadcast %add3A_335 : i32 to vector<16xi32>
        %gather3A_337 = tpu.vector_load_idx %arg9[%broadcast_in_dim3A_336] : memref<80xf32, #tpu.memory_space<vmem>>[vector<16xi32>], vector<16xf32>,
        %get3A_338 = arith.index_cast %add3A_335 : i32 to index
        %get3A_339 = arith.constant 0 : index
        %get3A_340 = tpu.vector_load %arg10[%get3A_338, %get3A_339] {strides = array<i32>} : memref<80x128xf32, #tpu.memory_space<vmem>>, vector<16xf32>,
        %mul3A_341 = arith.mulf %get3A_340, %gather3A_337 : vector<16xf32>
        %swap3A_342 = arith.index_cast %add3A_335 : i32 to index
        %swap3A_343 = arith.constant 0 : index
        %swap3A_344 = tpu.vector_load %arg10[%swap3A_342, %swap3A_343] {strides = array<i32>} : memref<80x128xf32, #tpu.memory_space<vmem>>, vector<16xf32>,
        tpu.vector_store %arg10[%swap3A_342, %swap3A_343], %mul3A_341 {strides = array<i32>} : memref<80x128xf32, #tpu.memory_space<vmem>>, vector<16xf32>,
        %get3A_345 = arith.index_cast %add3A_335 : i32 to index
        %get3A_346 = arith.constant 16 : index
        %get3A_347 = tpu.vector_load %arg10[%get3A_345, %get3A_346] {strides = array<i32>} : memref<80x128xf32, #tpu.memory_space<vmem>>, vector<16xf32>,
        %mul3A_348 = arith.mulf %get3A_347, %gather3A_337 : vector<16xf32>
        %swap3A_349 = arith.index_cast %add3A_335 : i32 to index
        %swap3A_350 = arith.constant 16 : index
        %swap3A_351 = tpu.vector_load %arg10[%swap3A_349, %swap3A_350] {strides = array<i32>} : memref<80x128xf32, #tpu.memory_space<vmem>>, vector<16xf32>,
        tpu.vector_store %arg10[%swap3A_349, %swap3A_350], %mul3A_348 {strides = array<i32>} : memref<80x128xf32, #tpu.memory_space<vmem>>, vector<16xf32>,
        %get3A_352 = arith.index_cast %add3A_335 : i32 to index
        %get3A_353 = arith.constant 32 : index
        %get3A_354 = tpu.vector_load %arg10[%get3A_352, %get3A_353] {strides = array<i32>} : memref<80x128xf32, #tpu.memory_space<vmem>>, vector<16xf32>,
        %mul3A_355 = arith.mulf %get3A_354, %gather3A_337 : vector<16xf32>
        %swap3A_356 = arith.index_cast %add3A_335 : i32 to index
        %swap3A_357 = arith.constant 32 : index
        %swap3A_358 = tpu.vector_load %arg10[%swap3A_356, %swap3A_357] {strides = array<i32>} : memref<80x128xf32, #tpu.memory_space<vmem>>, vector<16xf32>,
        tpu.vector_store %arg10[%swap3A_356, %swap3A_357], %mul3A_355 {strides = array<i32>} : memref<80x128xf32, #tpu.memory_space<vmem>>, vector<16xf32>,
        %get3A_359 = arith.index_cast %add3A_335 : i32 to index
        %get3A_360 = arith.constant 48 : index
        %get3A_361 = tpu.vector_load %arg10[%get3A_359, %get3A_360] {strides = array<i32>} : memref<80x128xf32, #tpu.memory_space<vmem>>, vector<16xf32>,
        %mul3A_362 = arith.mulf %get3A_361, %gather3A_337 : vector<16xf32>
        %swap3A_363 = arith.index_cast %add3A_335 : i32 to index
        %swap3A_364 = arith.constant 48 : index
        %swap3A_365 = tpu.vector_load %arg10[%swap3A_363, %swap3A_364] {strides = array<i32>} : memref<80x128xf32, #tpu.memory_space<vmem>>, vector<16xf32>,
        tpu.vector_store %arg10[%swap3A_363, %swap3A_364], %mul3A_362 {strides = array<i32>} : memref<80x128xf32, #tpu.memory_space<vmem>>, vector<16xf32>,
        %get3A_366 = arith.index_cast %add3A_335 : i32 to index
        %get3A_367 = arith.constant 64 : index
        %get3A_368 = tpu.vector_load %arg10[%get3A_366, %get3A_367] {strides = array<i32>} : memref<80x128xf32, #tpu.memory_space<vmem>>, vector<16xf32>,
        %mul3A_369 = arith.mulf %get3A_368, %gather3A_337 : vector<16xf32>
        %swap3A_370 = arith.index_cast %add3A_335 : i32 to index
        %swap3A_371 = arith.constant 64 : index
        %swap3A_372 = tpu.vector_load %arg10[%swap3A_370, %swap3A_371] {strides = array<i32>} : memref<80x128xf32, #tpu.memory_space<vmem>>, vector<16xf32>,
        tpu.vector_store %arg10[%swap3A_370, %swap3A_371], %mul3A_369 {strides = array<i32>} : memref<80x128xf32, #tpu.memory_space<vmem>>, vector<16xf32>,
        %get3A_373 = arith.index_cast %add3A_335 : i32 to index
        %get3A_374 = arith.constant 80 : index
        %get3A_375 = tpu.vector_load %arg10[%get3A_373, %get3A_374] {strides = array<i32>} : memref<80x128xf32, #tpu.memory_space<vmem>>, vector<16xf32>,
        %mul3A_376 = arith.mulf %get3A_375, %gather3A_337 : vector<16xf32>
        %swap3A_377 = arith.index_cast %add3A_335 : i32 to index
        %swap3A_378 = arith.constant 80 : index
        %swap3A_379 = tpu.vector_load %arg10[%swap3A_377, %swap3A_378] {strides = array<i32>} : memref<80x128xf32, #tpu.memory_space<vmem>>, vector<16xf32>,
        tpu.vector_store %arg10[%swap3A_377, %swap3A_378], %mul3A_376 {strides = array<i32>} : memref<80x128xf32, #tpu.memory_space<vmem>>, vector<16xf32>,
        %get3A_380 = arith.index_cast %add3A_335 : i32 to index
        %get3A_381 = arith.constant 96 : index
        %get3A_382 = tpu.vector_load %arg10[%get3A_380, %get3A_381] {strides = array<i32>} : memref<80x128xf32, #tpu.memory_space<vmem>>, vector<16xf32>,
        %mul3A_383 = arith.mulf %get3A_382, %gather3A_337 : vector<16xf32>
        %swap3A_384 = arith.index_cast %add3A_335 : i32 to index
        %swap3A_385 = arith.constant 96 : index
        %swap3A_386 = tpu.vector_load %arg10[%swap3A_384, %swap3A_385] {strides = array<i32>} : memref<80x128xf32, #tpu.memory_space<vmem>>, vector<16xf32>,
        tpu.vector_store %arg10[%swap3A_384, %swap3A_385], %mul3A_383 {strides = array<i32>} : memref<80x128xf32, #tpu.memory_space<vmem>>, vector<16xf32>,
        %get3A_387 = arith.index_cast %add3A_335 : i32 to index
        %get3A_388 = arith.constant 112 : index
        %get3A_389 = tpu.vector_load %arg10[%get3A_387, %get3A_388] {strides = array<i32>} : memref<80x128xf32, #tpu.memory_space<vmem>>, vector<16xf32>,
        %mul3A_390 = arith.mulf %get3A_389, %gather3A_337 : vector<16xf32>
        %swap3A_391 = arith.index_cast %add3A_335 : i32 to index
        %swap3A_392 = arith.constant 112 : index
        %swap3A_393 = tpu.vector_load %arg10[%swap3A_391, %swap3A_392] {strides = array<i32>} : memref<80x128xf32, #tpu.memory_space<vmem>>, vector<16xf32>,
        tpu.vector_store %arg10[%swap3A_391, %swap3A_392], %mul3A_390 {strides = array<i32>} : memref<80x128xf32, #tpu.memory_space<vmem>>, vector<16xf32>,
        %scan3A_394 = arith.constant 0 : i32
        scf.yield %scan3A_394 : i32
      }
      %scan3A_146 = arith.constant 20 : i32
      "tpu.region"() ({
        %run_scoped3A = tpu.sem_alloc : memref<!tpu.dma_semaphore, #tpu.memory_space<semaphore_mem>>
        %dma_start3A_148 = arith.constant 0 : i32
        %dma_start3A_149 = tpu.memref_slice %arg8[%scan3A_123, %dma_start3A_148] : memref<125x80xi32, #tpu.memory_space<vmem>> -> memref<1x80xi32, #tpu.memory_space<vmem>>
        %dma_start3A_150 = tpu.memref_squeeze %dma_start3A_149 : memref<1x80xi32, #tpu.memory_space<vmem>> -> memref<80xi32, #tpu.memory_space<vmem>>
        %dma_start3A_151 = arith.constant 0 : i32
        %dma_start3A_152 = arith.constant 0 : i32
        %dma_start3A_153 = tpu.memref_slice %arg11[%dma_start3A_151, %dma_start3A_152] : memref<10000x128xf32, #tpu.memory_space<vmem_shared>> -> memref<10000x128xf32, #tpu.memory_space<vmem_shared>>
        tpu.enqueue_indirect_dma source(%arg10 : memref<80x128xf32, #tpu.memory_space<vmem>>) target(%dma_start3A_153 : memref<10000x128xf32, #tpu.memory_space<vmem_shared>>) offsets(%dma_start3A_150 : memref<80xi32, #tpu.memory_space<vmem>>) semaphore(%run_scoped3A : memref<!tpu.dma_semaphore, #tpu.memory_space<semaphore_mem>>) {add = true}
        %dma_wait3A_154 = arith.constant 0 : i32
        %dma_wait3A_155 = tpu.memref_slice %arg8[%scan3A_123, %dma_wait3A_154] : memref<125x80xi32, #tpu.memory_space<vmem>> -> memref<1x80xi32, #tpu.memory_space<vmem>>
        %dma_wait3A_156 = tpu.memref_squeeze %dma_wait3A_155 : memref<1x80xi32, #tpu.memory_space<vmem>> -> memref<80xi32, #tpu.memory_space<vmem>>
        %dma_wait3A_157 = arith.constant 0 : i32
        %dma_wait3A_158 = arith.constant 0 : i32
        %dma_wait3A_159 = tpu.memref_slice %arg11[%dma_wait3A_157, %dma_wait3A_158] : memref<10000x128xf32, #tpu.memory_space<vmem_shared>> -> memref<10000x128xf32, #tpu.memory_space<vmem_shared>>
        tpu.wait_indirect_dma semaphore(%run_scoped3A : memref<!tpu.dma_semaphore, #tpu.memory_space<semaphore_mem>>) src(%arg10 : memref<80x128xf32, #tpu.memory_space<vmem>>) dst(%dma_wait3A_159 : memref<10000x128xf32, #tpu.memory_space<vmem_shared>>)
        tpu.yield
      }) : () -> ()
      %scan3A_147 = arith.constant 0 : i32
      scf.yield %scan3A_147 : i32
    }
    %scan3A_65 = arith.constant 125 : i32
    %barrier3A_66 = arith.constant 0 : index
    tpu.barrier barrier_id(%barrier3A_66)
    %lt3A_67 = arith.constant 15 : i32
    %lt3A_68 = arith.cmpi slt, %arg1, %lt3A_67 : i32
    %or3A_69 = arith.constant true
    %or3A_70 = arith.ori %lt3A_68, %or3A_69 : i1
    %convert_element_type3A_71 = arith.extui %or3A_70 : i1 to i32
    %cond3A_72 = arith.constant 0 : i32
    %cond3A_73 = arith.cmpi ne, %convert_element_type3A_71, %cond3A_72 : i32
    scf.if %cond3A_73 {
      %mul3A_123 = arith.constant 640 : i32
      %mul3A_124 = arith.muli %arg1, %mul3A_123 : i32
      %add3A_125 = arith.constant 0 : i32
      %add3A_126 = arith.addi %mul3A_124, %add3A_125 : i32
      "tpu.region"() ({
        %run_scoped3A = tpu.sem_alloc : memref<!tpu.dma_semaphore, #tpu.memory_space<semaphore_mem>>
        %dma_start3A = arith.constant 0 : i32
        %dma_start3A_127 = tpu.memref_slice %arg6[%arg0, %add3A_126, %dma_start3A] : memref<2x10000x128xf32, #tpu.memory_space<hbm>> -> memref<1x80x128xf32, #tpu.memory_space<hbm>>
        %dma_start3A_128 = tpu.memref_squeeze %dma_start3A_127 : memref<1x80x128xf32, #tpu.memory_space<hbm>> -> memref<80x128xf32, #tpu.memory_space<hbm>>
        %dma_start3A_129 = arith.constant 0 : i32
        %dma_start3A_130 = tpu.memref_slice %arg11[%add3A_126, %dma_start3A_129] : memref<10000x128xf32, #tpu.memory_space<vmem_shared>> -> memref<80x128xf32, #tpu.memory_space<vmem_shared>>
        tpu.enqueue_dma source(%dma_start3A_130 : memref<80x128xf32, #tpu.memory_space<vmem_shared>>) target(%dma_start3A_128 : memref<80x128xf32, #tpu.memory_space<hbm>>) target_semaphore(%run_scoped3A : memref<!tpu.dma_semaphore, #tpu.memory_space<semaphore_mem>>)
        %dma_wait3A = arith.constant 0 : i32
        %dma_wait3A_131 = tpu.memref_slice %arg6[%arg0, %add3A_126, %dma_wait3A] : memref<2x10000x128xf32, #tpu.memory_space<hbm>> -> memref<1x80x128xf32, #tpu.memory_space<hbm>>
        %dma_wait3A_132 = tpu.memref_squeeze %dma_wait3A_131 : memref<1x80x128xf32, #tpu.memory_space<hbm>> -> memref<80x128xf32, #tpu.memory_space<hbm>>
        %dma_wait3A_133 = arith.constant 0 : i32
        %dma_wait3A_134 = tpu.memref_slice %arg11[%add3A_126, %dma_wait3A_133] : memref<10000x128xf32, #tpu.memory_space<vmem_shared>> -> memref<80x128xf32, #tpu.memory_space<vmem_shared>>
        tpu.wait_dma2 semaphore(%run_scoped3A : memref<!tpu.dma_semaphore, #tpu.memory_space<semaphore_mem>>) src(%dma_wait3A_134 : memref<80x128xf32, #tpu.memory_space<vmem_shared>>) dst(%dma_wait3A_132 : memref<80x128xf32, #tpu.memory_space<hbm>>)
        tpu.yield
      }) : () -> ()
    } else {
    }
    %lt3A_74 = arith.constant 15 : i32
    %lt3A_75 = arith.cmpi slt, %arg1, %lt3A_74 : i32
    %or3A_76 = arith.constant true
    %or3A_77 = arith.ori %lt3A_75, %or3A_76 : i1
    %convert_element_type3A_78 = arith.extui %or3A_77 : i1 to i32
    %cond3A_79 = arith.constant 0 : i32
    %cond3A_80 = arith.cmpi ne, %convert_element_type3A_78, %cond3A_79 : i32
    scf.if %cond3A_80 {
      %mul3A_123 = arith.constant 640 : i32
      %mul3A_124 = arith.muli %arg1, %mul3A_123 : i32
      %add3A_125 = arith.constant 80 : i32
      %add3A_126 = arith.addi %mul3A_124, %add3A_125 : i32
      "tpu.region"() ({
        %run_scoped3A = tpu.sem_alloc : memref<!tpu.dma_semaphore, #tpu.memory_space<semaphore_mem>>
        %dma_start3A = arith.constant 0 : i32
        %dma_start3A_127 = tpu.memref_slice %arg6[%arg0, %add3A_126, %dma_start3A] : memref<2x10000x128xf32, #tpu.memory_space<hbm>> -> memref<1x80x128xf32, #tpu.memory_space<hbm>>
        %dma_start3A_128 = tpu.memref_squeeze %dma_start3A_127 : memref<1x80x128xf32, #tpu.memory_space<hbm>> -> memref<80x128xf32, #tpu.memory_space<hbm>>
        %dma_start3A_129 = arith.constant 0 : i32
        %dma_start3A_130 = tpu.memref_slice %arg11[%add3A_126, %dma_start3A_129] : memref<10000x128xf32, #tpu.memory_space<vmem_shared>> -> memref<80x128xf32, #tpu.memory_space<vmem_shared>>
        tpu.enqueue_dma source(%dma_start3A_130 : memref<80x128xf32, #tpu.memory_space<vmem_shared>>) target(%dma_start3A_128 : memref<80x128xf32, #tpu.memory_space<hbm>>) target_semaphore(%run_scoped3A : memref<!tpu.dma_semaphore, #tpu.memory_space<semaphore_mem>>)
        %dma_wait3A = arith.constant 0 : i32
        %dma_wait3A_131 = tpu.memref_slice %arg6[%arg0, %add3A_126, %dma_wait3A] : memref<2x10000x128xf32, #tpu.memory_space<hbm>> -> memref<1x80x128xf32, #tpu.memory_space<hbm>>
        %dma_wait3A_132 = tpu.memref_squeeze %dma_wait3A_131 : memref<1x80x128xf32, #tpu.memory_space<hbm>> -> memref<80x128xf32, #tpu.memory_space<hbm>>
        %dma_wait3A_133 = arith.constant 0 : i32
        %dma_wait3A_134 = tpu.memref_slice %arg11[%add3A_126, %dma_wait3A_133] : memref<10000x128xf32, #tpu.memory_space<vmem_shared>> -> memref<80x128xf32, #tpu.memory_space<vmem_shared>>
        tpu.wait_dma2 semaphore(%run_scoped3A : memref<!tpu.dma_semaphore, #tpu.memory_space<semaphore_mem>>) src(%dma_wait3A_134 : memref<80x128xf32, #tpu.memory_space<vmem_shared>>) dst(%dma_wait3A_132 : memref<80x128xf32, #tpu.memory_space<hbm>>)
        tpu.yield
      }) : () -> ()
    } else {
    }
    %lt3A_81 = arith.constant 15 : i32
    %lt3A_82 = arith.cmpi slt, %arg1, %lt3A_81 : i32
    %or3A_83 = arith.constant true
    %or3A_84 = arith.ori %lt3A_82, %or3A_83 : i1
    %convert_element_type3A_85 = arith.extui %or3A_84 : i1 to i32
    %cond3A_86 = arith.constant 0 : i32
    %cond3A_87 = arith.cmpi ne, %convert_element_type3A_85, %cond3A_86 : i32
    scf.if %cond3A_87 {
      %mul3A_123 = arith.constant 640 : i32
      %mul3A_124 = arith.muli %arg1, %mul3A_123 : i32
      %add3A_125 = arith.constant 160 : i32
      %add3A_126 = arith.addi %mul3A_124, %add3A_125 : i32
      "tpu.region"() ({
        %run_scoped3A = tpu.sem_alloc : memref<!tpu.dma_semaphore, #tpu.memory_space<semaphore_mem>>
        %dma_start3A = arith.constant 0 : i32
        %dma_start3A_127 = tpu.memref_slice %arg6[%arg0, %add3A_126, %dma_start3A] : memref<2x10000x128xf32, #tpu.memory_space<hbm>> -> memref<1x80x128xf32, #tpu.memory_space<hbm>>
        %dma_start3A_128 = tpu.memref_squeeze %dma_start3A_127 : memref<1x80x128xf32, #tpu.memory_space<hbm>> -> memref<80x128xf32, #tpu.memory_space<hbm>>
        %dma_start3A_129 = arith.constant 0 : i32
        %dma_start3A_130 = tpu.memref_slice %arg11[%add3A_126, %dma_start3A_129] : memref<10000x128xf32, #tpu.memory_space<vmem_shared>> -> memref<80x128xf32, #tpu.memory_space<vmem_shared>>
        tpu.enqueue_dma source(%dma_start3A_130 : memref<80x128xf32, #tpu.memory_space<vmem_shared>>) target(%dma_start3A_128 : memref<80x128xf32, #tpu.memory_space<hbm>>) target_semaphore(%run_scoped3A : memref<!tpu.dma_semaphore, #tpu.memory_space<semaphore_mem>>)
        %dma_wait3A = arith.constant 0 : i32
        %dma_wait3A_131 = tpu.memref_slice %arg6[%arg0, %add3A_126, %dma_wait3A] : memref<2x10000x128xf32, #tpu.memory_space<hbm>> -> memref<1x80x128xf32, #tpu.memory_space<hbm>>
        %dma_wait3A_132 = tpu.memref_squeeze %dma_wait3A_131 : memref<1x80x128xf32, #tpu.memory_space<hbm>> -> memref<80x128xf32, #tpu.memory_space<hbm>>
        %dma_wait3A_133 = arith.constant 0 : i32
        %dma_wait3A_134 = tpu.memref_slice %arg11[%add3A_126, %dma_wait3A_133] : memref<10000x128xf32, #tpu.memory_space<vmem_shared>> -> memref<80x128xf32, #tpu.memory_space<vmem_shared>>
        tpu.wait_dma2 semaphore(%run_scoped3A : memref<!tpu.dma_semaphore, #tpu.memory_space<semaphore_mem>>) src(%dma_wait3A_134 : memref<80x128xf32, #tpu.memory_space<vmem_shared>>) dst(%dma_wait3A_132 : memref<80x128xf32, #tpu.memory_space<hbm>>)
        tpu.yield
      }) : () -> ()
    } else {
    }
    %lt3A_88 = arith.constant 15 : i32
    %lt3A_89 = arith.cmpi slt, %arg1, %lt3A_88 : i32
    %or3A_90 = arith.constant true
    %or3A_91 = arith.ori %lt3A_89, %or3A_90 : i1
    %convert_element_type3A_92 = arith.extui %or3A_91 : i1 to i32
    %cond3A_93 = arith.constant 0 : i32
    %cond3A_94 = arith.cmpi ne, %convert_element_type3A_92, %cond3A_93 : i32
    scf.if %cond3A_94 {
      %mul3A_123 = arith.constant 640 : i32
      %mul3A_124 = arith.muli %arg1, %mul3A_123 : i32
      %add3A_125 = arith.constant 240 : i32
      %add3A_126 = arith.addi %mul3A_124, %add3A_125 : i32
      "tpu.region"() ({
        %run_scoped3A = tpu.sem_alloc : memref<!tpu.dma_semaphore, #tpu.memory_space<semaphore_mem>>
        %dma_start3A = arith.constant 0 : i32
        %dma_start3A_127 = tpu.memref_slice %arg6[%arg0, %add3A_126, %dma_start3A] : memref<2x10000x128xf32, #tpu.memory_space<hbm>> -> memref<1x80x128xf32, #tpu.memory_space<hbm>>
        %dma_start3A_128 = tpu.memref_squeeze %dma_start3A_127 : memref<1x80x128xf32, #tpu.memory_space<hbm>> -> memref<80x128xf32, #tpu.memory_space<hbm>>
        %dma_start3A_129 = arith.constant 0 : i32
        %dma_start3A_130 = tpu.memref_slice %arg11[%add3A_126, %dma_start3A_129] : memref<10000x128xf32, #tpu.memory_space<vmem_shared>> -> memref<80x128xf32, #tpu.memory_space<vmem_shared>>
        tpu.enqueue_dma source(%dma_start3A_130 : memref<80x128xf32, #tpu.memory_space<vmem_shared>>) target(%dma_start3A_128 : memref<80x128xf32, #tpu.memory_space<hbm>>) target_semaphore(%run_scoped3A : memref<!tpu.dma_semaphore, #tpu.memory_space<semaphore_mem>>)
        %dma_wait3A = arith.constant 0 : i32
        %dma_wait3A_131 = tpu.memref_slice %arg6[%arg0, %add3A_126, %dma_wait3A] : memref<2x10000x128xf32, #tpu.memory_space<hbm>> -> memref<1x80x128xf32, #tpu.memory_space<hbm>>
        %dma_wait3A_132 = tpu.memref_squeeze %dma_wait3A_131 : memref<1x80x128xf32, #tpu.memory_space<hbm>> -> memref<80x128xf32, #tpu.memory_space<hbm>>
        %dma_wait3A_133 = arith.constant 0 : i32
        %dma_wait3A_134 = tpu.memref_slice %arg11[%add3A_126, %dma_wait3A_133] : memref<10000x128xf32, #tpu.memory_space<vmem_shared>> -> memref<80x128xf32, #tpu.memory_space<vmem_shared>>
        tpu.wait_dma2 semaphore(%run_scoped3A : memref<!tpu.dma_semaphore, #tpu.memory_space<semaphore_mem>>) src(%dma_wait3A_134 : memref<80x128xf32, #tpu.memory_space<vmem_shared>>) dst(%dma_wait3A_132 : memref<80x128xf32, #tpu.memory_space<hbm>>)
        tpu.yield
      }) : () -> ()
    } else {
    }
    %lt3A_95 = arith.constant 15 : i32
    %lt3A_96 = arith.cmpi slt, %arg1, %lt3A_95 : i32
    %or3A_97 = arith.constant true
    %or3A_98 = arith.ori %lt3A_96, %or3A_97 : i1
    %convert_element_type3A_99 = arith.extui %or3A_98 : i1 to i32
    %cond3A_100 = arith.constant 0 : i32
    %cond3A_101 = arith.cmpi ne, %convert_element_type3A_99, %cond3A_100 : i32
    scf.if %cond3A_101 {
      %mul3A_123 = arith.constant 640 : i32
      %mul3A_124 = arith.muli %arg1, %mul3A_123 : i32
      %add3A_125 = arith.constant 320 : i32
      %add3A_126 = arith.addi %mul3A_124, %add3A_125 : i32
      "tpu.region"() ({
        %run_scoped3A = tpu.sem_alloc : memref<!tpu.dma_semaphore, #tpu.memory_space<semaphore_mem>>
        %dma_start3A = arith.constant 0 : i32
        %dma_start3A_127 = tpu.memref_slice %arg6[%arg0, %add3A_126, %dma_start3A] : memref<2x10000x128xf32, #tpu.memory_space<hbm>> -> memref<1x80x128xf32, #tpu.memory_space<hbm>>
        %dma_start3A_128 = tpu.memref_squeeze %dma_start3A_127 : memref<1x80x128xf32, #tpu.memory_space<hbm>> -> memref<80x128xf32, #tpu.memory_space<hbm>>
        %dma_start3A_129 = arith.constant 0 : i32
        %dma_start3A_130 = tpu.memref_slice %arg11[%add3A_126, %dma_start3A_129] : memref<10000x128xf32, #tpu.memory_space<vmem_shared>> -> memref<80x128xf32, #tpu.memory_space<vmem_shared>>
        tpu.enqueue_dma source(%dma_start3A_130 : memref<80x128xf32, #tpu.memory_space<vmem_shared>>) target(%dma_start3A_128 : memref<80x128xf32, #tpu.memory_space<hbm>>) target_semaphore(%run_scoped3A : memref<!tpu.dma_semaphore, #tpu.memory_space<semaphore_mem>>)
        %dma_wait3A = arith.constant 0 : i32
        %dma_wait3A_131 = tpu.memref_slice %arg6[%arg0, %add3A_126, %dma_wait3A] : memref<2x10000x128xf32, #tpu.memory_space<hbm>> -> memref<1x80x128xf32, #tpu.memory_space<hbm>>
        %dma_wait3A_132 = tpu.memref_squeeze %dma_wait3A_131 : memref<1x80x128xf32, #tpu.memory_space<hbm>> -> memref<80x128xf32, #tpu.memory_space<hbm>>
        %dma_wait3A_133 = arith.constant 0 : i32
        %dma_wait3A_134 = tpu.memref_slice %arg11[%add3A_126, %dma_wait3A_133] : memref<10000x128xf32, #tpu.memory_space<vmem_shared>> -> memref<80x128xf32, #tpu.memory_space<vmem_shared>>
        tpu.wait_dma2 semaphore(%run_scoped3A : memref<!tpu.dma_semaphore, #tpu.memory_space<semaphore_mem>>) src(%dma_wait3A_134 : memref<80x128xf32, #tpu.memory_space<vmem_shared>>) dst(%dma_wait3A_132 : memref<80x128xf32, #tpu.memory_space<hbm>>)
        tpu.yield
      }) : () -> ()
    } else {
    }
    %lt3A_102 = arith.constant 15 : i32
    %lt3A_103 = arith.cmpi slt, %arg1, %lt3A_102 : i32
    %or3A_104 = arith.constant false
    %or3A_105 = arith.ori %lt3A_103, %or3A_104 : i1
    %convert_element_type3A_106 = arith.extui %or3A_105 : i1 to i32
    %cond3A_107 = arith.constant 0 : i32
    %cond3A_108 = arith.cmpi ne, %convert_element_type3A_106, %cond3A_107 : i32
    scf.if %cond3A_108 {
      %mul3A_123 = arith.constant 640 : i32
      %mul3A_124 = arith.muli %arg1, %mul3A_123 : i32
      %add3A_125 = arith.constant 400 : i32
      %add3A_126 = arith.addi %mul3A_124, %add3A_125 : i32
      "tpu.region"() ({
        %run_scoped3A = tpu.sem_alloc : memref<!tpu.dma_semaphore, #tpu.memory_space<semaphore_mem>>
        %dma_start3A = arith.constant 0 : i32
        %dma_start3A_127 = tpu.memref_slice %arg6[%arg0, %add3A_126, %dma_start3A] : memref<2x10000x128xf32, #tpu.memory_space<hbm>> -> memref<1x80x128xf32, #tpu.memory_space<hbm>>
        %dma_start3A_128 = tpu.memref_squeeze %dma_start3A_127 : memref<1x80x128xf32, #tpu.memory_space<hbm>> -> memref<80x128xf32, #tpu.memory_space<hbm>>
        %dma_start3A_129 = arith.constant 0 : i32
        %dma_start3A_130 = tpu.memref_slice %arg11[%add3A_126, %dma_start3A_129] : memref<10000x128xf32, #tpu.memory_space<vmem_shared>> -> memref<80x128xf32, #tpu.memory_space<vmem_shared>>
        tpu.enqueue_dma source(%dma_start3A_130 : memref<80x128xf32, #tpu.memory_space<vmem_shared>>) target(%dma_start3A_128 : memref<80x128xf32, #tpu.memory_space<hbm>>) target_semaphore(%run_scoped3A : memref<!tpu.dma_semaphore, #tpu.memory_space<semaphore_mem>>)
        %dma_wait3A = arith.constant 0 : i32
        %dma_wait3A_131 = tpu.memref_slice %arg6[%arg0, %add3A_126, %dma_wait3A] : memref<2x10000x128xf32, #tpu.memory_space<hbm>> -> memref<1x80x128xf32, #tpu.memory_space<hbm>>
        %dma_wait3A_132 = tpu.memref_squeeze %dma_wait3A_131 : memref<1x80x128xf32, #tpu.memory_space<hbm>> -> memref<80x128xf32, #tpu.memory_space<hbm>>
        %dma_wait3A_133 = arith.constant 0 : i32
        %dma_wait3A_134 = tpu.memref_slice %arg11[%add3A_126, %dma_wait3A_133] : memref<10000x128xf32, #tpu.memory_space<vmem_shared>> -> memref<80x128xf32, #tpu.memory_space<vmem_shared>>
        tpu.wait_dma2 semaphore(%run_scoped3A : memref<!tpu.dma_semaphore, #tpu.memory_space<semaphore_mem>>) src(%dma_wait3A_134 : memref<80x128xf32, #tpu.memory_space<vmem_shared>>) dst(%dma_wait3A_132 : memref<80x128xf32, #tpu.memory_space<hbm>>)
        tpu.yield
      }) : () -> ()
    } else {
    }
    %lt3A_109 = arith.constant 15 : i32
    %lt3A_110 = arith.cmpi slt, %arg1, %lt3A_109 : i32
    %or3A_111 = arith.constant false
    %or3A_112 = arith.ori %lt3A_110, %or3A_111 : i1
    %convert_element_type3A_113 = arith.extui %or3A_112 : i1 to i32
    %cond3A_114 = arith.constant 0 : i32
    %cond3A_115 = arith.cmpi ne, %convert_element_type3A_113, %cond3A_114 : i32
    scf.if %cond3A_115 {
      %mul3A_123 = arith.constant 640 : i32
      %mul3A_124 = arith.muli %arg1, %mul3A_123 : i32
      %add3A_125 = arith.constant 480 : i32
      %add3A_126 = arith.addi %mul3A_124, %add3A_125 : i32
      "tpu.region"() ({
        %run_scoped3A = tpu.sem_alloc : memref<!tpu.dma_semaphore, #tpu.memory_space<semaphore_mem>>
        %dma_start3A = arith.constant 0 : i32
        %dma_start3A_127 = tpu.memref_slice %arg6[%arg0, %add3A_126, %dma_start3A] : memref<2x10000x128xf32, #tpu.memory_space<hbm>> -> memref<1x80x128xf32, #tpu.memory_space<hbm>>
        %dma_start3A_128 = tpu.memref_squeeze %dma_start3A_127 : memref<1x80x128xf32, #tpu.memory_space<hbm>> -> memref<80x128xf32, #tpu.memory_space<hbm>>
        %dma_start3A_129 = arith.constant 0 : i32
        %dma_start3A_130 = tpu.memref_slice %arg11[%add3A_126, %dma_start3A_129] : memref<10000x128xf32, #tpu.memory_space<vmem_shared>> -> memref<80x128xf32, #tpu.memory_space<vmem_shared>>
        tpu.enqueue_dma source(%dma_start3A_130 : memref<80x128xf32, #tpu.memory_space<vmem_shared>>) target(%dma_start3A_128 : memref<80x128xf32, #tpu.memory_space<hbm>>) target_semaphore(%run_scoped3A : memref<!tpu.dma_semaphore, #tpu.memory_space<semaphore_mem>>)
        %dma_wait3A = arith.constant 0 : i32
        %dma_wait3A_131 = tpu.memref_slice %arg6[%arg0, %add3A_126, %dma_wait3A] : memref<2x10000x128xf32, #tpu.memory_space<hbm>> -> memref<1x80x128xf32, #tpu.memory_space<hbm>>
        %dma_wait3A_132 = tpu.memref_squeeze %dma_wait3A_131 : memref<1x80x128xf32, #tpu.memory_space<hbm>> -> memref<80x128xf32, #tpu.memory_space<hbm>>
        %dma_wait3A_133 = arith.constant 0 : i32
        %dma_wait3A_134 = tpu.memref_slice %arg11[%add3A_126, %dma_wait3A_133] : memref<10000x128xf32, #tpu.memory_space<vmem_shared>> -> memref<80x128xf32, #tpu.memory_space<vmem_shared>>
        tpu.wait_dma2 semaphore(%run_scoped3A : memref<!tpu.dma_semaphore, #tpu.memory_space<semaphore_mem>>) src(%dma_wait3A_134 : memref<80x128xf32, #tpu.memory_space<vmem_shared>>) dst(%dma_wait3A_132 : memref<80x128xf32, #tpu.memory_space<hbm>>)
        tpu.yield
      }) : () -> ()
    } else {
    }
    %lt3A_116 = arith.constant 15 : i32
    %lt3A_117 = arith.cmpi slt, %arg1, %lt3A_116 : i32
    %or3A_118 = arith.constant false
    %or3A_119 = arith.ori %lt3A_117, %or3A_118 : i1
    %convert_element_type3A_120 = arith.extui %or3A_119 : i1 to i32
    %cond3A_121 = arith.constant 0 : i32
    %cond3A_122 = arith.cmpi ne, %convert_element_type3A_120, %cond3A_121 : i32
    scf.if %cond3A_122 {
      %mul3A_123 = arith.constant 640 : i32
      %mul3A_124 = arith.muli %arg1, %mul3A_123 : i32
      %add3A_125 = arith.constant 560 : i32
      %add3A_126 = arith.addi %mul3A_124, %add3A_125 : i32
      "tpu.region"() ({
        %run_scoped3A = tpu.sem_alloc : memref<!tpu.dma_semaphore, #tpu.memory_space<semaphore_mem>>
        %dma_start3A = arith.constant 0 : i32
        %dma_start3A_127 = tpu.memref_slice %arg6[%arg0, %add3A_126, %dma_start3A] : memref<2x10000x128xf32, #tpu.memory_space<hbm>> -> memref<1x80x128xf32, #tpu.memory_space<hbm>>
        %dma_start3A_128 = tpu.memref_squeeze %dma_start3A_127 : memref<1x80x128xf32, #tpu.memory_space<hbm>> -> memref<80x128xf32, #tpu.memory_space<hbm>>
        %dma_start3A_129 = arith.constant 0 : i32
        %dma_start3A_130 = tpu.memref_slice %arg11[%add3A_126, %dma_start3A_129] : memref<10000x128xf32, #tpu.memory_space<vmem_shared>> -> memref<80x128xf32, #tpu.memory_space<vmem_shared>>
        tpu.enqueue_dma source(%dma_start3A_130 : memref<80x128xf32, #tpu.memory_space<vmem_shared>>) target(%dma_start3A_128 : memref<80x128xf32, #tpu.memory_space<hbm>>) target_semaphore(%run_scoped3A : memref<!tpu.dma_semaphore, #tpu.memory_space<semaphore_mem>>)
        %dma_wait3A = arith.constant 0 : i32
        %dma_wait3A_131 = tpu.memref_slice %arg6[%arg0, %add3A_126, %dma_wait3A] : memref<2x10000x128xf32, #tpu.memory_space<hbm>> -> memref<1x80x128xf32, #tpu.memory_space<hbm>>
        %dma_wait3A_132 = tpu.memref_squeeze %dma_wait3A_131 : memref<1x80x128xf32, #tpu.memory_space<hbm>> -> memref<80x128xf32, #tpu.memory_space<hbm>>
        %dma_wait3A_133 = arith.constant 0 : i32
        %dma_wait3A_134 = tpu.memref_slice %arg11[%add3A_126, %dma_wait3A_133] : memref<10000x128xf32, #tpu.memory_space<vmem_shared>> -> memref<80x128xf32, #tpu.memory_space<vmem_shared>>
        tpu.wait_dma2 semaphore(%run_scoped3A : memref<!tpu.dma_semaphore, #tpu.memory_space<semaphore_mem>>) src(%dma_wait3A_134 : memref<80x128xf32, #tpu.memory_space<vmem_shared>>) dst(%dma_wait3A_132 : memref<80x128xf32, #tpu.memory_space<hbm>>)
        tpu.yield
      }) : () -> ()
    } else {
    }
    return
  }
}

module attributes {stable_mosaic.version = 14 : i64} {
  func.func @_prep_body(%arg0: memref<2000x128xf32, #tpu.memory_space<vmem>>, %arg1: memref<128x128xf32, #tpu.memory_space<vmem>>, %arg2: memref<8000x128xf32, #tpu.memory_space<vmem>>, %arg3: memref<128x128xf32, #tpu.memory_space<vmem>>, %arg4: memref<2000x128xf32, #tpu.memory_space<vmem>>, %arg5: memref<8000x128xf32, #tpu.memory_space<vmem>>) attributes {dimension_semantics = [], scalar_prefetch = 0 : i64, scratch_operands = 0 : i64, tpu.core_type = #tpu.core_type<tc>} {
    %get3A = arith.constant 0 : index
    %get3A_0 = arith.constant 0 : index
    %get3A_1 = vector.load %arg0[%get3A, %get3A_0] : memref<2000x128xf32, #tpu.memory_space<vmem>>, vector<2000x128xf32>
    %get3A_2 = arith.constant 0 : index
    %get3A_3 = arith.constant 0 : index
    %get3A_4 = vector.load %arg1[%get3A_2, %get3A_3] : memref<128x128xf32, #tpu.memory_space<vmem>>, vector<128x128xf32>
    %dot_general3A = arith.constant dense<0.000000e+00> : vector<2000x128xf32>
    %dot_general3A_5 = tpu.matmul %get3A_1, %get3A_4, %dot_general3A {dimension_numbers = #tpu.dot_dimension_numbers<[1], [0], [0], [1], [0, 0, 1, 1], [], []>, transpose_lhs_hint = false} : vector<2000x128xf32>, vector<128x128xf32>, vector<2000x128xf32> -> vector<2000x128xf32>
    %swap3A = arith.constant 0 : index
    %swap3A_6 = arith.constant 0 : index
    %swap3A_7 = vector.load %arg4[%swap3A, %swap3A_6] : memref<2000x128xf32, #tpu.memory_space<vmem>>, vector<2000x128xf32>
    tpu.vector_store %arg4[%swap3A, %swap3A_6], %dot_general3A_5 {strides = array<i32>} : memref<2000x128xf32, #tpu.memory_space<vmem>>, vector<2000x128xf32>,
    %get3A_8 = arith.constant 0 : index
    %get3A_9 = arith.constant 0 : index
    %get3A_10 = vector.load %arg2[%get3A_8, %get3A_9] : memref<8000x128xf32, #tpu.memory_space<vmem>>, vector<8000x128xf32>
    %get3A_11 = arith.constant 0 : index
    %get3A_12 = arith.constant 0 : index
    %get3A_13 = vector.load %arg3[%get3A_11, %get3A_12] : memref<128x128xf32, #tpu.memory_space<vmem>>, vector<128x128xf32>
    %dot_general3A_14 = arith.constant dense<0.000000e+00> : vector<8000x128xf32>
    %dot_general3A_15 = tpu.matmul %get3A_10, %get3A_13, %dot_general3A_14 {dimension_numbers = #tpu.dot_dimension_numbers<[1], [0], [0], [1], [0, 0, 1, 1], [], []>, transpose_lhs_hint = false} : vector<8000x128xf32>, vector<128x128xf32>, vector<8000x128xf32> -> vector<8000x128xf32>
    %swap3A_16 = arith.constant 0 : index
    %swap3A_17 = arith.constant 0 : index
    %swap3A_18 = vector.load %arg5[%swap3A_16, %swap3A_17] : memref<8000x128xf32, #tpu.memory_space<vmem>>, vector<8000x128xf32>
    tpu.vector_store %arg5[%swap3A_16, %swap3A_17], %dot_general3A_15 {strides = array<i32>} : memref<8000x128xf32, #tpu.memory_space<vmem>>, vector<8000x128xf32>,
    return
  }
}

module attributes {stable_mosaic.version = 14 : i64} {
  func.func @_hyper_body(%arg0: memref<2000x128xf32, #tpu.memory_space<vmem>>, %arg1: memref<8000x128xf32, #tpu.memory_space<vmem>>, %arg2: memref<10000x128xf32, #tpu.memory_space<vmem>>, %arg3: memref<10000x128xf32, #tpu.memory_space<vmem>>) attributes {dimension_semantics = [], scalar_prefetch = 0 : i64, scratch_operands = 0 : i64, tpu.core_type = #tpu.core_type<tc>} {
    %get3A = arith.constant 0 : index
    %get3A_0 = arith.constant 0 : index
    %get3A_1 = vector.load %arg0[%get3A, %get3A_0] : memref<2000x128xf32, #tpu.memory_space<vmem>>, vector<2000x128xf32>
    %get3A_2 = arith.constant 0 : index
    %get3A_3 = arith.constant 0 : index
    %get3A_4 = vector.load %arg1[%get3A_2, %get3A_3] : memref<8000x128xf32, #tpu.memory_space<vmem>>, vector<8000x128xf32>
    %get3A_5 = arith.constant 0 : index
    %get3A_6 = arith.constant 0 : index
    %get3A_7 = vector.load %arg2[%get3A_5, %get3A_6] : memref<10000x128xf32, #tpu.memory_space<vmem>>, vector<2000x128xf32>
    %get3A_8 = arith.constant 2000 : index
    %get3A_9 = arith.constant 0 : index
    %get3A_10 = vector.load %arg2[%get3A_8, %get3A_9] : memref<10000x128xf32, #tpu.memory_space<vmem>>, vector<8000x128xf32>
    %dot_general3A = arith.constant dense<0.000000e+00> : vector<128x128xf32>
    %dot_general3A_11 = tpu.matmul %get3A_1, %get3A_7, %dot_general3A {dimension_numbers = #tpu.dot_dimension_numbers<[0], [0], [1], [1], [0, 1, 1, 1], [], []>, transpose_lhs_hint = false} : vector<2000x128xf32>, vector<2000x128xf32>, vector<128x128xf32> -> vector<128x128xf32>
    %dot_general3A_12 = arith.constant dense<0.000000e+00> : vector<128x128xf32>
    %dot_general3A_13 = tpu.matmul %get3A_4, %get3A_10, %dot_general3A_12 {dimension_numbers = #tpu.dot_dimension_numbers<[0], [0], [1], [1], [0, 1, 1, 1], [], []>, transpose_lhs_hint = false} : vector<8000x128xf32>, vector<8000x128xf32>, vector<128x128xf32> -> vector<128x128xf32>
    %dot_general3A_14 = arith.constant dense<0.000000e+00> : vector<2000x128xf32>
    %dot_general3A_15 = tpu.matmul %get3A_1, %dot_general3A_11, %dot_general3A_14 {dimension_numbers = #tpu.dot_dimension_numbers<[1], [0], [0], [1], [0, 0, 1, 1], [], []>, transpose_lhs_hint = false} : vector<2000x128xf32>, vector<128x128xf32>, vector<2000x128xf32> -> vector<2000x128xf32>
    %mul3A = arith.mulf %dot_general3A_15, %dot_general3A_15 : vector<2000x128xf32>
    %reduce_sum3A = arith.constant dense<0.000000e+00> : vector<2000xf32>
    %reduce_sum3A_16 = vector.multi_reduction <add>, %mul3A, %reduce_sum3A [1] : vector<2000x128xf32> to vector<2000xf32>
    %broadcast_in_dim3A = vector.shape_cast %reduce_sum3A_16 : vector<2000xf32> to vector<2000x1xf32>
    %sqrt3A = math.sqrt %broadcast_in_dim3A : vector<2000x1xf32>
    %max3A = arith.constant 9.99999996E-13 : f32
    %max3A_17 = vector.broadcast %max3A : f32 to vector<2000x1xf32>
    %max3A_18 = arith.maximumf %sqrt3A, %max3A_17 : vector<2000x1xf32>
    %div3A = vector.broadcast %max3A_18 : vector<2000x1xf32> to vector<2000x128xf32>
    %div3A_19 = arith.divf %dot_general3A_15, %div3A : vector<2000x128xf32>
    %swap3A = arith.constant 0 : index
    %swap3A_20 = arith.constant 0 : index
    %swap3A_21 = vector.load %arg3[%swap3A, %swap3A_20] : memref<10000x128xf32, #tpu.memory_space<vmem>>, vector<2000x128xf32>
    tpu.vector_store %arg3[%swap3A, %swap3A_20], %div3A_19 {strides = array<i32>} : memref<10000x128xf32, #tpu.memory_space<vmem>>, vector<2000x128xf32>,
    %dot_general3A_22 = arith.constant dense<0.000000e+00> : vector<8000x128xf32>
    %dot_general3A_23 = tpu.matmul %get3A_4, %dot_general3A_13, %dot_general3A_22 {dimension_numbers = #tpu.dot_dimension_numbers<[1], [0], [0], [1], [0, 0, 1, 1], [], []>, transpose_lhs_hint = false} : vector<8000x128xf32>, vector<128x128xf32>, vector<8000x128xf32> -> vector<8000x128xf32>
    %mul3A_24 = arith.mulf %dot_general3A_23, %dot_general3A_23 : vector<8000x128xf32>
    %reduce_sum3A_25 = arith.constant dense<0.000000e+00> : vector<8000xf32>
    %reduce_sum3A_26 = vector.multi_reduction <add>, %mul3A_24, %reduce_sum3A_25 [1] : vector<8000x128xf32> to vector<8000xf32>
    %broadcast_in_dim3A_27 = vector.shape_cast %reduce_sum3A_26 : vector<8000xf32> to vector<8000x1xf32>
    %sqrt3A_28 = math.sqrt %broadcast_in_dim3A_27 : vector<8000x1xf32>
    %max3A_29 = arith.constant 9.99999996E-13 : f32
    %max3A_30 = vector.broadcast %max3A_29 : f32 to vector<8000x1xf32>
    %max3A_31 = arith.maximumf %sqrt3A_28, %max3A_30 : vector<8000x1xf32>
    %div3A_32 = vector.broadcast %max3A_31 : vector<8000x1xf32> to vector<8000x128xf32>
    %div3A_33 = arith.divf %dot_general3A_23, %div3A_32 : vector<8000x128xf32>
    %swap3A_34 = arith.constant 2000 : index
    %swap3A_35 = arith.constant 0 : index
    %swap3A_36 = vector.load %arg3[%swap3A_34, %swap3A_35] : memref<10000x128xf32, #tpu.memory_space<vmem>>, vector<8000x128xf32>
    tpu.vector_store %arg3[%swap3A_34, %swap3A_35], %div3A_33 {strides = array<i32>} : memref<10000x128xf32, #tpu.memory_space<vmem>>, vector<8000x128xf32>,
    return
  }
}

module attributes {stable_mosaic.version = 14 : i64} {
  func.func @_combine1_body(%arg0: memref<2x10000x128xf32, #tpu.memory_space<vmem>>, %arg1: memref<10000x128xf32, #tpu.memory_space<vmem>>, %arg2: memref<10000x128xf32, #tpu.memory_space<vmem>>, %arg3: memref<10000x128xf32, #tpu.memory_space<vmem>>) attributes {dimension_semantics = [], scalar_prefetch = 0 : i64, scratch_operands = 0 : i64, tpu.core_type = #tpu.core_type<tc>} {
    %get3A = arith.constant 0 : index
    %get3A_0 = arith.constant 0 : index
    %get3A_1 = arith.constant 0 : index
    %get3A_2 = vector.load %arg0[%get3A, %get3A_0, %get3A_1] : memref<2x10000x128xf32, #tpu.memory_space<vmem>>, vector<1x10000x128xf32>
    %get3A_3 = vector.shape_cast %get3A_2 : vector<1x10000x128xf32> to vector<10000x128xf32>
    %get3A_4 = arith.constant 1 : index
    %get3A_5 = arith.constant 0 : index
    %get3A_6 = arith.constant 0 : index
    %get3A_7 = vector.load %arg0[%get3A_4, %get3A_5, %get3A_6] : memref<2x10000x128xf32, #tpu.memory_space<vmem>>, vector<1x10000x128xf32>
    %get3A_8 = vector.shape_cast %get3A_7 : vector<1x10000x128xf32> to vector<10000x128xf32>
    %add3A = arith.addf %get3A_3, %get3A_8 : vector<10000x128xf32>
    %mul3A = arith.mulf %add3A, %add3A : vector<10000x128xf32>
    %reduce_sum3A = arith.constant dense<0.000000e+00> : vector<10000xf32>
    %reduce_sum3A_9 = vector.multi_reduction <add>, %mul3A, %reduce_sum3A [1] : vector<10000x128xf32> to vector<10000xf32>
    %broadcast_in_dim3A = vector.shape_cast %reduce_sum3A_9 : vector<10000xf32> to vector<10000x1xf32>
    %sqrt3A = math.sqrt %broadcast_in_dim3A : vector<10000x1xf32>
    %max3A = arith.constant 9.99999996E-13 : f32
    %max3A_10 = vector.broadcast %max3A : f32 to vector<10000x1xf32>
    %max3A_11 = arith.maximumf %sqrt3A, %max3A_10 : vector<10000x1xf32>
    %div3A = vector.broadcast %max3A_11 : vector<10000x1xf32> to vector<10000x128xf32>
    %div3A_12 = arith.divf %add3A, %div3A : vector<10000x128xf32>
    %swap3A = arith.constant 0 : index
    %swap3A_13 = arith.constant 0 : index
    %swap3A_14 = vector.load %arg2[%swap3A, %swap3A_13] : memref<10000x128xf32, #tpu.memory_space<vmem>>, vector<10000x128xf32>
    tpu.vector_store %arg2[%swap3A, %swap3A_13], %div3A_12 {strides = array<i32>} : memref<10000x128xf32, #tpu.memory_space<vmem>>, vector<10000x128xf32>,
    %get3A_15 = arith.constant 0 : index
    %get3A_16 = arith.constant 0 : index
    %get3A_17 = vector.load %arg1[%get3A_15, %get3A_16] : memref<10000x128xf32, #tpu.memory_space<vmem>>, vector<10000x128xf32>
    %add3A_18 = arith.addf %div3A_12, %get3A_17 : vector<10000x128xf32>
    %swap3A_19 = arith.constant 0 : index
    %swap3A_20 = arith.constant 0 : index
    %swap3A_21 = vector.load %arg3[%swap3A_19, %swap3A_20] : memref<10000x128xf32, #tpu.memory_space<vmem>>, vector<10000x128xf32>
    tpu.vector_store %arg3[%swap3A_19, %swap3A_20], %add3A_18 {strides = array<i32>} : memref<10000x128xf32, #tpu.memory_space<vmem>>, vector<10000x128xf32>,
    return
  }
}

module attributes {stable_mosaic.version = 14 : i64} {
  func.func @_combine2_body(%arg0: memref<2x10000x128xf32, #tpu.memory_space<vmem>>, %arg1: memref<10000x128xf32, #tpu.memory_space<vmem>>, %arg2: memref<10000x128xf32, #tpu.memory_space<vmem>>, %arg3: memref<10000x128xf32, #tpu.memory_space<vmem>>, %arg4: memref<10000x128xf32, #tpu.memory_space<vmem>>, %arg5: memref<10000x128xf32, #tpu.memory_space<vmem>>, %arg6: memref<10000x128xf32, #tpu.memory_space<vmem>>) attributes {dimension_semantics = [], scalar_prefetch = 0 : i64, scratch_operands = 0 : i64, tpu.core_type = #tpu.core_type<tc>} {
    %get3A = arith.constant 0 : index
    %get3A_0 = arith.constant 0 : index
    %get3A_1 = arith.constant 0 : index
    %get3A_2 = vector.load %arg0[%get3A, %get3A_0, %get3A_1] : memref<2x10000x128xf32, #tpu.memory_space<vmem>>, vector<1x10000x128xf32>
    %get3A_3 = vector.shape_cast %get3A_2 : vector<1x10000x128xf32> to vector<10000x128xf32>
    %get3A_4 = arith.constant 1 : index
    %get3A_5 = arith.constant 0 : index
    %get3A_6 = arith.constant 0 : index
    %get3A_7 = vector.load %arg0[%get3A_4, %get3A_5, %get3A_6] : memref<2x10000x128xf32, #tpu.memory_space<vmem>>, vector<1x10000x128xf32>
    %get3A_8 = vector.shape_cast %get3A_7 : vector<1x10000x128xf32> to vector<10000x128xf32>
    %add3A = arith.addf %get3A_3, %get3A_8 : vector<10000x128xf32>
    %mul3A = arith.mulf %add3A, %add3A : vector<10000x128xf32>
    %reduce_sum3A = arith.constant dense<0.000000e+00> : vector<10000xf32>
    %reduce_sum3A_9 = vector.multi_reduction <add>, %mul3A, %reduce_sum3A [1] : vector<10000x128xf32> to vector<10000xf32>
    %broadcast_in_dim3A = vector.shape_cast %reduce_sum3A_9 : vector<10000xf32> to vector<10000x1xf32>
    %sqrt3A = math.sqrt %broadcast_in_dim3A : vector<10000x1xf32>
    %max3A = arith.constant 9.99999996E-13 : f32
    %max3A_10 = vector.broadcast %max3A : f32 to vector<10000x1xf32>
    %max3A_11 = arith.maximumf %sqrt3A, %max3A_10 : vector<10000x1xf32>
    %div3A = vector.broadcast %max3A_11 : vector<10000x1xf32> to vector<10000x128xf32>
    %div3A_12 = arith.divf %add3A, %div3A : vector<10000x128xf32>
    %swap3A = arith.constant 0 : index
    %swap3A_13 = arith.constant 0 : index
    %swap3A_14 = vector.load %arg4[%swap3A, %swap3A_13] : memref<10000x128xf32, #tpu.memory_space<vmem>>, vector<10000x128xf32>
    tpu.vector_store %arg4[%swap3A, %swap3A_13], %div3A_12 {strides = array<i32>} : memref<10000x128xf32, #tpu.memory_space<vmem>>, vector<10000x128xf32>,
    %get3A_15 = arith.constant 0 : index
    %get3A_16 = arith.constant 0 : index
    %get3A_17 = vector.load %arg1[%get3A_15, %get3A_16] : memref<10000x128xf32, #tpu.memory_space<vmem>>, vector<10000x128xf32>
    %add3A_18 = arith.addf %div3A_12, %get3A_17 : vector<10000x128xf32>
    %swap3A_19 = arith.constant 0 : index
    %swap3A_20 = arith.constant 0 : index
    %swap3A_21 = vector.load %arg5[%swap3A_19, %swap3A_20] : memref<10000x128xf32, #tpu.memory_space<vmem>>, vector<10000x128xf32>
    tpu.vector_store %arg5[%swap3A_19, %swap3A_20], %add3A_18 {strides = array<i32>} : memref<10000x128xf32, #tpu.memory_space<vmem>>, vector<10000x128xf32>,
    %get3A_22 = arith.constant 0 : index
    %get3A_23 = arith.constant 0 : index
    %get3A_24 = vector.load %arg2[%get3A_22, %get3A_23] : memref<10000x128xf32, #tpu.memory_space<vmem>>, vector<10000x128xf32>
    %get3A_25 = arith.constant 0 : index
    %get3A_26 = arith.constant 0 : index
    %get3A_27 = vector.load %arg3[%get3A_25, %get3A_26] : memref<10000x128xf32, #tpu.memory_space<vmem>>, vector<10000x128xf32>
    %add3A_28 = arith.addf %get3A_24, %get3A_27 : vector<10000x128xf32>
    %add3A_29 = arith.addf %add3A_28, %add3A_18 : vector<10000x128xf32>
    %swap3A_30 = arith.constant 0 : index
    %swap3A_31 = arith.constant 0 : index
    %swap3A_32 = vector.load %arg6[%swap3A_30, %swap3A_31] : memref<10000x128xf32, #tpu.memory_space<vmem>>, vector<10000x128xf32>
    tpu.vector_store %arg6[%swap3A_30, %swap3A_31], %add3A_29 {strides = array<i32>} : memref<10000x128xf32, #tpu.memory_space<vmem>>, vector<10000x128xf32>,
    return
  }
}

</mosaic_0001>

<sc_bundles>
// kernel: kernel.12.cloned.1.call-start
scs
__scs_entry_jumppad:
0x0: {  	(pc) =	sbr.rel $0x88, $3  }
0x1: {  	(tag) =	ssettag $0x0;
	lr =	simm.s32 $0x1  }
0x2: {  	[smem:$0x3F9B] =	sst lr;
	_ =	strace $0xD0000000  }
0x3: {  	_ = 	snop  }
0x4: {  	_ = 	snop  }
0x5: {  	_ = 	snop  }
0x6: {  	_ = 	snop  }
0x7: {  	_ = 	snop  }
__scs_overlays_trampoline_lowered:
0x8: {  	[smem:$0x3FAA] =	sst s0  }
0x9: {  	[smem:$0x3FAB] =	sst s1  }
0xa: {  	[smem:$0x3FAC] =	sst s2  }
0xb: {  	[smem:$0x3FAD] =	sst s3  }
0xc: {  	[smem:$0x3FAE] =	sst s4  }
0xd: {  	[smem:$0x3FAF] =	sst s5  }
0xe: {  	[smem:$0x3FB0] =	sst s6  }
0xf: {  	[smem:$0x3FB1] =	sst s7  }
0x10: {  	[smem:$0x3FB2] =	sst s8  }
0x11: {  	[smem:$0x3FB3] =	sst s9;
	s0 =	simm.s32 @!p0 $0x0  }
0x12: {  	s1 =	sld [smem:$0x3F99];
	s0 =	simm.s32 @p0 $0x1  }
0x13: {  	[smem:$0x3FB4] =	sst s0;
	s0 =	simm.s32 @!p1 $0x0  }
0x14: {  	s2 =	sld [smem:$0x3F98];
	s0 =	simm.s32 @p1 $0x1  }
0x15: {  	[smem:$0x3FB5] =	sst s0;
	s0 =	simm.s32 @!p2 $0x0  }
0x16: {  	s3 =	sld [smem:$0x3FDB];
	s0 =	simm.s32 @p2 $0x1  }
0x17: {  	s4 =	simm.s32 $0x1BF5;
	[smem:$0x3FB7] =	sst s0  }
0x18: {  	s0 =	sld [smem:$0x3F9A];
	_ =	swait.ge [sflag:s4], $0x0  }
0x19: {  	s7 =	sld [smem:$0x3F9B]  }
0x1a: {  	s8 =	sadd.s32 $0xFFFFE003, lr  }
0x1b: {  	s9 =	sadd.s32 $0xFFFFFEF7, lr;
	s5 =	simm.s32 $0xFFFFFFFF;
	p2 =	slt.u32 s8, $0xFFFFF086  }
0x1c: {  	p1 =	slt.u32 s9, $0xF7A;
	s5 =	simm.s32 @!p2 $0x0  }
0x1d: {  	s5 =	simm.s32 @p1 $0x1;
	p0 =	seq.s32 s7, s2  }
0x1e: {  	s7 =	smul.u32 @!p0 $0xF7A, s2;
	p2 =	seq.s32 @!p0 s5, $0x0  }
0x1f: {  	s9 =	smul.u32 $0xF7A, s1;
	s8 =	simm.s32 @!p0 $0x1BF5;
	p2 =	por !p2, p0  }
0x20: {  	[sflag:s8] =	ssyncset.s32 @!p0 $0xFFFFF086;
	s6 =	sadd.s32 @!p0 s3, s7;
	s7 =	simm.s32 @!p0 $0x108  }
0x21: {  	s3 =	sadd.s32 s3, s9;
	s6 =	sadd.s32 @!p0 $0x88, s6;
	s7 =	simm.s32 @p2 $0x1082  }
0x22: {  	[simem:s7], [sflag:s8] =	dma.local @!p0 [hbm:s6], $0xF7A  }
0x23: {  	s9 =	sor.u32 $0xD0000000, s2;
	s6 =	simm.s32 $0x108;
	_ =	swait.ge @!p0 [sflag:s8], $0x0  }
0x24: {  	s3 =	sadd.s32 $0x88, s3;
	s6 =	simm.s32 @!p1 $0x1082;
	[sflag:s4] =	ssyncset.s32 $0xFFFFF086  }
0x25: {  	[simem:s6], [sflag:s4] =	dma.local [hbm:s3], $0xF7A  }
0x26: {  	[smem:$0x3F9B] =	sst s1;
	(tag) =	ssettag s2;
	_ =	strace s9  }
0x27: {  	s1 =	sld [smem:$0x3FAB]  }
0x28: {  	s2 =	sld [smem:$0x3FAC]  }
0x29: {  	s4 =	sld [smem:$0x3FAE]  }
0x2a: {  	p0 =	seq.s32 s5, $0x0;
	s5 =	sld [smem:$0x3FAF]  }
0x2b: {  	s6 =	sld [smem:$0x3FB0]  }
0x2c: {  	s7 =	sld [smem:$0x3FB1]  }
0x2d: {  	s3 =	simm.s32 $0x108;
	s8 =	sld [smem:$0x3FB2]  }
0x2e: {  	s3 =	simm.s32 @!p0 $0x1082;
	s9 =	sld [smem:$0x3FB3]  }
0x2f: {  	lr =	sadd.s32 s0, s3;
	s0 =	sld [smem:$0x3FAA]  }
0x30: {  	s3 =	sld [smem:$0x3FAD]  }
0x31: {  	[smem:$0x3FB6] =	sst s10  }
0x32: {  	s10 =	sld [smem:$0x3FB4];
	_ =	sdelay $0x3  }
0x33: {  	p0 =	seq.s32 s10, $0x1;
	s10 =	sld [smem:$0x3FB6];
	_ =	sdelay $0x3  }
0x34: {  	[smem:$0x3FB6] =	sst s10  }
0x35: {  	s10 =	sld [smem:$0x3FB5];
	_ =	sdelay $0x3  }
0x36: {  	p1 =	seq.s32 s10, $0x1;
	s10 =	sld [smem:$0x3FB6];
	_ =	sdelay $0x3  }
0x37: {  	[smem:$0x3FB6] =	sst s10  }
0x38: {  	s10 =	sld [smem:$0x3FB7]  }
0x39: {  	_ = 	snop;
	(pc) =	sbr.ind lr, $3  }
0x3a: {  	_ = 	snop  }
0x3b: {  	_ = 	snop  }
0x3c: {  	p2 =	seq.s32 s10, $0x1;
	s10 =	sld [smem:$0x3FB6]  }
0x3d: {  	_ =	shalt  }
0x3e: {  	_ =	shalt  }
0x3f: {  	_ =	shalt  }
0x40: {  	_ =	shalt  }
0x41: {  	_ =	shalt  }
0x42: {  	_ =	shalt  }
0x43: {  	_ =	shalt  }
0x44: {  	_ =	shalt  }
0x45: {  	_ =	shalt  }
0x46: {  	_ =	shalt  }
0x47: {  	_ =	shalt  }
0x48: {  	_ =	shalt  }
0x49: {  	_ =	shalt  }
0x4a: {  	_ =	shalt  }
0x4b: {  	_ =	shalt  }
0x4c: {  	_ =	shalt  }
0x4d: {  	_ =	shalt  }
0x4e: {  	_ =	shalt  }
0x4f: {  	_ =	shalt  }
0x50: {  	_ =	shalt  }
0x51: {  	_ =	shalt  }
0x52: {  	_ =	shalt  }
0x53: {  	_ =	shalt  }
0x54: {  	_ =	shalt  }
0x55: {  	_ =	shalt  }
0x56: {  	_ =	shalt  }
0x57: {  	_ =	shalt  }
0x58: {  	_ =	shalt  }
0x59: {  	_ =	shalt  }
0x5a: {  	_ =	shalt  }
0x5b: {  	_ =	shalt  }
0x5c: {  	_ =	shalt  }
0x5d: {  	_ =	shalt  }
0x5e: {  	_ =	shalt  }
0x5f: {  	_ =	shalt  }
0x60: {  	_ =	shalt  }
0x61: {  	_ =	shalt  }
0x62: {  	_ =	shalt  }
0x63: {  	_ =	shalt  }
0x64: {  	_ =	shalt  }
0x65: {  	_ =	shalt  }
0x66: {  	_ =	shalt  }
0x67: {  	_ =	shalt  }
0x68: {  	_ =	shalt  }
0x69: {  	_ =	shalt  }
0x6a: {  	_ =	shalt  }
0x6b: {  	_ =	shalt  }
0x6c: {  	_ =	shalt  }
0x6d: {  	_ =	shalt  }
0x6e: {  	_ =	shalt  }
0x6f: {  	_ =	shalt  }
0x70: {  	_ =	shalt  }
0x71: {  	_ =	shalt  }
0x72: {  	_ =	shalt  }
0x73: {  	_ =	shalt  }
0x74: {  	_ =	shalt  }
0x75: {  	_ =	shalt  }
0x76: {  	_ =	shalt  }
0x77: {  	_ =	shalt  }
0x78: {  	_ =	shalt  }
0x79: {  	_ =	shalt  }
0x7a: {  	_ =	shalt  }
0x7b: {  	_ =	shalt  }
0x7c: {  	_ =	shalt  }
0x7d: {  	_ =	shalt  }
0x7e: {  	_ =	shalt  }
0x7f: {  	_ =	shalt  }
0x80: {  	_ =	shalt  }
0x81: {  	_ =	shalt  }
0x82: {  	_ =	shalt  }
0x83: {  	_ =	shalt  }
0x84: {  	_ =	shalt  }
0x85: {  	_ =	shalt  }
0x86: {  	_ =	shalt  }
0x87: {  	_ =	shalt  }
.Lfunc_end0:
.L_simem_size_0:
called_computation.1_lowered:
.L_overlay_start_0:
0x88: {  	s2 =	sld [smem:$0x3FD9]  }
0x89: {  	s3 =	sld [smem:$0x3FFE];
	_ =	sdelay $0x1  }
0x8a: {  	s1 =	srdreg.scid  }
0x8b: {  	s0 =	sand.u32 $0x1, s1  }
0x8c: {  	s14 =	sshll.u32 s0, $0xA;
	s2 =	sadd.s32 s3, s2  }
0x8d: {  	s2 =	sadd.s32 s2, s14  }
0x8e: {  	[smem:$0x3FC2] =	sst s2  }
0x8f: {  	_ = 	snop  }
0x90: {  	s2 =	sld [smem:$0x3FD0];
	_ =	sdelay $0x2  }
0x91: {  	s4 =	simm.s32 $0xA;
	s5 =	simm.s32 $0x10;
	s15 =	sld [smem:$0x3FC8]  }
0x92: {  	[smem:s5], [sflag:s4] =	dma.local [hbm:s2], $0x1  }
0x93: {  	_ =	swait.eq [sflag:s4], $0x1  }
0x94: {  	[sflag:s4] =	ssyncset.done $0x0  }
0x95: {  	s16 =	sld [smem:$0x11];
	[sflag:s4] =	ssyncadd.s32 $0xFFFFFFFF  }
0x96: {  	s17 =	sld [smem:$0x12];
	(tm) =	ssettm $0x1  }
0x97: {  	s18 =	sld [smem:$0x3FFB];
	_ =	sdelay $0x3  }
0x98: {  	_ =	strace s18  }
0x99: {  	s5 =	sld [smem:$0x3FFC];
	_ =	sdelay $0x3  }
0x9a: {  	_ =	strace s5  }
0x9b: {  	s5 =	sld [smem:$0x3FFD];
	_ =	sdelay $0x3  }
0x9c: {  	_ =	strace s5  }
0x9d: {  	_ =	strace $0x8FFFFFFF  }
0x9e: {  	s19 =	sld [smem:$0x3FDB];
	_ =	sdelay $0x1  }
0x9f: {  	s6 =	simm.s32 $_scs_section_size  }
0xa0: {  	s7 =	simm.s32 $_size__tile_overlayer_lowered;
	s8 =	simm.s32 $_tile_overlayer_lowered  }
0xa1: {  	s22 =	simm.s32 $0x1BFF;
	s21 =	sshll.u32 s8, $0x1;
	s5 =	sadd.s32 s6, s19  }
0xa2: {  	s9 =	simm.s32 $0x0;
	s20 =	sshll.u32 s7, $0x1;
	s7 =	sadd.s32 s21, s5  }
0xa3: {  	[timem:s9], [sflag:s22] =	dma.local [hbm:s7], s20  }
0xa4: {  	_ =	swait.ge [sflag:s22], s20  }
0xa5: {  	s6 =	ssub.s32 $0x0, s20;
	[sflag:s22] =	ssyncset.done $0x0  }
0xa6: {  	[sflag:s22] =	ssyncadd.s32 s6;
	_ =	sdelay $0x1  }
0xa7: {  	s23 =	simm.s32 $0x1B8B  }
0xa8: {  	_ =	swait.ge [sflag:s23], $0x1  }
0xa9: {  	[sflag:s23] =	ssyncset.done $0x0  }
0xaa: {  	s25 =	simm.s32 $0x1B8E;
	s24 =	sld [smem:$0x3FFE];
	[sflag:s23] =	ssyncadd.s32 $0xFFFFFFFF  }
0xab: {  	s26 =	simm.s32 $execute0_lowered;
	[smem:$0x3FD2] =	sst s25  }
0xac: {  	s7 =	sshll.u32 s26, $0x1;
	_ =	strace $0x80000049;
	[dreg:$0x1] =	wrdreg $0xFFFFFFFF  }
0xad: {  	s28 =	simm.s32 $_size_execute0_lowered;
	s5 =	sadd.s32 s5, s7;
	[dreg:$0x0] =	wrdreg $0x0  }
0xae: {  	s7 =	sshll.u32 s28, $0x1;
	[dreg:$0x2] =	wrdreg s5  }
0xaf: {  	[dreg:$0x3] =	wrdreg s7  }
0xb0: {  	[dreg:$0x4] =	wrdreg $0xC0  }
0xb1: {  	_ =	task [dreg:s9], $0x5FFFF  }
0xb2: {  	[dreg:$0x1] =	wrdreg $0xFFFFFFFF  }
0xb3: {  	[dreg:$0x0] =	wrdreg $0x60  }
0xb4: {  	[dreg:$0x2] =	wrdreg s24  }
0xb5: {  	[dreg:$0x3] =	wrdreg s15  }
0xb6: {  	[dreg:$0x4] =	wrdreg s17  }
0xb7: {  	[dreg:$0x5] =	wrdreg s16  }
0xb8: {  	[dreg:$0x6] =	wrdreg $0xA8800  }
0xb9: {  	[dreg:$0x7] =	wrdreg $0x9  }
0xba: {  	_ =	task.clear_ibuf [dreg:s9], $0x8FFFF;
	_ =	strace $0x90000049  }
0xbb: {  	s29 =	simm.s32 $0x9;
	_ =	strace $0x8000004B  }
0xbc: {  	_ =	swait.ge [sflag:s29], $0x1  }
0xbd: {  	[sflag:s29] =	ssyncadd.s32 $0xFFFFFFFF  }
0xbe: {  	_ =	strace $0x9000004B  }
0xbf: {  	_ =	sfence  }
0xc0: {  	s30 =	sld [smem:$0x0];
	_ =	sdelay $0x2  }
0xc1: {  	s31 =	sshll.u32 s1, $0xD;
	s1 =	sshrl.u32 s1, $0x2  }
0xc2: {  	s3 =	sand.u32 $0x4000, s31;
	s1 =	sadd.s32 s1, s30  }
0xc3: {  	s0 =	sor.u32 s3, s0;
	s1 =	sshll.u32 s1, $0x11  }
0xc4: {  	s0 =	sor.u32 s1, s0  }
0xc5: {  	s0 =	sadd.s32 $0x8F2B, s0  }
0xc6: {  	[sflag:s0] =	ssyncadd.remote.s32 $0x1  }
0xc7: {  	_ =	sfence.sel $0xFFFF  }
0xc8: {  	[dreg:$0x0] =	wrdreg $0xFFFFFFFF;
	(pc) =	sbr.abs _section_cstart, $3  }
0xc9: {  	[dreg:$0x1] =	wrdreg $0xFFFFFFFF  }
0xca: {  	_ =	task.clear_ibuf [dreg:s9], $0x2FFFF;
	_ =	strace $0x9FFFFFFF  }
0xcb: {  	(tm) =	ssettm $0x7FFFFFFF  }
tec
execute0_lowered:
.L_overlay_start_1:
0x0: {  	(tag) =	ssettag $0x1  }
0x1: {  	s0 =	rddreg [dreg:$0x0]  }
0x2: {  	s1 =	rddreg [dreg:$0x1]  }
0x3: {  	s2 =	rddreg [dreg:$0x2]  }
0x4: {  	s4 =	rddreg [dreg:$0x3]  }
0x5: {  	s3 =	rddreg [dreg:$0x4];
	s5 =	srdreg.scid  }
0x6: {  	s22 =	stileid.u32;
	s30 =	simm.s32 $0x8080;
	s31 =	simm.s32 $0x2  }
0x7: {  	s7 =	sand.u32 $0x1, s5;
	s5 =	simm.s32 $0x0;
	s20 =	smul.u32 $0x50000, s22  }
0x8: {  	s12 =	smul.u32 $0x14000, s22;
	p0 =	seq.s32 s22, $0xF;
	s6 =	sshll.u32 s7, $0x4  }
0x9: {  	[smem:$0x7FF] =	sst s5;
	s9 =	ssub.s32 $0x2, s7;
	s15 =	smul.u32 $0x138800, s7  }
0xa: {  	s11 =	sor.u32 s22, s6;
	_ =	strace $0x8000004A;
	s10 =	sshrl.u32 s9, $0x1  }
0xb: {  	s6 =	sshrl.u32 s20, $0x2;
	s21 =	sor.u32 $0x2800, s12;
	s14 =	sadd.s32 $0x5000, s12  }
0xc: {  	s16 =	sadd.s32 $0x7800, s12;
	s18 =	sadd.s32 $0xA000, s12;
	s8 =	sshll.u32 s11, $0xB  }
0xd: {  	s13 =	ssub.s32 s9, s10;
	s6 =	sadd.s32 s6, s3;
	s7 =	sadd.s32 s21, s3  }
0xe: {  	s9 =	sadd.s32 s16, s3;
	s17 =	sadd.s32 s12, s15;
	s10 =	sadd.s32 s15, s21  }
0xf: {  	s16 =	sadd.s32 s15, s16;
	s24 =	sadd.s32 s15, s18;
	s21 =	smul.u32 $0x2710, s11  }
0x10: {  	s0 =	sadd.s32 s8, s0;
	s8 =	sadd.s32 s14, s3;
	s17 =	sshrl.u32 s17, $0x3  }
0x11: {  	s19 =	sshrl.u32 s10, $0x3;
	s10 =	sadd.s32 s18, s3;
	s14 =	sadd.s32 s15, s14  }
0x12: {  	s16 =	sshrl.u32 s16, $0x3;
	s22 =	smax.u32 s13, $0x1;
	s28 =	sadd.s32 $0xF000, s6  }
0x13: {  	s29 =	sadd.s32 $0x11800, s6;
	s17 =	sadd.s32 s4, s17;
	s23 =	sadd.s32 s4, s19  }
0x14: {  	s14 =	sshrl.u32 s14, $0x3;
	s25 =	sadd.s32 s4, s16;
	s16 =	sadd.s32 $0xC800, s12  }
0x15: {  	s19 =	sadd.s32 $0xF000, s12;
	s12 =	sadd.s32 $0x11800, s12;
	[dreg:$0x6] =	wrdreg s17  }
0x16: {  	s20 =	sadd.s32 $0x2000, s0;
	[dreg:$0x7] =	wrdreg s23;
	s17 =	sshrl.u32 s24, $0x3  }
0x17: {  	s14 =	sadd.s32 s4, s14;
	[dreg:$0x9] =	wrdreg s25;
	s23 =	sadd.s32 s15, s16  }
0x18: {  	s24 =	sadd.s32 s15, s19;
	s15 =	sadd.s32 s15, s12;
	s11 =	sadd.s32 s12, s3  }
0x19: {  	[dreg:$0x8] =	wrdreg s14;
	s26 =	sadd.s32 s4, s17;
	s17 =	sshrl.u32 s23, $0x3  }
0x1a: {  	s18 =	sshrl.u32 s24, $0x3;
	[dreg:$0xa] =	wrdreg s26;
	s17 =	sadd.s32 s4, s17  }
0x1b: {  	s15 =	sshrl.u32 s15, $0x3;
	s25 =	sadd.s32 s4, s18;
	[dreg:$0xb] =	wrdreg s17  }
0x1c: {  	s12 =	simm.s32 $0x0;
	s4 =	sadd.s32 s4, s15;
	[dreg:$0xc] =	wrdreg s25  }
0x1d: {  	s26 =	sadd.s32 $0x12000, s0;
	s0 =	sadd.s32 s16, s3;
	[dreg:$0xd] =	wrdreg s4  }
0x1e: {  	[dreg:$0xe] =	wrdreg s26;
	s4 =	sadd.s32 s19, s3;
	s23 =	sshrl.u32 @!p0 s0, $0x3  }
0x1f: {  	s25 =	sshrl.u32 @!p0 s11, $0x3;
	s26 =	sadd.s32 $0xC800, s6;
	s0 =	simm.s32 $0x8000  }
0x20: {  	v0 =	vimm.f32 $0.0e+00;
	s11 =	simm.s32 $0x1;
	s24 =	sshrl.u32 @!p0 s4, $0x3;
	s4 =	simm.s32 $0x50  }
.LBB2_1:
0x21: {  	s13 =	simm.s32 $0x0;
	s14 =	simm.s32 $0x200  }
.LBB2_2:
0x22: {  	p1 =	sne.s32 s14, $0x9E00;
	[tilespmem:s13+$0x80F0] =	vst v0  }
0x23: {  	[tilespmem:s13+$0x8080] =	vst v0  }
0x24: {  	[tilespmem:s13+$0x8090] =	vst v0  }
.Ltmp0:
0x25: {  	[tilespmem:s13+$0x80A0] =	vst v0;
	(pc) =	sbr.rel @p1 .LBB2_2-.Ltmp0, $4  }
0x26: {  	[tilespmem:s13+$0x80B0] =	vst v0  }
0x27: {  	[tilespmem:s13+$0x80C0] =	vst v0  }
0x28: {  	[tilespmem:s13+$0x80D0] =	vst v0  }
0x29: {  	[tilespmem:s13+$0x80E0] =	vst v0;
	s13 =	sshra.s32 s14, $0x2;
	s14 =	sadd.s32 $0x200, s14  }
0x2a: {  	[tilespmem:s13+$0x80F0] =	vst v0  }
0x2b: {  	[tilespmem:s13+$0x8080] =	vst v0  }
0x2c: {  	[tilespmem:s13+$0x8090] =	vst v0  }
0x2d: {  	[tilespmem:s13+$0x80A0] =	vst v0  }
0x2e: {  	[tilespmem:s13+$0x80B0] =	vst v0  }
0x2f: {  	[tilespmem:s13+$0x80C0] =	vst v0  }
0x30: {  	[tilespmem:s13+$0x80D0] =	vst v0  }
0x31: {  	[tilespmem:s13+$0x80E0] =	vst v0  }
0x32: {  	[spmem:s6] =	stream.linear.scatter [tilespmem:s30], [sflag:$0x2], $0x2800, $0x38;
	[tilespmem:$0x1E100] =	vst v63  }
0x33: {  	_ =	swait.ge [sflag:s31], $0x2800  }
0x34: {  	[sflag:s31] =	ssyncset.done $0x0  }
0x35: {  	[sflag:s31] =	ssyncadd.s32 $0xFFFFD800  }
0x36: {  	[spmem:s7] =	stream.linear.scatter [tilespmem:s30], [sflag:$0x2], $0x2800, $0x38;
	[tilespmem:$0x1E100] =	vst v63  }
0x37: {  	_ =	swait.ge [sflag:s31], $0x2800  }
0x38: {  	[sflag:s31] =	ssyncset.done $0x0  }
0x39: {  	[sflag:s31] =	ssyncadd.s32 $0xFFFFD800  }
0x3a: {  	[spmem:s8] =	stream.linear.scatter [tilespmem:s30], [sflag:$0x2], $0x2800, $0x38;
	[tilespmem:$0x1E100] =	vst v63  }
0x3b: {  	_ =	swait.ge [sflag:s31], $0x2800  }
0x3c: {  	[sflag:s31] =	ssyncset.done $0x0  }
0x3d: {  	[sflag:s31] =	ssyncadd.s32 $0xFFFFD800  }
0x3e: {  	[spmem:s9] =	stream.linear.scatter [tilespmem:s30], [sflag:$0x2], $0x2800, $0x38;
	[tilespmem:$0x1E100] =	vst v63  }
0x3f: {  	_ =	swait.ge [sflag:s31], $0x2800  }
0x40: {  	[sflag:s31] =	ssyncset.done $0x0  }
0x41: {  	[sflag:s31] =	ssyncadd.s32 $0xFFFFD800  }
0x42: {  	[spmem:s10] =	stream.linear.scatter [tilespmem:s30], [sflag:$0x2], $0x2800, $0x38;
	[tilespmem:$0x1E100] =	vst v63  }
0x43: {  	_ =	swait.ge [sflag:s31], $0x2800  }
0x44: {  	[sflag:s31] =	ssyncset.done $0x0  }
0x45: {  	s13 =	simm.s32 @!p0 $0x8080;
	s14 =	simm.s32 @!p0 $0x2;
	[sflag:s31] =	ssyncadd.s32 $0xFFFFD800  }
0x46: {  	[spmem:s26] =	stream.linear.scatter @!p0 [tilespmem:s13], [sflag:$0x2], $0x2800, $0x38;
	[tilespmem:$0x1E100] =	vst v63  }
0x47: {  	_ =	swait.ge @!p0 [sflag:s14], $0x2800  }
0x48: {  	[sflag:s14] =	ssyncset.done @!p0 $0x0  }
0x49: {  	[sflag:s14] =	ssyncadd.s32 @!p0 $0xFFFFD800  }
0x4a: {  	[spmem:s28] =	stream.linear.scatter @!p0 [tilespmem:s13], [sflag:$0x2], $0x2800, $0x38;
	[tilespmem:$0x1E100] =	vst v63  }
0x4b: {  	_ =	swait.ge @!p0 [sflag:s14], $0x2800  }
0x4c: {  	[sflag:s14] =	ssyncset.done @!p0 $0x0  }
0x4d: {  	[sflag:s14] =	ssyncadd.s32 @!p0 $0xFFFFD800  }
0x4e: {  	[spmem:s29] =	stream.linear.scatter @!p0 [tilespmem:s13], [sflag:$0x2], $0x2800, $0x38;
	[tilespmem:$0x1E100] =	vst v63  }
0x4f: {  	_ =	swait.ge @!p0 [sflag:s14], $0x2800  }
0x50: {  	[sflag:s14] =	ssyncset.done @!p0 $0x0  }
0x51: {  	[sflag:s14] =	ssyncadd.s32 @!p0 $0xFFFFD800  }
0x52: {  	[bflag:$0x0] =	sbarrier.arrive $0xFFFF  }
0x53: {  	s13 =	simm.s32 $0x0;
	s18 =	rddreg [dreg:$0xe]  }
0x54: {  	[tilespmem:s13], [sflag:$0x2] =	stream.linear.gather [hbm4b:s18+s13], $0x3E80, $0x38;
	[tilespmem:$0x1E100] =	vst v63  }
0x55: {  	_ =	swait.ge [sflag:s31], $0x3E80  }
0x56: {  	[sflag:s31] =	ssyncset.done $0x0  }
0x57: {  	s19 =	simm.s32 $0x4000;
	[sflag:s31] =	ssyncadd.s32 $0xFFFFC180  }
0x58: {  	[tilespmem:s19], [sflag:$0x2] =	stream.linear.gather [hbm4b:s20+s13], $0x3E80, $0x38;
	[tilespmem:$0x1E100] =	vst v63  }
0x59: {  	_ =	swait.ge [sflag:s31], $0x3E80  }
0x5a: {  	[sflag:s31] =	ssyncset.done $0x0  }
0x5b: {  	[sflag:s31] =	ssyncadd.s32 $0xFFFFC180  }
.LBB2_4:
0x5c: {  	s14 =	smul.u32 $0x50, s13;
	_ =	sdelay $0x1  }
0x5d: {  	s14 =	sadd.s32 s21, s14  }
0x5e: {  	s14 =	sshrl.u32 s14, $0x3  }
0x5f: {  	s18 =	simm.s32 $0x0;
	s14 =	sadd.s32 s1, s14  }
0x60: {  	[tilespmem:s0], [sflag:$0x2] =	stream.linear.gather [hbm4b:s14+s5], $0x50, $0x38;
	[tilespmem:$0x1E100] =	vst v63  }
0x61: {  	v1 =	vmov s18;
	_ =	swait.ge [sflag:s31], $0x50  }
0x62: {  	v1 =	vand.u32 $0xFFFFFFFC, v1;
	[sflag:s31] =	ssyncset.done $0x0  }
0x63: {  	v1 =	vbroadcast v1, $0x0;
	s14 =	sshll.u32 s13, $0x7;
	[sflag:s31] =	ssyncadd.s32 $0xFFFFFFB0  }
0x64: {  	[tilespmem:s30], [sflag:$0x1] =	stream.indirect.gather [hbm4b:s2+s4], $0x80, s14, s4, $0xb8;
	[tilespmem:$0x1E100] =	vst v63  }
0x65: {  	_ =	swait.ge [sflag:s11], $0x2800  }
0x66: {  	[sflag:s11] =	ssyncset.done $0x0  }
0x67: {  	s15 =	simm.s32 $0x8180;
	[sflag:s11] =	ssyncadd.s32 $0xFFFFD800  }
0x68: {  	v3 =	vld [tilespmem:s15+$0xFFFFFF70]  }
0x69: {  	v1 =	vld.idx.msk [tilespmem:v1+s0+$0x0], $0xffff  }
0x6a: {  	v4 =	vld [tilespmem:s15+$0xFFFFFF00]  }
0x6b: {  	v5 =	vld [tilespmem:s15+$0xFFFFFF20]  }
0x6c: {  	v6 =	vld [tilespmem:s15+$0xFFFFFF30]  }
0x6d: {  	v2 =	vld [tilespmem:s15+$0xFFFFFF50]  }
0x6e: {  	v8 =	vld [tilespmem:s15+$0xFFFFFF10];
	v3 =	vmul.f32 v3, v1  }
0x6f: {  	s16 =	simm.s32 $0x1;
	v7 =	vld [tilespmem:s15+$0xFFFFFF60];
	v4 =	vmul.f32 v4, v1  }
0x70: {  	v9 =	vld [tilespmem:s15+$0xFFFFFF40];
	v5 =	vmul.f32 v5, v1;
	[tilespmem:s15+$0xFFFFFF70] =	vst v3;
	v3 =	vmov s16  }
0x71: {  	v6 =	vmul.f32 v6, v1;
	[tilespmem:s15+$0xFFFFFF00] =	vst v4;
	v3 =	vand.u32 $0xFFFFFFFD, v3  }
0x72: {  	v2 =	vmul.f32 v2, v1;
	[tilespmem:s15+$0xFFFFFF20] =	vst v5;
	v3 =	vbroadcast v3, $0x0  }
0x73: {  	v4 =	vmul.f32 v8, v1;
	[tilespmem:s15+$0xFFFFFF30] =	vst v6  }
0x74: {  	v5 =	vmul.f32 v7, v1;
	[tilespmem:s15+$0xFFFFFF50] =	vst v2  }
0x75: {  	v1 =	vmul.f32 v9, v1;
	[tilespmem:s15+$0xFFFFFF10] =	vst v4  }
0x76: {  	[tilespmem:s15+$0xFFFFFF60] =	vst v5  }
0x77: {  	[tilespmem:s15+$0xFFFFFF40] =	vst v1;
	v1 =	vld [tilespmem:s15+$0xFFFFFF80]  }
0x78: {  	v3 =	vld.idx.msk [tilespmem:v3+s0+$0x0], $0xffff  }
0x79: {  	v2 =	vld [tilespmem:s15+$0xFFFFFFA0]  }
0x7a: {  	v4 =	vld [tilespmem:s15+$0xFFFFFF90]  }
0x7b: {  	v5 =	vld [tilespmem:s15+$0xFFFFFFD0]  }
0x7c: {  	v6 =	vld [tilespmem:s15+$0xFFFFFFE0]  }
0x7d: {  	v7 =	vld [tilespmem:s15+$0xFFFFFFF0];
	v1 =	vmul.f32 v1, v3  }
0x7e: {  	s19 =	simm.s32 $0x2;
	v8 =	vld [tilespmem:s15+$0xFFFFFFB0];
	v2 =	vmul.f32 v2, v3  }
0x7f: {  	v63 =	vld [tilespmem:s15+$0xFFFFFFC0];
	v4 =	vmul.f32 v4, v3;
	[tilespmem:s15+$0xFFFFFF80] =	vst v1;
	v1 =	vmov s19  }
0x80: {  	v5 =	vmul.f32 v5, v3;
	[tilespmem:s15+$0xFFFFFFA0] =	vst v2;
	v1 =	vand.u32 $0xFFFFFFFE, v1  }
0x81: {  	v2 =	vmul.f32 v6, v3;
	[tilespmem:s15+$0xFFFFFF90] =	vst v4;
	v4 =	vbroadcast v1, $0x0  }
0x82: {  	v6 =	vmul.f32 v7, v3;
	[tilespmem:s15+$0xFFFFFFD0] =	vst v5;
	v7 =	vld [tilespmem:s15+$0x30]  }
0x83: {  	v5 =	vmul.f32 v8, v3;
	v1 =	vld [tilespmem:s15+$0x40];
	[tilespmem:s15+$0xFFFFFFE0] =	vst v2  }
0x84: {  	v3 =	vmul.f32 v63, v3;
	v2 =	vld [tilespmem:s15+$0x70];
	[tilespmem:s15+$0xFFFFFFF0] =	vst v6  }
0x85: {  	[tilespmem:s15+$0xFFFFFFB0] =	vst v5;
	v5 =	vld [tilespmem:s15+$0x20]  }
0x86: {  	[tilespmem:s15+$0xFFFFFFC0] =	vst v3;
	v6 =	vld [tilespmem:s15+$0x0]  }
0x87: {  	v3 =	vld.idx.msk [tilespmem:v4+s0+$0x0], $0xffff  }
0x88: {  	s17 =	simm.s32 $0x7;
	s18 =	simm.s32 $0x8180;
	s16 =	simm.s32 $0x3;
	v4 =	vld [tilespmem:s15+$0x10]  }
.LBB2_5:
0x89: {  	p1 =	sne.s32 s17, $0x4F  }
0x8a: {  	v8 =	vld [tilespmem:s15+$0x50];
	s18 =	sadd.s32 $0x200, s18;
	s19 =	smov.u32 s17;
	s17 =	sadd.s32 $0x4, s17  }
0x8b: {  	v9 =	vld [tilespmem:s15+$0x60];
	_ =	sdelay $0x1  }
0x8c: {  	v6 =	vmul.f32 v6, v3;
	v4 =	vmul.f32 v4, v3  }
0x8d: {  	v5 =	vmul.f32 v5, v3;
	v7 =	vmul.f32 v7, v3  }
0x8e: {  	v1 =	vmul.f32 v1, v3;
	v2 =	vmul.f32 v2, v3;
	[tilespmem:s15+$0x0] =	vst v6  }
0x8f: {  	[tilespmem:s15+$0x20] =	vst v5;
	v5 =	vmul.f32 v8, v3;
	v3 =	vmul.f32 v9, v3  }
0x90: {  	[tilespmem:s15+$0x30] =	vst v7;
	v6 =	vld [tilespmem:s15+$0x80]  }
0x91: {  	[tilespmem:s15+$0x60] =	vst v3;
	v3 =	vmov s16;
	v7 =	vld [tilespmem:s15+$0xD0];
	s16 =	smov.u32 s19  }
0x92: {  	[tilespmem:s15+$0x50] =	vst v5;
	v5 =	vld [tilespmem:s15+$0xE0]  }
0x93: {  	[tilespmem:s15+$0x40] =	vst v1;
	v8 =	vld [tilespmem:s15+$0xB0]  }
0x94: {  	v1 =	vld [tilespmem:s18+$0x40];
	[tilespmem:s15+$0x70] =	vst v2  }
0x95: {  	v2 =	vld [tilespmem:s18+$0x70];
	[tilespmem:s15+$0x10] =	vst v4  }
0x96: {  	v3 =	vld.idx.msk [tilespmem:v3+s0+$0x0], $0xffff  }
0x97: {  	v4 =	vld [tilespmem:s15+$0x90]  }
0x98: {  	v9 =	vld [tilespmem:s15+$0xA0]  }
0x99: {  	v10 =	vld [tilespmem:s15+$0xC0]  }
0x9a: {  	v11 =	vld [tilespmem:s15+$0xF0];
	_ =	sdelay $0x1  }
0x9b: {  	v6 =	vmul.f32 v6, v3;
	v4 =	vmul.f32 v4, v3  }
0x9c: {  	s19 =	sadd.s32 $0xFFFFFFFD, s16;
	v8 =	vmul.f32 v8, v3;
	v9 =	vmul.f32 v9, v3  }
0x9d: {  	v12 =	vmov s19;
	v7 =	vmul.f32 v7, v3;
	[tilespmem:s15+$0x80] =	vst v6;
	v6 =	vmul.f32 v10, v3  }
0x9e: {  	v10 =	vand.u32 $0xFFFFFFFC, v12;
	[tilespmem:s15+$0x90] =	vst v4;
	v4 =	vmul.f32 v5, v3;
	v3 =	vmul.f32 v11, v3  }
0x9f: {  	v5 =	vbroadcast v10, $0x0;
	[tilespmem:s15+$0xA0] =	vst v9  }
0xa0: {  	[tilespmem:s15+$0xD0] =	vst v7  }
0xa1: {  	v7 =	vld [tilespmem:s18+$0xFFFFFF50];
	[tilespmem:s15+$0xB0] =	vst v8  }
0xa2: {  	v8 =	vld [tilespmem:s18+$0xFFFFFF30];
	[tilespmem:s15+$0xC0] =	vst v6  }
0xa3: {  	v6 =	vld [tilespmem:s18+$0xFFFFFF60];
	[tilespmem:s15+$0xE0] =	vst v4  }
0xa4: {  	v4 =	vld [tilespmem:s18+$0xFFFFFF70];
	[tilespmem:s15+$0xF0] =	vst v3;
	s15 =	smov.u32 s18  }
0xa5: {  	v3 =	vld.idx.msk [tilespmem:v5+s0+$0x0], $0xffff  }
0xa6: {  	v5 =	vld [tilespmem:s18+$0xFFFFFF00]  }
0xa7: {  	v9 =	vld [tilespmem:s18+$0xFFFFFF20]  }
0xa8: {  	v10 =	vld [tilespmem:s18+$0xFFFFFF10]  }
0xa9: {  	v11 =	vld [tilespmem:s18+$0xFFFFFF40];
	_ =	sdelay $0x1  }
0xaa: {  	v4 =	vmul.f32 v4, v3;
	v5 =	vmul.f32 v5, v3  }
0xab: {  	s19 =	sadd.s32 $0xFFFFFFFE, s16;
	v6 =	vmul.f32 v6, v3;
	v9 =	vmul.f32 v9, v3  }
0xac: {  	v8 =	vmul.f32 v8, v3;
	v10 =	vmul.f32 v10, v3;
	[tilespmem:s18+$0xFFFFFF70] =	vst v4;
	v4 =	vmov s19  }
0xad: {  	[tilespmem:s18+$0xFFFFFF00] =	vst v5;
	v5 =	vmul.f32 v11, v3;
	v3 =	vmul.f32 v7, v3;
	v4 =	vand.u32 $0xFFFFFFFD, v4  }
0xae: {  	[tilespmem:s18+$0xFFFFFF20] =	vst v9;
	v4 =	vbroadcast v4, $0x0  }
0xaf: {  	[tilespmem:s18+$0xFFFFFF30] =	vst v8  }
0xb0: {  	[tilespmem:s18+$0xFFFFFF50] =	vst v3;
	v3 =	vld [tilespmem:s18+$0xFFFFFFF0]  }
0xb1: {  	[tilespmem:s18+$0xFFFFFF10] =	vst v10;
	v7 =	vld [tilespmem:s18+$0xFFFFFFD0]  }
0xb2: {  	[tilespmem:s18+$0xFFFFFF60] =	vst v6;
	v6 =	vld [tilespmem:s18+$0xFFFFFFB0]  }
0xb3: {  	[tilespmem:s18+$0xFFFFFF40] =	vst v5;
	v5 =	vld [tilespmem:s18+$0xFFFFFF90]  }
0xb4: {  	v4 =	vld.idx.msk [tilespmem:v4+s0+$0x0], $0xffff  }
0xb5: {  	v8 =	vld [tilespmem:s18+$0xFFFFFF80]  }
0xb6: {  	v9 =	vld [tilespmem:s18+$0xFFFFFFA0]  }
0xb7: {  	v10 =	vld [tilespmem:s18+$0xFFFFFFC0]  }
0xb8: {  	v11 =	vld [tilespmem:s18+$0xFFFFFFE0];
	_ =	sdelay $0x1  }
0xb9: {  	v5 =	vmul.f32 v5, v4;
	v8 =	vmul.f32 v8, v4  }
0xba: {  	s19 =	sadd.s32 $0xFFFFFFFF, s16;
	v6 =	vmul.f32 v6, v4;
	v9 =	vmul.f32 v9, v4  }
0xbb: {  	v7 =	vmul.f32 v7, v4;
	[tilespmem:s18+$0xFFFFFF80] =	vst v8;
	v8 =	vmul.f32 v10, v4;
	v10 =	vmov s19  }
0xbc: {  	v3 =	vmul.f32 v3, v4;
	[tilespmem:s18+$0xFFFFFFA0] =	vst v9;
	v9 =	vmul.f32 v11, v4;
	v4 =	vand.u32 $0xFFFFFFFE, v10  }
0xbd: {  	[tilespmem:s18+$0xFFFFFF90] =	vst v5;
	v4 =	vbroadcast v4, $0x0  }
0xbe: {  	[tilespmem:s18+$0xFFFFFFD0] =	vst v7  }
0xbf: {  	[tilespmem:s18+$0xFFFFFFE0] =	vst v9  }
0xc0: {  	[tilespmem:s18+$0xFFFFFFB0] =	vst v6  }
.Ltmp1:
0xc1: {  	[tilespmem:s18+$0xFFFFFFF0] =	vst v3;
	v5 =	vld [tilespmem:s18+$0x20];
	(pc) =	sbr.rel @p1 .LBB2_5-.Ltmp1, $4  }
0xc2: {  	[tilespmem:s18+$0xFFFFFFC0] =	vst v8;
	v6 =	vld [tilespmem:s18+$0x0]  }
0xc3: {  	v3 =	vld.idx.msk [tilespmem:v4+s0+$0x0], $0xffff  }
0xc4: {  	v4 =	vld [tilespmem:s18+$0x10]  }
0xc5: {  	v7 =	vld [tilespmem:s18+$0x30]  }
0xc6: {  	_ =	sdelay $0x1  }
0xc7: {  	v8 =	vld [tilespmem:s15+$0x60];
	v6 =	vmul.f32 v6, v3  }
0xc8: {  	v9 =	vld [tilespmem:s15+$0x50];
	v5 =	vmul.f32 v5, v3  }
0xc9: {  	v1 =	vmul.f32 v1, v3;
	[tilespmem:s15+$0x0] =	vst v6  }
0xca: {  	v2 =	vmul.f32 v2, v3;
	[tilespmem:s15+$0x20] =	vst v5  }
0xcb: {  	v7 =	vmul.f32 v7, v3;
	[tilespmem:s15+$0x40] =	vst v1  }
0xcc: {  	v57 =	vmov s16;
	[tilespmem:s15+$0x70] =	vst v2;
	v54 =	vmul.f32 v8, v3  }
0xcd: {  	v55 =	vmul.f32 v9, v3;
	[tilespmem:s15+$0x30] =	vst v7  }
0xce: {  	v3 =	vmul.f32 v4, v3;
	[tilespmem:s15+$0x60] =	vst v54  }
0xcf: {  	[tilespmem:s15+$0x50] =	vst v55  }
0xd0: {  	v56 =	vld [tilespmem:s15+$0x80];
	[tilespmem:s15+$0x10] =	vst v3  }
0xd1: {  	v1 =	vld.idx.msk [tilespmem:v57+s0+$0x0], $0xffff  }
0xd2: {  	v2 =	vld [tilespmem:s15+$0x90]  }
0xd3: {  	v3 =	vld [tilespmem:s15+$0xA0]  }
0xd4: {  	v58 =	vld [tilespmem:s15+$0xD0]  }
0xd5: {  	v61 =	vld [tilespmem:s15+$0xE0]  }
0xd6: {  	v59 =	vld [tilespmem:s15+$0xB0];
	v7 =	vmul.f32 v56, v1  }
0xd7: {  	v60 =	vld [tilespmem:s15+$0xC0];
	v2 =	vmul.f32 v2, v1  }
0xd8: {  	v62 =	vld [tilespmem:s15+$0xF0];
	v3 =	vmul.f32 v3, v1;
	[tilespmem:s15+$0x80] =	vst v7  }
0xd9: {  	v4 =	vmul.f32 v58, v1;
	[tilespmem:s15+$0x90] =	vst v2  }
0xda: {  	v63 =	vmul.f32 v61, v1;
	[tilespmem:s15+$0xA0] =	vst v3  }
0xdb: {  	v2 =	vmul.f32 v59, v1;
	[tilespmem:s15+$0xD0] =	vst v4  }
0xdc: {  	v3 =	vmul.f32 v60, v1;
	[tilespmem:s15+$0xE0] =	vst v63  }
0xdd: {  	s13 =	sadd.s32 $0x1, s13;
	v1 =	vmul.f32 v62, v1;
	[tilespmem:s15+$0xB0] =	vst v2  }
0xde: {  	p1 =	sne.s32 s13, $0x7D;
	[tilespmem:s15+$0xC0] =	vst v3  }
.Ltmp2:
0xdf: {  	s14 =	sadd.s32 $0x4000, s14;
	[tilespmem:s15+$0xF0] =	vst v1;
	(pc) =	sbr.rel @p1 .LBB2_4-.Ltmp2, $4  }
0xe0: {  	[spmem:s3] =	stream.indirect.scatter.add.f32 [tilespmem:s30], [sflag:$0x2], $0x80, s14, s4, $0xb8;
	[tilespmem:$0x1E100] =	vst v63  }
0xe1: {  	_ =	swait.ge [sflag:s31], $0x2800  }
0xe2: {  	[sflag:s31] =	ssyncset.done $0x0  }
0xe3: {  	[sflag:s31] =	ssyncadd.s32 $0xFFFFD800  }
0xe4: {  	s13 =	stileid.u32  }
0xe5: {  	[bflag:$0x0] =	sbarrier.arrive $0xFFFF;
	s13 =	sshll.u32 s13, $0x6  }
0xe6: {  	s14 =	sshrl.u32 s6, $0x3;
	s15 =	rddreg [dreg:$0x6];
	s13 =	sor.u32 $0x1C02, s13  }
0xe7: {  	[hbm:s15], [sflag:s13] =	dma.local [spmem:s14], $0x500  }
0xe8: {  	_ =	swait.ge [sflag:s31], $0x500  }
0xe9: {  	[sflag:s31] =	ssyncset.done $0x0  }
0xea: {  	s16 =	sshrl.u32 s7, $0x3;
	s17 =	rddreg [dreg:$0x7];
	[sflag:s31] =	ssyncadd.s32 $0xFFFFFB00  }
0xeb: {  	[hbm:s17], [sflag:s13] =	dma.local [spmem:s16], $0x500  }
0xec: {  	_ =	swait.ge [sflag:s31], $0x500  }
0xed: {  	[sflag:s31] =	ssyncset.done $0x0  }
0xee: {  	s18 =	sshrl.u32 s8, $0x3;
	s19 =	rddreg [dreg:$0x8];
	[sflag:s31] =	ssyncadd.s32 $0xFFFFFB00  }
0xef: {  	[hbm:s19], [sflag:s13] =	dma.local [spmem:s18], $0x500  }
0xf0: {  	_ =	swait.ge [sflag:s31], $0x500  }
0xf1: {  	[sflag:s31] =	ssyncset.done $0x0  }
0xf2: {  	s16 =	sshrl.u32 s9, $0x3;
	s17 =	rddreg [dreg:$0x9];
	[sflag:s31] =	ssyncadd.s32 $0xFFFFFB00  }
0xf3: {  	[hbm:s17], [sflag:s13] =	dma.local [spmem:s16], $0x500  }
0xf4: {  	_ =	swait.ge [sflag:s31], $0x500  }
0xf5: {  	[sflag:s31] =	ssyncset.done $0x0  }
0xf6: {  	s18 =	sshrl.u32 s10, $0x3;
	s19 =	rddreg [dreg:$0xa];
	[sflag:s31] =	ssyncadd.s32 $0xFFFFFB00  }
0xf7: {  	[hbm:s19], [sflag:s13] =	dma.local [spmem:s18], $0x500  }
0xf8: {  	_ =	swait.ge [sflag:s31], $0x500  }
0xf9: {  	[sflag:s31] =	ssyncset.done $0x0  }
0xfa: {  	s14 =	rddreg [dreg:$0xb];
	[sflag:s31] =	ssyncadd.s32 $0xFFFFFB00  }
0xfb: {  	[hbm:s14], [sflag:s13] =	dma.local @!p0 [spmem:s23], $0x500  }
0xfc: {  	s14 =	simm.s32 @!p0 $0x2  }
0xfd: {  	_ =	swait.ge @!p0 [sflag:s14], $0x500  }
0xfe: {  	[sflag:s14] =	ssyncset.done @!p0 $0x0  }
0xff: {  	s15 =	rddreg [dreg:$0xc];
	[sflag:s14] =	ssyncadd.s32 @!p0 $0xFFFFFB00  }
0x100: {  	[hbm:s15], [sflag:s13] =	dma.local @!p0 [spmem:s24], $0x500  }
0x101: {  	s12 =	sadd.s32 $0x1, s12;
	_ =	swait.ge @!p0 [sflag:s14], $0x500  }
0x102: {  	p1 =	sne.s32 s12, s22;
	[sflag:s14] =	ssyncset.done @!p0 $0x0  }
.Ltmp3:
0x103: {  	s15 =	rddreg [dreg:$0xd];
	[sflag:s14] =	ssyncadd.s32 @!p0 $0xFFFFFB00;
	(pc) =	sbr.rel @p1 .LBB2_1-.Ltmp3, $4  }
0x104: {  	[hbm:s15], [sflag:s13] =	dma.local @!p0 [spmem:s25], $0x500  }
0x105: {  	_ =	swait.ge @!p0 [sflag:s14], $0x500  }
0x106: {  	[sflag:s14] =	ssyncset.done @!p0 $0x0  }
0x107: {  	[sflag:s14] =	ssyncadd.s32 @!p0 $0xFFFFFB00  }
0x108: {  	_ =	sfence.sel $0x180000  }
0x109: {  	[bflag:$0x0] =	sbarrier.arrive $0xFFFF  }
0x10a: {  	_ =	strace $0x9000004A  }
0x10b: {  	s0 =	stileid.u32;
	[bflag:$0x2] =	sbarrier.arrive $0xFFFF  }
0x10c: {  	p0 =	sne.s32 s0, $0x0;
	s0 =	rddreg [dreg:$0x5]  }
0x10d: {  	s0 =	sadd.s32 @!p0 $0x100000, s0  }
0x10e: {  	[sflag:s0] =	ssyncadd.tile.s32 @!p0 $0x1;
	_ =	shalt  }
.Lfunc_end2:
_tile_overlayer_lowered:
.L_overlay_start_2:
0x10f: {  	(tag) =	ssettag $0x2  }
0x110: {  	s0 =	rddreg [dreg:$0x0];
	s2 =	stileid.u32  }
0x111: {  	s1 =	rddreg [dreg:$0x1];
	p0 =	sne.s32 s2, $0x0  }
0x112: {  	s3 =	rddreg [dreg:$0x2];
	[bflag:$0x3] =	sbarrier.arrive $0xFFFF;
	s2 =	simm.s32 @!p0 $0x1C02  }
0x113: {  	[timem:s3], [sflag:s2] =	dma.local @!p0 [hbm:s0], s1  }
0x114: {  	s0 =	simm.s32 @!p0 $0x2  }
0x115: {  	_ =	swait.ge @!p0 [sflag:s0], s1  }
0x116: {  	s1 =	ssub.s32 @!p0 $0x0, s1;
	[sflag:s0] =	ssyncset.done @!p0 $0x0  }
0x117: {  	[sflag:s0] =	ssyncadd.s32 @!p0 s1  }
0x118: {  	[bflag:$0x3] =	sbarrier.arrive $0xFFFF  }
0x119: {  	_ =	shalt  }

// kernel: kernel.9.cloned.1.call-start
scs
__scs_entry_jumppad:
0x0: {  	(pc) =	sbr.rel $0x88, $3  }
0x1: {  	(tag) =	ssettag $0x0;
	lr =	simm.s32 $0x1  }
0x2: {  	[smem:$0x3F9B] =	sst lr;
	_ =	strace $0xD0000000  }
0x3: {  	_ = 	snop  }
0x4: {  	_ = 	snop  }
0x5: {  	_ = 	snop  }
0x6: {  	_ = 	snop  }
0x7: {  	_ = 	snop  }
__scs_overlays_trampoline_lowered:
0x8: {  	[smem:$0x3FAA] =	sst s0  }
0x9: {  	[smem:$0x3FAB] =	sst s1  }
0xa: {  	[smem:$0x3FAC] =	sst s2  }
0xb: {  	[smem:$0x3FAD] =	sst s3  }
0xc: {  	[smem:$0x3FAE] =	sst s4  }
0xd: {  	[smem:$0x3FAF] =	sst s5  }
0xe: {  	[smem:$0x3FB0] =	sst s6  }
0xf: {  	[smem:$0x3FB1] =	sst s7  }
0x10: {  	[smem:$0x3FB2] =	sst s8  }
0x11: {  	[smem:$0x3FB3] =	sst s9;
	s0 =	simm.s32 @!p0 $0x0  }
0x12: {  	s1 =	sld [smem:$0x3F99];
	s0 =	simm.s32 @p0 $0x1  }
0x13: {  	[smem:$0x3FB4] =	sst s0;
	s0 =	simm.s32 @!p1 $0x0  }
0x14: {  	s2 =	sld [smem:$0x3F98];
	s0 =	simm.s32 @p1 $0x1  }
0x15: {  	[smem:$0x3FB5] =	sst s0;
	s0 =	simm.s32 @!p2 $0x0  }
0x16: {  	s3 =	sld [smem:$0x3FDB];
	s0 =	simm.s32 @p2 $0x1  }
0x17: {  	s4 =	simm.s32 $0x1BF5;
	[smem:$0x3FB7] =	sst s0  }
0x18: {  	s0 =	sld [smem:$0x3F9A];
	_ =	swait.ge [sflag:s4], $0x0  }
0x19: {  	s7 =	sld [smem:$0x3F9B]  }
0x1a: {  	s8 =	sadd.s32 $0xFFFFE003, lr  }
0x1b: {  	s9 =	sadd.s32 $0xFFFFFEF7, lr;
	s5 =	simm.s32 $0xFFFFFFFF;
	p2 =	slt.u32 s8, $0xFFFFF086  }
0x1c: {  	p1 =	slt.u32 s9, $0xF7A;
	s5 =	simm.s32 @!p2 $0x0  }
0x1d: {  	s5 =	simm.s32 @p1 $0x1;
	p0 =	seq.s32 s7, s2  }
0x1e: {  	s7 =	smul.u32 @!p0 $0xF7A, s2;
	p2 =	seq.s32 @!p0 s5, $0x0  }
0x1f: {  	s9 =	smul.u32 $0xF7A, s1;
	s8 =	simm.s32 @!p0 $0x1BF5;
	p2 =	por !p2, p0  }
0x20: {  	[sflag:s8] =	ssyncset.s32 @!p0 $0xFFFFF086;
	s6 =	sadd.s32 @!p0 s3, s7;
	s7 =	simm.s32 @!p0 $0x108  }
0x21: {  	s3 =	sadd.s32 s3, s9;
	s6 =	sadd.s32 @!p0 $0x88, s6;
	s7 =	simm.s32 @p2 $0x1082  }
0x22: {  	[simem:s7], [sflag:s8] =	dma.local @!p0 [hbm:s6], $0xF7A  }
0x23: {  	s9 =	sor.u32 $0xD0000000, s2;
	s6 =	simm.s32 $0x108;
	_ =	swait.ge @!p0 [sflag:s8], $0x0  }
0x24: {  	s3 =	sadd.s32 $0x88, s3;
	s6 =	simm.s32 @!p1 $0x1082;
	[sflag:s4] =	ssyncset.s32 $0xFFFFF086  }
0x25: {  	[simem:s6], [sflag:s4] =	dma.local [hbm:s3], $0xF7A  }
0x26: {  	[smem:$0x3F9B] =	sst s1;
	(tag) =	ssettag s2;
	_ =	strace s9  }
0x27: {  	s1 =	sld [smem:$0x3FAB]  }
0x28: {  	s2 =	sld [smem:$0x3FAC]  }
0x29: {  	s4 =	sld [smem:$0x3FAE]  }
0x2a: {  	p0 =	seq.s32 s5, $0x0;
	s5 =	sld [smem:$0x3FAF]  }
0x2b: {  	s6 =	sld [smem:$0x3FB0]  }
0x2c: {  	s7 =	sld [smem:$0x3FB1]  }
0x2d: {  	s3 =	simm.s32 $0x108;
	s8 =	sld [smem:$0x3FB2]  }
0x2e: {  	s3 =	simm.s32 @!p0 $0x1082;
	s9 =	sld [smem:$0x3FB3]  }
0x2f: {  	lr =	sadd.s32 s0, s3;
	s0 =	sld [smem:$0x3FAA]  }
0x30: {  	s3 =	sld [smem:$0x3FAD]  }
0x31: {  	[smem:$0x3FB6] =	sst s10  }
0x32: {  	s10 =	sld [smem:$0x3FB4];
	_ =	sdelay $0x3  }
0x33: {  	p0 =	seq.s32 s10, $0x1;
	s10 =	sld [smem:$0x3FB6];
	_ =	sdelay $0x3  }
0x34: {  	[smem:$0x3FB6] =	sst s10  }
0x35: {  	s10 =	sld [smem:$0x3FB5];
	_ =	sdelay $0x3  }
0x36: {  	p1 =	seq.s32 s10, $0x1;
	s10 =	sld [smem:$0x3FB6];
	_ =	sdelay $0x3  }
0x37: {  	[smem:$0x3FB6] =	sst s10  }
0x38: {  	s10 =	sld [smem:$0x3FB7]  }
0x39: {  	_ = 	snop;
	(pc) =	sbr.ind lr, $3  }
0x3a: {  	_ = 	snop  }
0x3b: {  	_ = 	snop  }
0x3c: {  	p2 =	seq.s32 s10, $0x1;
	s10 =	sld [smem:$0x3FB6]  }
0x3d: {  	_ =	shalt  }
0x3e: {  	_ =	shalt  }
0x3f: {  	_ =	shalt  }
0x40: {  	_ =	shalt  }
0x41: {  	_ =	shalt  }
0x42: {  	_ =	shalt  }
0x43: {  	_ =	shalt  }
0x44: {  	_ =	shalt  }
0x45: {  	_ =	shalt  }
0x46: {  	_ =	shalt  }
0x47: {  	_ =	shalt  }
0x48: {  	_ =	shalt  }
0x49: {  	_ =	shalt  }
0x4a: {  	_ =	shalt  }
0x4b: {  	_ =	shalt  }
0x4c: {  	_ =	shalt  }
0x4d: {  	_ =	shalt  }
0x4e: {  	_ =	shalt  }
0x4f: {  	_ =	shalt  }
0x50: {  	_ =	shalt  }
0x51: {  	_ =	shalt  }
0x52: {  	_ =	shalt  }
0x53: {  	_ =	shalt  }
0x54: {  	_ =	shalt  }
0x55: {  	_ =	shalt  }
0x56: {  	_ =	shalt  }
0x57: {  	_ =	shalt  }
0x58: {  	_ =	shalt  }
0x59: {  	_ =	shalt  }
0x5a: {  	_ =	shalt  }
0x5b: {  	_ =	shalt  }
0x5c: {  	_ =	shalt  }
0x5d: {  	_ =	shalt  }
0x5e: {  	_ =	shalt  }
0x5f: {  	_ =	shalt  }
0x60: {  	_ =	shalt  }
0x61: {  	_ =	shalt  }
0x62: {  	_ =	shalt  }
0x63: {  	_ =	shalt  }
0x64: {  	_ =	shalt  }
0x65: {  	_ =	shalt  }
0x66: {  	_ =	shalt  }
0x67: {  	_ =	shalt  }
0x68: {  	_ =	shalt  }
0x69: {  	_ =	shalt  }
0x6a: {  	_ =	shalt  }
0x6b: {  	_ =	shalt  }
0x6c: {  	_ =	shalt  }
0x6d: {  	_ =	shalt  }
0x6e: {  	_ =	shalt  }
0x6f: {  	_ =	shalt  }
0x70: {  	_ =	shalt  }
0x71: {  	_ =	shalt  }
0x72: {  	_ =	shalt  }
0x73: {  	_ =	shalt  }
0x74: {  	_ =	shalt  }
0x75: {  	_ =	shalt  }
0x76: {  	_ =	shalt  }
0x77: {  	_ =	shalt  }
0x78: {  	_ =	shalt  }
0x79: {  	_ =	shalt  }
0x7a: {  	_ =	shalt  }
0x7b: {  	_ =	shalt  }
0x7c: {  	_ =	shalt  }
0x7d: {  	_ =	shalt  }
0x7e: {  	_ =	shalt  }
0x7f: {  	_ =	shalt  }
0x80: {  	_ =	shalt  }
0x81: {  	_ =	shalt  }
0x82: {  	_ =	shalt  }
0x83: {  	_ =	shalt  }
0x84: {  	_ =	shalt  }
0x85: {  	_ =	shalt  }
0x86: {  	_ =	shalt  }
0x87: {  	_ =	shalt  }
.Lfunc_end0:
.L_simem_size_0:
called_computation_lowered:
.L_overlay_start_0:
0x88: {  	s2 =	sld [smem:$0x3FD9]  }
0x89: {  	s3 =	sld [smem:$0x3FFE];
	_ =	sdelay $0x1  }
0x8a: {  	s1 =	srdreg.scid  }
0x8b: {  	s0 =	sand.u32 $0x1, s1  }
0x8c: {  	s14 =	sshll.u32 s0, $0xA;
	s2 =	sadd.s32 s3, s2  }
0x8d: {  	s2 =	sadd.s32 s2, s14  }
0x8e: {  	[smem:$0x3FC2] =	sst s2  }
0x8f: {  	_ = 	snop  }
0x90: {  	s2 =	sld [smem:$0x3FD0];
	_ =	sdelay $0x2  }
0x91: {  	s4 =	simm.s32 $0xA;
	s5 =	simm.s32 $0x10;
	s15 =	sld [smem:$0x3FC8]  }
0x92: {  	[smem:s5], [sflag:s4] =	dma.local [hbm:s2], $0x1  }
0x93: {  	_ =	swait.eq [sflag:s4], $0x1  }
0x94: {  	[sflag:s4] =	ssyncset.done $0x0  }
0x95: {  	s16 =	sld [smem:$0x10];
	[sflag:s4] =	ssyncadd.s32 $0xFFFFFFFF  }
0x96: {  	s17 =	sld [smem:$0x11];
	(tm) =	ssettm $0x1  }
0x97: {  	s18 =	sld [smem:$0x3FFB];
	_ =	sdelay $0x3  }
0x98: {  	_ =	strace s18  }
0x99: {  	s5 =	sld [smem:$0x3FFC];
	_ =	sdelay $0x3  }
0x9a: {  	_ =	strace s5  }
0x9b: {  	s5 =	sld [smem:$0x3FFD];
	_ =	sdelay $0x3  }
0x9c: {  	_ =	strace s5  }
0x9d: {  	_ =	strace $0x8FFFFFFF  }
0x9e: {  	s19 =	sld [smem:$0x3FDB];
	_ =	sdelay $0x1  }
0x9f: {  	s6 =	simm.s32 $_scs_section_size  }
0xa0: {  	s7 =	simm.s32 $_size__tile_overlayer_lowered;
	s8 =	simm.s32 $_tile_overlayer_lowered  }
0xa1: {  	s22 =	simm.s32 $0x1BFF;
	s21 =	sshll.u32 s8, $0x1;
	s5 =	sadd.s32 s6, s19  }
0xa2: {  	s9 =	simm.s32 $0x0;
	s20 =	sshll.u32 s7, $0x1;
	s7 =	sadd.s32 s21, s5  }
0xa3: {  	[timem:s9], [sflag:s22] =	dma.local [hbm:s7], s20  }
0xa4: {  	_ =	swait.ge [sflag:s22], s20  }
0xa5: {  	s6 =	ssub.s32 $0x0, s20;
	[sflag:s22] =	ssyncset.done $0x0  }
0xa6: {  	[sflag:s22] =	ssyncadd.s32 s6;
	_ =	sdelay $0x1  }
0xa7: {  	s23 =	simm.s32 $0x1B8B  }
0xa8: {  	_ =	swait.ge [sflag:s23], $0x1  }
0xa9: {  	[sflag:s23] =	ssyncset.done $0x0  }
0xaa: {  	s25 =	simm.s32 $0x1B8E;
	s24 =	sld [smem:$0x3FFE];
	[sflag:s23] =	ssyncadd.s32 $0xFFFFFFFF  }
0xab: {  	s26 =	simm.s32 $execute0_lowered;
	[smem:$0x3FD2] =	sst s25  }
0xac: {  	s7 =	sshll.u32 s26, $0x1;
	_ =	strace $0x80000046;
	[dreg:$0x1] =	wrdreg $0xFFFFFFFF  }
0xad: {  	s28 =	simm.s32 $_size_execute0_lowered;
	s5 =	sadd.s32 s5, s7;
	[dreg:$0x0] =	wrdreg $0x0  }
0xae: {  	s7 =	sshll.u32 s28, $0x1;
	[dreg:$0x2] =	wrdreg s5  }
0xaf: {  	[dreg:$0x3] =	wrdreg s7  }
0xb0: {  	[dreg:$0x4] =	wrdreg $0xC0  }
0xb1: {  	_ =	task [dreg:s9], $0x5FFFF  }
0xb2: {  	[dreg:$0x1] =	wrdreg $0xFFFFFFFF  }
0xb3: {  	[dreg:$0x0] =	wrdreg $0x60  }
0xb4: {  	[dreg:$0x2] =	wrdreg s24  }
0xb5: {  	[dreg:$0x3] =	wrdreg s15  }
0xb6: {  	[dreg:$0x4] =	wrdreg s16  }
0xb7: {  	[dreg:$0x5] =	wrdreg s17  }
0xb8: {  	[dreg:$0x6] =	wrdreg $0xA8800  }
0xb9: {  	[dreg:$0x7] =	wrdreg $0x9  }
0xba: {  	_ =	task.clear_ibuf [dreg:s9], $0x8FFFF;
	_ =	strace $0x90000046  }
0xbb: {  	s29 =	simm.s32 $0x9;
	_ =	strace $0x80000048  }
0xbc: {  	_ =	swait.ge [sflag:s29], $0x1  }
0xbd: {  	[sflag:s29] =	ssyncadd.s32 $0xFFFFFFFF  }
0xbe: {  	_ =	strace $0x90000048  }
0xbf: {  	_ =	sfence  }
0xc0: {  	s30 =	sld [smem:$0x0];
	_ =	sdelay $0x2  }
0xc1: {  	s31 =	sshll.u32 s1, $0xD;
	s1 =	sshrl.u32 s1, $0x2  }
0xc2: {  	s3 =	sand.u32 $0x4000, s31;
	s1 =	sadd.s32 s1, s30  }
0xc3: {  	s0 =	sor.u32 s3, s0;
	s1 =	sshll.u32 s1, $0x11  }
0xc4: {  	s0 =	sor.u32 s1, s0  }
0xc5: {  	s0 =	sadd.s32 $0x8F2B, s0  }
0xc6: {  	[sflag:s0] =	ssyncadd.remote.s32 $0x1  }
0xc7: {  	_ =	sfence.sel $0xFFFF  }
0xc8: {  	[dreg:$0x0] =	wrdreg $0xFFFFFFFF;
	(pc) =	sbr.abs _section_cstart, $3  }
0xc9: {  	[dreg:$0x1] =	wrdreg $0xFFFFFFFF  }
0xca: {  	_ =	task.clear_ibuf [dreg:s9], $0x2FFFF;
	_ =	strace $0x9FFFFFFF  }
0xcb: {  	(tm) =	ssettm $0x7FFFFFFF  }
tec
execute0_lowered:
.L_overlay_start_1:
0x0: {  	(tag) =	ssettag $0x1  }
0x1: {  	s0 =	rddreg [dreg:$0x0]  }
0x2: {  	s1 =	rddreg [dreg:$0x1]  }
0x3: {  	s2 =	rddreg [dreg:$0x2]  }
0x4: {  	s4 =	rddreg [dreg:$0x3]  }
0x5: {  	s3 =	rddreg [dreg:$0x4];
	s5 =	srdreg.scid  }
0x6: {  	s22 =	stileid.u32;
	s30 =	simm.s32 $0x8080;
	s31 =	simm.s32 $0x2  }
0x7: {  	s7 =	sand.u32 $0x1, s5;
	s5 =	simm.s32 $0x0;
	s20 =	smul.u32 $0x50000, s22  }
0x8: {  	s12 =	smul.u32 $0x14000, s22;
	p0 =	seq.s32 s22, $0xF;
	s6 =	sshll.u32 s7, $0x4  }
0x9: {  	[smem:$0x7FF] =	sst s5;
	s9 =	ssub.s32 $0x2, s7;
	s15 =	smul.u32 $0x138800, s7  }
0xa: {  	s11 =	sor.u32 s22, s6;
	_ =	strace $0x80000047;
	s10 =	sshrl.u32 s9, $0x1  }
0xb: {  	s6 =	sshrl.u32 s20, $0x2;
	s21 =	sor.u32 $0x2800, s12;
	s14 =	sadd.s32 $0x5000, s12  }
0xc: {  	s16 =	sadd.s32 $0x7800, s12;
	s18 =	sadd.s32 $0xA000, s12;
	s8 =	sshll.u32 s11, $0xB  }
0xd: {  	s13 =	ssub.s32 s9, s10;
	s6 =	sadd.s32 s6, s3;
	s7 =	sadd.s32 s21, s3  }
0xe: {  	s9 =	sadd.s32 s16, s3;
	s17 =	sadd.s32 s12, s15;
	s10 =	sadd.s32 s15, s21  }
0xf: {  	s16 =	sadd.s32 s15, s16;
	s24 =	sadd.s32 s15, s18;
	s21 =	smul.u32 $0x2710, s11  }
0x10: {  	s0 =	sadd.s32 s8, s0;
	s8 =	sadd.s32 s14, s3;
	s17 =	sshrl.u32 s17, $0x3  }
0x11: {  	s19 =	sshrl.u32 s10, $0x3;
	s10 =	sadd.s32 s18, s3;
	s14 =	sadd.s32 s15, s14  }
0x12: {  	s16 =	sshrl.u32 s16, $0x3;
	s22 =	smax.u32 s13, $0x1;
	s28 =	sadd.s32 $0xF000, s6  }
0x13: {  	s29 =	sadd.s32 $0x11800, s6;
	s17 =	sadd.s32 s4, s17;
	s23 =	sadd.s32 s4, s19  }
0x14: {  	s14 =	sshrl.u32 s14, $0x3;
	s25 =	sadd.s32 s4, s16;
	s16 =	sadd.s32 $0xC800, s12  }
0x15: {  	s19 =	sadd.s32 $0xF000, s12;
	s12 =	sadd.s32 $0x11800, s12;
	[dreg:$0x6] =	wrdreg s17  }
0x16: {  	s20 =	sadd.s32 $0x2000, s0;
	[dreg:$0x7] =	wrdreg s23;
	s17 =	sshrl.u32 s24, $0x3  }
0x17: {  	s14 =	sadd.s32 s4, s14;
	[dreg:$0x9] =	wrdreg s25;
	s23 =	sadd.s32 s15, s16  }
0x18: {  	s24 =	sadd.s32 s15, s19;
	s15 =	sadd.s32 s15, s12;
	s11 =	sadd.s32 s12, s3  }
0x19: {  	[dreg:$0x8] =	wrdreg s14;
	s26 =	sadd.s32 s4, s17;
	s17 =	sshrl.u32 s23, $0x3  }
0x1a: {  	s18 =	sshrl.u32 s24, $0x3;
	[dreg:$0xa] =	wrdreg s26;
	s17 =	sadd.s32 s4, s17  }
0x1b: {  	s15 =	sshrl.u32 s15, $0x3;
	s25 =	sadd.s32 s4, s18;
	[dreg:$0xb] =	wrdreg s17  }
0x1c: {  	s12 =	simm.s32 $0x0;
	s4 =	sadd.s32 s4, s15;
	[dreg:$0xc] =	wrdreg s25  }
0x1d: {  	s26 =	sadd.s32 $0x12000, s0;
	s0 =	sadd.s32 s16, s3;
	[dreg:$0xd] =	wrdreg s4  }
0x1e: {  	[dreg:$0xe] =	wrdreg s26;
	s4 =	sadd.s32 s19, s3;
	s23 =	sshrl.u32 @!p0 s0, $0x3  }
0x1f: {  	s25 =	sshrl.u32 @!p0 s11, $0x3;
	s26 =	sadd.s32 $0xC800, s6;
	s0 =	simm.s32 $0x8000  }
0x20: {  	v0 =	vimm.f32 $0.0e+00;
	s11 =	simm.s32 $0x1;
	s24 =	sshrl.u32 @!p0 s4, $0x3;
	s4 =	simm.s32 $0x50  }
.LBB2_1:
0x21: {  	s13 =	simm.s32 $0x0;
	s14 =	simm.s32 $0x200  }
.LBB2_2:
0x22: {  	p1 =	sne.s32 s14, $0x9E00;
	[tilespmem:s13+$0x80F0] =	vst v0  }
0x23: {  	[tilespmem:s13+$0x8080] =	vst v0  }
0x24: {  	[tilespmem:s13+$0x8090] =	vst v0  }
.Ltmp0:
0x25: {  	[tilespmem:s13+$0x80A0] =	vst v0;
	(pc) =	sbr.rel @p1 .LBB2_2-.Ltmp0, $4  }
0x26: {  	[tilespmem:s13+$0x80B0] =	vst v0  }
0x27: {  	[tilespmem:s13+$0x80C0] =	vst v0  }
0x28: {  	[tilespmem:s13+$0x80D0] =	vst v0  }
0x29: {  	[tilespmem:s13+$0x80E0] =	vst v0;
	s13 =	sshra.s32 s14, $0x2;
	s14 =	sadd.s32 $0x200, s14  }
0x2a: {  	[tilespmem:s13+$0x80F0] =	vst v0  }
0x2b: {  	[tilespmem:s13+$0x8080] =	vst v0  }
0x2c: {  	[tilespmem:s13+$0x8090] =	vst v0  }
0x2d: {  	[tilespmem:s13+$0x80A0] =	vst v0  }
0x2e: {  	[tilespmem:s13+$0x80B0] =	vst v0  }
0x2f: {  	[tilespmem:s13+$0x80C0] =	vst v0  }
0x30: {  	[tilespmem:s13+$0x80D0] =	vst v0  }
0x31: {  	[tilespmem:s13+$0x80E0] =	vst v0  }
0x32: {  	[spmem:s6] =	stream.linear.scatter [tilespmem:s30], [sflag:$0x2], $0x2800, $0x38;
	[tilespmem:$0x1E100] =	vst v63  }
0x33: {  	_ =	swait.ge [sflag:s31], $0x2800  }
0x34: {  	[sflag:s31] =	ssyncset.done $0x0  }
0x35: {  	[sflag:s31] =	ssyncadd.s32 $0xFFFFD800  }
0x36: {  	[spmem:s7] =	stream.linear.scatter [tilespmem:s30], [sflag:$0x2], $0x2800, $0x38;
	[tilespmem:$0x1E100] =	vst v63  }
0x37: {  	_ =	swait.ge [sflag:s31], $0x2800  }
0x38: {  	[sflag:s31] =	ssyncset.done $0x0  }
0x39: {  	[sflag:s31] =	ssyncadd.s32 $0xFFFFD800  }
0x3a: {  	[spmem:s8] =	stream.linear.scatter [tilespmem:s30], [sflag:$0x2], $0x2800, $0x38;
	[tilespmem:$0x1E100] =	vst v63  }
0x3b: {  	_ =	swait.ge [sflag:s31], $0x2800  }
0x3c: {  	[sflag:s31] =	ssyncset.done $0x0  }
0x3d: {  	[sflag:s31] =	ssyncadd.s32 $0xFFFFD800  }
0x3e: {  	[spmem:s9] =	stream.linear.scatter [tilespmem:s30], [sflag:$0x2], $0x2800, $0x38;
	[tilespmem:$0x1E100] =	vst v63  }
0x3f: {  	_ =	swait.ge [sflag:s31], $0x2800  }
0x40: {  	[sflag:s31] =	ssyncset.done $0x0  }
0x41: {  	[sflag:s31] =	ssyncadd.s32 $0xFFFFD800  }
0x42: {  	[spmem:s10] =	stream.linear.scatter [tilespmem:s30], [sflag:$0x2], $0x2800, $0x38;
	[tilespmem:$0x1E100] =	vst v63  }
0x43: {  	_ =	swait.ge [sflag:s31], $0x2800  }
0x44: {  	[sflag:s31] =	ssyncset.done $0x0  }
0x45: {  	s13 =	simm.s32 @!p0 $0x8080;
	s14 =	simm.s32 @!p0 $0x2;
	[sflag:s31] =	ssyncadd.s32 $0xFFFFD800  }
0x46: {  	[spmem:s26] =	stream.linear.scatter @!p0 [tilespmem:s13], [sflag:$0x2], $0x2800, $0x38;
	[tilespmem:$0x1E100] =	vst v63  }
0x47: {  	_ =	swait.ge @!p0 [sflag:s14], $0x2800  }
0x48: {  	[sflag:s14] =	ssyncset.done @!p0 $0x0  }
0x49: {  	[sflag:s14] =	ssyncadd.s32 @!p0 $0xFFFFD800  }
0x4a: {  	[spmem:s28] =	stream.linear.scatter @!p0 [tilespmem:s13], [sflag:$0x2], $0x2800, $0x38;
	[tilespmem:$0x1E100] =	vst v63  }
0x4b: {  	_ =	swait.ge @!p0 [sflag:s14], $0x2800  }
0x4c: {  	[sflag:s14] =	ssyncset.done @!p0 $0x0  }
0x4d: {  	[sflag:s14] =	ssyncadd.s32 @!p0 $0xFFFFD800  }
0x4e: {  	[spmem:s29] =	stream.linear.scatter @!p0 [tilespmem:s13], [sflag:$0x2], $0x2800, $0x38;
	[tilespmem:$0x1E100] =	vst v63  }
0x4f: {  	_ =	swait.ge @!p0 [sflag:s14], $0x2800  }
0x50: {  	[sflag:s14] =	ssyncset.done @!p0 $0x0  }
0x51: {  	[sflag:s14] =	ssyncadd.s32 @!p0 $0xFFFFD800  }
0x52: {  	[bflag:$0x0] =	sbarrier.arrive $0xFFFF  }
0x53: {  	s13 =	simm.s32 $0x0;
	s18 =	rddreg [dreg:$0xe]  }
0x54: {  	[tilespmem:s13], [sflag:$0x2] =	stream.linear.gather [hbm4b:s18+s13], $0x3E80, $0x38;
	[tilespmem:$0x1E100] =	vst v63  }
0x55: {  	_ =	swait.ge [sflag:s31], $0x3E80  }
0x56: {  	[sflag:s31] =	ssyncset.done $0x0  }
0x57: {  	s19 =	simm.s32 $0x4000;
	[sflag:s31] =	ssyncadd.s32 $0xFFFFC180  }
0x58: {  	[tilespmem:s19], [sflag:$0x2] =	stream.linear.gather [hbm4b:s20+s13], $0x3E80, $0x38;
	[tilespmem:$0x1E100] =	vst v63  }
0x59: {  	_ =	swait.ge [sflag:s31], $0x3E80  }
0x5a: {  	[sflag:s31] =	ssyncset.done $0x0  }
0x5b: {  	[sflag:s31] =	ssyncadd.s32 $0xFFFFC180  }
.LBB2_4:
0x5c: {  	s14 =	smul.u32 $0x50, s13;
	_ =	sdelay $0x1  }
0x5d: {  	s14 =	sadd.s32 s21, s14  }
0x5e: {  	s14 =	sshrl.u32 s14, $0x3  }
0x5f: {  	s18 =	simm.s32 $0x0;
	s14 =	sadd.s32 s1, s14  }
0x60: {  	[tilespmem:s0], [sflag:$0x2] =	stream.linear.gather [hbm4b:s14+s5], $0x50, $0x38;
	[tilespmem:$0x1E100] =	vst v63  }
0x61: {  	v1 =	vmov s18;
	_ =	swait.ge [sflag:s31], $0x50  }
0x62: {  	v1 =	vand.u32 $0xFFFFFFFC, v1;
	[sflag:s31] =	ssyncset.done $0x0  }
0x63: {  	v1 =	vbroadcast v1, $0x0;
	s14 =	sshll.u32 s13, $0x7;
	[sflag:s31] =	ssyncadd.s32 $0xFFFFFFB0  }
0x64: {  	[tilespmem:s30], [sflag:$0x1] =	stream.indirect.gather [hbm4b:s2+s4], $0x80, s14, s4, $0xb8;
	[tilespmem:$0x1E100] =	vst v63  }
0x65: {  	_ =	swait.ge [sflag:s11], $0x2800  }
0x66: {  	[sflag:s11] =	ssyncset.done $0x0  }
0x67: {  	s15 =	simm.s32 $0x8180;
	[sflag:s11] =	ssyncadd.s32 $0xFFFFD800  }
0x68: {  	v3 =	vld [tilespmem:s15+$0xFFFFFF70]  }
0x69: {  	v1 =	vld.idx.msk [tilespmem:v1+s0+$0x0], $0xffff  }
0x6a: {  	v4 =	vld [tilespmem:s15+$0xFFFFFF00]  }
0x6b: {  	v5 =	vld [tilespmem:s15+$0xFFFFFF20]  }
0x6c: {  	v6 =	vld [tilespmem:s15+$0xFFFFFF30]  }
0x6d: {  	v2 =	vld [tilespmem:s15+$0xFFFFFF50]  }
0x6e: {  	v8 =	vld [tilespmem:s15+$0xFFFFFF10];
	v3 =	vmul.f32 v3, v1  }
0x6f: {  	s16 =	simm.s32 $0x1;
	v7 =	vld [tilespmem:s15+$0xFFFFFF60];
	v4 =	vmul.f32 v4, v1  }
0x70: {  	v9 =	vld [tilespmem:s15+$0xFFFFFF40];
	v5 =	vmul.f32 v5, v1;
	[tilespmem:s15+$0xFFFFFF70] =	vst v3;
	v3 =	vmov s16  }
0x71: {  	v6 =	vmul.f32 v6, v1;
	[tilespmem:s15+$0xFFFFFF00] =	vst v4;
	v3 =	vand.u32 $0xFFFFFFFD, v3  }
0x72: {  	v2 =	vmul.f32 v2, v1;
	[tilespmem:s15+$0xFFFFFF20] =	vst v5;
	v3 =	vbroadcast v3, $0x0  }
0x73: {  	v4 =	vmul.f32 v8, v1;
	[tilespmem:s15+$0xFFFFFF30] =	vst v6  }
0x74: {  	v5 =	vmul.f32 v7, v1;
	[tilespmem:s15+$0xFFFFFF50] =	vst v2  }
0x75: {  	v1 =	vmul.f32 v9, v1;
	[tilespmem:s15+$0xFFFFFF10] =	vst v4  }
0x76: {  	[tilespmem:s15+$0xFFFFFF60] =	vst v5  }
0x77: {  	[tilespmem:s15+$0xFFFFFF40] =	vst v1;
	v1 =	vld [tilespmem:s15+$0xFFFFFF80]  }
0x78: {  	v3 =	vld.idx.msk [tilespmem:v3+s0+$0x0], $0xffff  }
0x79: {  	v2 =	vld [tilespmem:s15+$0xFFFFFFA0]  }
0x7a: {  	v4 =	vld [tilespmem:s15+$0xFFFFFF90]  }
0x7b: {  	v5 =	vld [tilespmem:s15+$0xFFFFFFD0]  }
0x7c: {  	v6 =	vld [tilespmem:s15+$0xFFFFFFE0]  }
0x7d: {  	v7 =	vld [tilespmem:s15+$0xFFFFFFF0];
	v1 =	vmul.f32 v1, v3  }
0x7e: {  	s19 =	simm.s32 $0x2;
	v8 =	vld [tilespmem:s15+$0xFFFFFFB0];
	v2 =	vmul.f32 v2, v3  }
0x7f: {  	v63 =	vld [tilespmem:s15+$0xFFFFFFC0];
	v4 =	vmul.f32 v4, v3;
	[tilespmem:s15+$0xFFFFFF80] =	vst v1;
	v1 =	vmov s19  }
0x80: {  	v5 =	vmul.f32 v5, v3;
	[tilespmem:s15+$0xFFFFFFA0] =	vst v2;
	v1 =	vand.u32 $0xFFFFFFFE, v1  }
0x81: {  	v2 =	vmul.f32 v6, v3;
	[tilespmem:s15+$0xFFFFFF90] =	vst v4;
	v4 =	vbroadcast v1, $0x0  }
0x82: {  	v6 =	vmul.f32 v7, v3;
	[tilespmem:s15+$0xFFFFFFD0] =	vst v5;
	v7 =	vld [tilespmem:s15+$0x30]  }
0x83: {  	v5 =	vmul.f32 v8, v3;
	v1 =	vld [tilespmem:s15+$0x40];
	[tilespmem:s15+$0xFFFFFFE0] =	vst v2  }
0x84: {  	v3 =	vmul.f32 v63, v3;
	v2 =	vld [tilespmem:s15+$0x70];
	[tilespmem:s15+$0xFFFFFFF0] =	vst v6  }
0x85: {  	[tilespmem:s15+$0xFFFFFFB0] =	vst v5;
	v5 =	vld [tilespmem:s15+$0x20]  }
0x86: {  	[tilespmem:s15+$0xFFFFFFC0] =	vst v3;
	v6 =	vld [tilespmem:s15+$0x0]  }
0x87: {  	v3 =	vld.idx.msk [tilespmem:v4+s0+$0x0], $0xffff  }
0x88: {  	s17 =	simm.s32 $0x7;
	s18 =	simm.s32 $0x8180;
	s16 =	simm.s32 $0x3;
	v4 =	vld [tilespmem:s15+$0x10]  }
.LBB2_5:
0x89: {  	p1 =	sne.s32 s17, $0x4F  }
0x8a: {  	v8 =	vld [tilespmem:s15+$0x50];
	s18 =	sadd.s32 $0x200, s18;
	s19 =	smov.u32 s17;
	s17 =	sadd.s32 $0x4, s17  }
0x8b: {  	v9 =	vld [tilespmem:s15+$0x60];
	_ =	sdelay $0x1  }
0x8c: {  	v6 =	vmul.f32 v6, v3;
	v4 =	vmul.f32 v4, v3  }
0x8d: {  	v5 =	vmul.f32 v5, v3;
	v7 =	vmul.f32 v7, v3  }
0x8e: {  	v1 =	vmul.f32 v1, v3;
	v2 =	vmul.f32 v2, v3;
	[tilespmem:s15+$0x0] =	vst v6  }
0x8f: {  	[tilespmem:s15+$0x20] =	vst v5;
	v5 =	vmul.f32 v8, v3;
	v3 =	vmul.f32 v9, v3  }
0x90: {  	[tilespmem:s15+$0x30] =	vst v7;
	v6 =	vld [tilespmem:s15+$0x80]  }
0x91: {  	[tilespmem:s15+$0x60] =	vst v3;
	v3 =	vmov s16;
	v7 =	vld [tilespmem:s15+$0xD0];
	s16 =	smov.u32 s19  }
0x92: {  	[tilespmem:s15+$0x50] =	vst v5;
	v5 =	vld [tilespmem:s15+$0xE0]  }
0x93: {  	[tilespmem:s15+$0x40] =	vst v1;
	v8 =	vld [tilespmem:s15+$0xB0]  }
0x94: {  	v1 =	vld [tilespmem:s18+$0x40];
	[tilespmem:s15+$0x70] =	vst v2  }
0x95: {  	v2 =	vld [tilespmem:s18+$0x70];
	[tilespmem:s15+$0x10] =	vst v4  }
0x96: {  	v3 =	vld.idx.msk [tilespmem:v3+s0+$0x0], $0xffff  }
0x97: {  	v4 =	vld [tilespmem:s15+$0x90]  }
0x98: {  	v9 =	vld [tilespmem:s15+$0xA0]  }
0x99: {  	v10 =	vld [tilespmem:s15+$0xC0]  }
0x9a: {  	v11 =	vld [tilespmem:s15+$0xF0];
	_ =	sdelay $0x1  }
0x9b: {  	v6 =	vmul.f32 v6, v3;
	v4 =	vmul.f32 v4, v3  }
0x9c: {  	s19 =	sadd.s32 $0xFFFFFFFD, s16;
	v8 =	vmul.f32 v8, v3;
	v9 =	vmul.f32 v9, v3  }
0x9d: {  	v12 =	vmov s19;
	v7 =	vmul.f32 v7, v3;
	[tilespmem:s15+$0x80] =	vst v6;
	v6 =	vmul.f32 v10, v3  }
0x9e: {  	v10 =	vand.u32 $0xFFFFFFFC, v12;
	[tilespmem:s15+$0x90] =	vst v4;
	v4 =	vmul.f32 v5, v3;
	v3 =	vmul.f32 v11, v3  }
0x9f: {  	v5 =	vbroadcast v10, $0x0;
	[tilespmem:s15+$0xA0] =	vst v9  }
0xa0: {  	[tilespmem:s15+$0xD0] =	vst v7  }
0xa1: {  	v7 =	vld [tilespmem:s18+$0xFFFFFF50];
	[tilespmem:s15+$0xB0] =	vst v8  }
0xa2: {  	v8 =	vld [tilespmem:s18+$0xFFFFFF30];
	[tilespmem:s15+$0xC0] =	vst v6  }
0xa3: {  	v6 =	vld [tilespmem:s18+$0xFFFFFF60];
	[tilespmem:s15+$0xE0] =	vst v4  }
0xa4: {  	v4 =	vld [tilespmem:s18+$0xFFFFFF70];
	[tilespmem:s15+$0xF0] =	vst v3;
	s15 =	smov.u32 s18  }
0xa5: {  	v3 =	vld.idx.msk [tilespmem:v5+s0+$0x0], $0xffff  }
0xa6: {  	v5 =	vld [tilespmem:s18+$0xFFFFFF00]  }
0xa7: {  	v9 =	vld [tilespmem:s18+$0xFFFFFF20]  }
0xa8: {  	v10 =	vld [tilespmem:s18+$0xFFFFFF10]  }
0xa9: {  	v11 =	vld [tilespmem:s18+$0xFFFFFF40];
	_ =	sdelay $0x1  }
0xaa: {  	v4 =	vmul.f32 v4, v3;
	v5 =	vmul.f32 v5, v3  }
0xab: {  	s19 =	sadd.s32 $0xFFFFFFFE, s16;
	v6 =	vmul.f32 v6, v3;
	v9 =	vmul.f32 v9, v3  }
0xac: {  	v8 =	vmul.f32 v8, v3;
	v10 =	vmul.f32 v10, v3;
	[tilespmem:s18+$0xFFFFFF70] =	vst v4;
	v4 =	vmov s19  }
0xad: {  	[tilespmem:s18+$0xFFFFFF00] =	vst v5;
	v5 =	vmul.f32 v11, v3;
	v3 =	vmul.f32 v7, v3;
	v4 =	vand.u32 $0xFFFFFFFD, v4  }
0xae: {  	[tilespmem:s18+$0xFFFFFF20] =	vst v9;
	v4 =	vbroadcast v4, $0x0  }
0xaf: {  	[tilespmem:s18+$0xFFFFFF30] =	vst v8  }
0xb0: {  	[tilespmem:s18+$0xFFFFFF50] =	vst v3;
	v3 =	vld [tilespmem:s18+$0xFFFFFFF0]  }
0xb1: {  	[tilespmem:s18+$0xFFFFFF10] =	vst v10;
	v7 =	vld [tilespmem:s18+$0xFFFFFFD0]  }
0xb2: {  	[tilespmem:s18+$0xFFFFFF60] =	vst v6;
	v6 =	vld [tilespmem:s18+$0xFFFFFFB0]  }
0xb3: {  	[tilespmem:s18+$0xFFFFFF40] =	vst v5;
	v5 =	vld [tilespmem:s18+$0xFFFFFF90]  }
0xb4: {  	v4 =	vld.idx.msk [tilespmem:v4+s0+$0x0], $0xffff  }
0xb5: {  	v8 =	vld [tilespmem:s18+$0xFFFFFF80]  }
0xb6: {  	v9 =	vld [tilespmem:s18+$0xFFFFFFA0]  }
0xb7: {  	v10 =	vld [tilespmem:s18+$0xFFFFFFC0]  }
0xb8: {  	v11 =	vld [tilespmem:s18+$0xFFFFFFE0];
	_ =	sdelay $0x1  }
0xb9: {  	v5 =	vmul.f32 v5, v4;
	v8 =	vmul.f32 v8, v4  }
0xba: {  	s19 =	sadd.s32 $0xFFFFFFFF, s16;
	v6 =	vmul.f32 v6, v4;
	v9 =	vmul.f32 v9, v4  }
0xbb: {  	v7 =	vmul.f32 v7, v4;
	[tilespmem:s18+$0xFFFFFF80] =	vst v8;
	v8 =	vmul.f32 v10, v4;
	v10 =	vmov s19  }
0xbc: {  	v3 =	vmul.f32 v3, v4;
	[tilespmem:s18+$0xFFFFFFA0] =	vst v9;
	v9 =	vmul.f32 v11, v4;
	v4 =	vand.u32 $0xFFFFFFFE, v10  }
0xbd: {  	[tilespmem:s18+$0xFFFFFF90] =	vst v5;
	v4 =	vbroadcast v4, $0x0  }
0xbe: {  	[tilespmem:s18+$0xFFFFFFD0] =	vst v7  }
0xbf: {  	[tilespmem:s18+$0xFFFFFFE0] =	vst v9  }
0xc0: {  	[tilespmem:s18+$0xFFFFFFB0] =	vst v6  }
.Ltmp1:
0xc1: {  	[tilespmem:s18+$0xFFFFFFF0] =	vst v3;
	v5 =	vld [tilespmem:s18+$0x20];
	(pc) =	sbr.rel @p1 .LBB2_5-.Ltmp1, $4  }
0xc2: {  	[tilespmem:s18+$0xFFFFFFC0] =	vst v8;
	v6 =	vld [tilespmem:s18+$0x0]  }
0xc3: {  	v3 =	vld.idx.msk [tilespmem:v4+s0+$0x0], $0xffff  }
0xc4: {  	v4 =	vld [tilespmem:s18+$0x10]  }
0xc5: {  	v7 =	vld [tilespmem:s18+$0x30]  }
0xc6: {  	_ =	sdelay $0x1  }
0xc7: {  	v8 =	vld [tilespmem:s15+$0x60];
	v6 =	vmul.f32 v6, v3  }
0xc8: {  	v9 =	vld [tilespmem:s15+$0x50];
	v5 =	vmul.f32 v5, v3  }
0xc9: {  	v1 =	vmul.f32 v1, v3;
	[tilespmem:s15+$0x0] =	vst v6  }
0xca: {  	v2 =	vmul.f32 v2, v3;
	[tilespmem:s15+$0x20] =	vst v5  }
0xcb: {  	v7 =	vmul.f32 v7, v3;
	[tilespmem:s15+$0x40] =	vst v1  }
0xcc: {  	v57 =	vmov s16;
	[tilespmem:s15+$0x70] =	vst v2;
	v54 =	vmul.f32 v8, v3  }
0xcd: {  	v55 =	vmul.f32 v9, v3;
	[tilespmem:s15+$0x30] =	vst v7  }
0xce: {  	v3 =	vmul.f32 v4, v3;
	[tilespmem:s15+$0x60] =	vst v54  }
0xcf: {  	[tilespmem:s15+$0x50] =	vst v55  }
0xd0: {  	v56 =	vld [tilespmem:s15+$0x80];
	[tilespmem:s15+$0x10] =	vst v3  }
0xd1: {  	v1 =	vld.idx.msk [tilespmem:v57+s0+$0x0], $0xffff  }
0xd2: {  	v2 =	vld [tilespmem:s15+$0x90]  }
0xd3: {  	v3 =	vld [tilespmem:s15+$0xA0]  }
0xd4: {  	v58 =	vld [tilespmem:s15+$0xD0]  }
0xd5: {  	v61 =	vld [tilespmem:s15+$0xE0]  }
0xd6: {  	v59 =	vld [tilespmem:s15+$0xB0];
	v7 =	vmul.f32 v56, v1  }
0xd7: {  	v60 =	vld [tilespmem:s15+$0xC0];
	v2 =	vmul.f32 v2, v1  }
0xd8: {  	v62 =	vld [tilespmem:s15+$0xF0];
	v3 =	vmul.f32 v3, v1;
	[tilespmem:s15+$0x80] =	vst v7  }
0xd9: {  	v4 =	vmul.f32 v58, v1;
	[tilespmem:s15+$0x90] =	vst v2  }
0xda: {  	v63 =	vmul.f32 v61, v1;
	[tilespmem:s15+$0xA0] =	vst v3  }
0xdb: {  	v2 =	vmul.f32 v59, v1;
	[tilespmem:s15+$0xD0] =	vst v4  }
0xdc: {  	v3 =	vmul.f32 v60, v1;
	[tilespmem:s15+$0xE0] =	vst v63  }
0xdd: {  	s13 =	sadd.s32 $0x1, s13;
	v1 =	vmul.f32 v62, v1;
	[tilespmem:s15+$0xB0] =	vst v2  }
0xde: {  	p1 =	sne.s32 s13, $0x7D;
	[tilespmem:s15+$0xC0] =	vst v3  }
.Ltmp2:
0xdf: {  	s14 =	sadd.s32 $0x4000, s14;
	[tilespmem:s15+$0xF0] =	vst v1;
	(pc) =	sbr.rel @p1 .LBB2_4-.Ltmp2, $4  }
0xe0: {  	[spmem:s3] =	stream.indirect.scatter.add.f32 [tilespmem:s30], [sflag:$0x2], $0x80, s14, s4, $0xb8;
	[tilespmem:$0x1E100] =	vst v63  }
0xe1: {  	_ =	swait.ge [sflag:s31], $0x2800  }
0xe2: {  	[sflag:s31] =	ssyncset.done $0x0  }
0xe3: {  	[sflag:s31] =	ssyncadd.s32 $0xFFFFD800  }
0xe4: {  	s13 =	stileid.u32  }
0xe5: {  	[bflag:$0x0] =	sbarrier.arrive $0xFFFF;
	s13 =	sshll.u32 s13, $0x6  }
0xe6: {  	s14 =	sshrl.u32 s6, $0x3;
	s15 =	rddreg [dreg:$0x6];
	s13 =	sor.u32 $0x1C02, s13  }
0xe7: {  	[hbm:s15], [sflag:s13] =	dma.local [spmem:s14], $0x500  }
0xe8: {  	_ =	swait.ge [sflag:s31], $0x500  }
0xe9: {  	[sflag:s31] =	ssyncset.done $0x0  }
0xea: {  	s16 =	sshrl.u32 s7, $0x3;
	s17 =	rddreg [dreg:$0x7];
	[sflag:s31] =	ssyncadd.s32 $0xFFFFFB00  }
0xeb: {  	[hbm:s17], [sflag:s13] =	dma.local [spmem:s16], $0x500  }
0xec: {  	_ =	swait.ge [sflag:s31], $0x500  }
0xed: {  	[sflag:s31] =	ssyncset.done $0x0  }
0xee: {  	s18 =	sshrl.u32 s8, $0x3;
	s19 =	rddreg [dreg:$0x8];
	[sflag:s31] =	ssyncadd.s32 $0xFFFFFB00  }
0xef: {  	[hbm:s19], [sflag:s13] =	dma.local [spmem:s18], $0x500  }
0xf0: {  	_ =	swait.ge [sflag:s31], $0x500  }
0xf1: {  	[sflag:s31] =	ssyncset.done $0x0  }
0xf2: {  	s16 =	sshrl.u32 s9, $0x3;
	s17 =	rddreg [dreg:$0x9];
	[sflag:s31] =	ssyncadd.s32 $0xFFFFFB00  }
0xf3: {  	[hbm:s17], [sflag:s13] =	dma.local [spmem:s16], $0x500  }
0xf4: {  	_ =	swait.ge [sflag:s31], $0x500  }
0xf5: {  	[sflag:s31] =	ssyncset.done $0x0  }
0xf6: {  	s18 =	sshrl.u32 s10, $0x3;
	s19 =	rddreg [dreg:$0xa];
	[sflag:s31] =	ssyncadd.s32 $0xFFFFFB00  }
0xf7: {  	[hbm:s19], [sflag:s13] =	dma.local [spmem:s18], $0x500  }
0xf8: {  	_ =	swait.ge [sflag:s31], $0x500  }
0xf9: {  	[sflag:s31] =	ssyncset.done $0x0  }
0xfa: {  	s14 =	rddreg [dreg:$0xb];
	[sflag:s31] =	ssyncadd.s32 $0xFFFFFB00  }
0xfb: {  	[hbm:s14], [sflag:s13] =	dma.local @!p0 [spmem:s23], $0x500  }
0xfc: {  	s14 =	simm.s32 @!p0 $0x2  }
0xfd: {  	_ =	swait.ge @!p0 [sflag:s14], $0x500  }
0xfe: {  	[sflag:s14] =	ssyncset.done @!p0 $0x0  }
0xff: {  	s15 =	rddreg [dreg:$0xc];
	[sflag:s14] =	ssyncadd.s32 @!p0 $0xFFFFFB00  }
0x100: {  	[hbm:s15], [sflag:s13] =	dma.local @!p0 [spmem:s24], $0x500  }
0x101: {  	s12 =	sadd.s32 $0x1, s12;
	_ =	swait.ge @!p0 [sflag:s14], $0x500  }
0x102: {  	p1 =	sne.s32 s12, s22;
	[sflag:s14] =	ssyncset.done @!p0 $0x0  }
.Ltmp3:
0x103: {  	s15 =	rddreg [dreg:$0xd];
	[sflag:s14] =	ssyncadd.s32 @!p0 $0xFFFFFB00;
	(pc) =	sbr.rel @p1 .LBB2_1-.Ltmp3, $4  }
0x104: {  	[hbm:s15], [sflag:s13] =	dma.local @!p0 [spmem:s25], $0x500  }
0x105: {  	_ =	swait.ge @!p0 [sflag:s14], $0x500  }
0x106: {  	[sflag:s14] =	ssyncset.done @!p0 $0x0  }
0x107: {  	[sflag:s14] =	ssyncadd.s32 @!p0 $0xFFFFFB00  }
0x108: {  	_ =	sfence.sel $0x180000  }
0x109: {  	[bflag:$0x0] =	sbarrier.arrive $0xFFFF  }
0x10a: {  	_ =	strace $0x90000047  }
0x10b: {  	s0 =	stileid.u32;
	[bflag:$0x2] =	sbarrier.arrive $0xFFFF  }
0x10c: {  	p0 =	sne.s32 s0, $0x0;
	s0 =	rddreg [dreg:$0x5]  }
0x10d: {  	s0 =	sadd.s32 @!p0 $0x100000, s0  }
0x10e: {  	[sflag:s0] =	ssyncadd.tile.s32 @!p0 $0x1;
	_ =	shalt  }
.Lfunc_end2:
_tile_overlayer_lowered:
.L_overlay_start_2:
0x10f: {  	(tag) =	ssettag $0x2  }
0x110: {  	s0 =	rddreg [dreg:$0x0];
	s2 =	stileid.u32  }
0x111: {  	s1 =	rddreg [dreg:$0x1];
	p0 =	sne.s32 s2, $0x0  }
0x112: {  	s3 =	rddreg [dreg:$0x2];
	[bflag:$0x3] =	sbarrier.arrive $0xFFFF;
	s2 =	simm.s32 @!p0 $0x1C02  }
0x113: {  	[timem:s3], [sflag:s2] =	dma.local @!p0 [hbm:s0], s1  }
0x114: {  	s0 =	simm.s32 @!p0 $0x2  }
0x115: {  	_ =	swait.ge @!p0 [sflag:s0], s1  }
0x116: {  	s1 =	ssub.s32 @!p0 $0x0, s1;
	[sflag:s0] =	ssyncset.done @!p0 $0x0  }
0x117: {  	[sflag:s0] =	ssyncadd.s32 @!p0 s1  }
0x118: {  	[bflag:$0x3] =	sbarrier.arrive $0xFFFF  }
0x119: {  	_ =	shalt  }

</sc_bundles>
